<compile_context>
chip_gen: v7x
topology: tpu7x:2x2x1
jax: 0.10.2.dev20260603
libtpu: 0.0.44.dev20260713+nightly
codegen_flags: <defaults>
</compile_context>

<pallas_src>
import functools

import jax
import jax.numpy as jnp
from jax import lax
from jax.experimental import pallas as pl
from jax.experimental.pallas import tpu as pltpu
from jax.experimental.pallas import tpu_sc as plsc

N = 10000
D = 128
DOUT = 64
E = 320000

NC = 2
NS = 16
NW = NC * NS

CH = 128
NCH = 80
EPT = NCH * CH
EPAD = EPT * NW
NPAD = 10112
RPT = NPAD // NS
NRB = 3
NPH = 2
NCHP = NCH // NPH

_mesh = plsc.VectorSubcoreMesh(
    core_axis_name="c", subcore_axis_name="s", num_cores=NC, num_subcores=NS)


def _fill(ref, rows, width, value):
    vec = jnp.full((16,), value, jnp.float32)

    def row(r, carry):
        for k in range(width // 16):
            ref[r, pl.ds(k * 16, 16)] = vec
        return carry

    lax.fori_loop(0, rows, row, 0)


def _zero_rows(zsrc, dst_ref, r0):
    full, rem = RPT // CH, RPT % CH
    for k in range(full):
        pltpu.sync_copy(zsrc, dst_ref.at[pl.ds(r0 + k * CH, CH)])
    if rem:
        pltpu.sync_copy(zsrc.at[pl.ds(0, rem)],
                        dst_ref.at[pl.ds(r0 + full * CH, rem)])


def _deg_body(dst3, out_hbm, didx, ones, table, s0, s1, s2, s3):
    c = lax.axis_index("c")
    s = lax.axis_index("s")
    w = c * NS + s
    _fill(ones, CH, D, 0.0)
    r0 = s * RPT
    _zero_rows(ones, table, r0)
    _fill(ones, CH, D, 1.0)
    plsc.subcore_barrier()
    pltpu.sync_copy(dst3.at[w], didx)

    sems = (s0, s1, s2, s3)
    NSEM = len(sems)

    def fire(jj, sem):
        pltpu.async_copy(ones, table.at[didx.at[jj]], sem, add=True)

    def wait(sem):
        pltpu.make_async_copy(ones, table.at[didx.at[0]], sem).wait()

    def body(j4, carry):
        for b in range(NSEM):
            fire(j4 * NSEM + b, sems[b])
        return carry

    lax.fori_loop(0, NCH // NSEM, body, 0)

    def drain(j4, carry):
        for b in range(NSEM):
            wait(sems[b])
        return carry

    lax.fori_loop(0, NCH // NSEM, drain, 0)
    plsc.subcore_barrier()
    pltpu.sync_copy(table.at[pl.ds(r0, RPT)], out_hbm.at[c].at[pl.ds(r0, RPT)])


def _build_deg(interpret=False):
    return functools.partial(
        pl.kernel,
        out_type=jax.ShapeDtypeStruct((NC, NPAD, D), jnp.float32),
        mesh=_mesh,
        scratch_types=[
            pltpu.VMEM((NCH, CH), jnp.int32),
            pltpu.VMEM((CH, D), jnp.float32),
            pltpu.VMEM_SHARED((NPAD, D), jnp.float32),
        ] + [pltpu.SemaphoreType.DMA] * 4,
        interpret=interpret,
    )(_deg_body)


_deg = _build_deg()


def _prop_body(y_hbm, src4, dst4, out_hbm, sidx, didx, rb0, rb1, acc,
               g0, g1, a0, a1):
    c = lax.axis_index("c")
    s = lax.axis_index("s")
    w = c * NS + s
    _fill(rb0, CH, D, 0.0)
    r0 = s * RPT
    _zero_rows(rb0, acc, r0)
    plsc.subcore_barrier()

    rbs = (rb0, rb1)
    sgs = (g0, g1)
    sss = (a0, a1)

    def fire_gather(jj, b):
        pltpu.async_copy(y_hbm.at[sidx.at[jj]], rbs[b], sgs[b])

    def wait_gather(b):
        pltpu.make_async_copy(y_hbm.at[sidx.at[0]], rbs[b], sgs[b]).wait()

    def fire_scat(jj, b):
        pltpu.async_copy(rbs[b], acc.at[didx.at[jj]], sss[b], add=True)

    def wait_scat(b):
        pltpu.make_async_copy(rbs[0], acc.at[didx.at[0]], sss[b]).wait()

    for phase in range(NPH):
        pltpu.sync_copy(src4.at[w].at[phase], sidx)
        pltpu.sync_copy(dst4.at[w].at[phase], didx)
        fire_gather(0, 0)
        fire_gather(1, 1)

        def body(j2, carry):
            for b in range(2):
                jj = j2 * 2 + b
                wait_gather(b)
                fire_scat(jj, b)
                wait_scat(b)

                @pl.when(jj + 2 < NCHP)
                def _():
                    fire_gather(jj + 2, b)

            return carry

        lax.fori_loop(0, NCHP // 2, body, 0)

    plsc.subcore_barrier()
    pltpu.sync_copy(acc.at[pl.ds(r0, RPT)], out_hbm.at[c].at[pl.ds(r0, RPT)])


def _build_prop(interpret=False):
    return functools.partial(
        pl.kernel,
        out_type=jax.ShapeDtypeStruct((NC, NPAD, D), jnp.float32),
        mesh=_mesh,
        scratch_types=[
            pltpu.VMEM((NCHP, CH), jnp.int32),
            pltpu.VMEM((NCHP, CH), jnp.int32),
            pltpu.VMEM((CH, D), jnp.float32),
            pltpu.VMEM((CH, D), jnp.float32),
            pltpu.VMEM_SHARED((NPAD, D), jnp.float32),
        ] + [pltpu.SemaphoreType.DMA] * 4,
        interpret=interpret,
    )(_prop_body)


_prop = _build_prop()


_R = 1000
_G = N // _R


def _dis(d0, d1):
    return lax.rsqrt(d0[...] + d1[...] + 1.0)


def _mm_scale_body(xb, wb, d0, d1, ob):
    ob[...] = _dis(d0, d1) * jnp.dot(
        xb[...], wb[...], preferred_element_type=jnp.float32)


def _mid_body(p0, p1, yb, d0, d1, wb, b1b, ob):
    dis = _dis(d0, d1)
    conv = dis * (p0[0] + p1[0] + yb[...]) + b1b[...]
    h = jnp.where(conv >= 0, conv, 0.01 * conv)
    ob[...] = dis * jnp.dot(h, wb[...], preferred_element_type=jnp.float32)


def _fin_body(q0, q1, yb, d0, d1, bm, bl, om, ol):
    z = _dis(d0, d1) * (q0[0] + q1[0] + yb[...])
    om[...] = z[:, :DOUT] + bm[...]
    ol[...] = z[:, DOUT:] + bl[...]


_row_spec = pl.BlockSpec((_R, D), lambda i: (i, 0))
_w_spec = pl.BlockSpec((D, D), lambda i: (0, 0))
_d_spec = pl.BlockSpec((_R, 1), lambda i: (i, 0))
_p0_spec = pl.BlockSpec((1, _R, D), lambda i: (0, i, 0))
_p1_spec = pl.BlockSpec((1, _R, D), lambda i: (1, i, 0))
_b_spec = pl.BlockSpec((1, D), lambda i: (0, 0))
_bh_spec = pl.BlockSpec((1, DOUT), lambda i: (0, 0))
_out_f32 = jax.ShapeDtypeStruct((N, D), jnp.float32)

_mm_scale = pl.pallas_call(
    _mm_scale_body, grid=(_G,),
    in_specs=[_row_spec, _w_spec, _d_spec, _d_spec],
    out_specs=_row_spec, out_shape=_out_f32)

_mid = pl.pallas_call(
    _mid_body, grid=(_G,),
    in_specs=[_p0_spec, _p1_spec, _row_spec, _d_spec, _d_spec, _w_spec, _b_spec],
    out_specs=_row_spec, out_shape=_out_f32)

_fin = pl.pallas_call(
    _fin_body, grid=(_G,),
    in_specs=[_p0_spec, _p1_spec, _row_spec, _d_spec, _d_spec, _bh_spec, _bh_spec],
    out_specs=[pl.BlockSpec((_R, DOUT), lambda i: (i, 0))] * 2,
    out_shape=[jax.ShapeDtypeStruct((N, DOUT), jnp.float32)] * 2)


def kernel(x, edge_index, batch, W1, b1, Wmu, bmu, Wlv, blv):
    src = edge_index[0]
    dst = edge_index[1]
    pad = EPAD - E
    srcp = jnp.concatenate([src, jnp.zeros((pad,), src.dtype)])
    dstp = jnp.concatenate(
        [dst, N + (jnp.arange(pad, dtype=dst.dtype) % 32)])
    src4 = srcp.reshape(NW, NPH, NCHP, CH)
    dst4 = dstp.reshape(NW, NPH, NCHP, CH)

    degp = _deg(dstp.reshape(NW, NCH, CH))
    deg0 = degp[0, :N, 0:1]
    deg1 = degp[1, :N, 0:1]

    y1 = _mm_scale(x, W1, deg0, deg1)
    P = _prop(y1, src4, dst4)

    Wml = jnp.concatenate([Wmu, Wlv], axis=1)
    y2 = _mid(P, P, y1, deg0, deg1, Wml, b1.reshape(1, D))
    Q = _prop(y2, src4, dst4)

    mu, logvar = _fin(Q, Q, y2, deg0, deg1,
                      bmu.reshape(1, DOUT), blv.reshape(1, DOUT))
    return (mu, logvar)

# --- scband reference (transcript-rebuilt; emitter-appended) ---
"""Pipeline reference for scband-variational-gcnencoder-62904091018060 (READ-ONLY COPY).

The authoritative reference and input builder live on the scoring server;
editing this copy changes nothing except your own understanding.
"""

import jax, jax.numpy as jnp
import numpy as np

N = 10000
E = 320000
D_IN = 128
D_HID = 128
D_OUT = 64


def gcn_conv(x, edge_index, W, b):
    # PyG-style GCNConv: add self-loops, symmetric normalization, then scatter-add.
    n = x.shape[0]
    loop = jnp.arange(n, dtype=edge_index.dtype)
    src = jnp.concatenate([edge_index[0], loop])
    dst = jnp.concatenate([edge_index[1], loop])
    deg = jnp.zeros((n,), dtype=x.dtype).at[dst].add(1.0)
    deg_inv_sqrt = jnp.where(deg > 0, jax.lax.rsqrt(jnp.maximum(deg, 1e-12)), 0.0)
    norm = deg_inv_sqrt[src] * deg_inv_sqrt[dst]
    xw = x @ W
    msg = jnp.take(xw, src, axis=0) * norm[:, None]
    out = jnp.zeros((n, W.shape[1]), dtype=x.dtype).at[dst].add(msg)
    return out + b


def leaky_relu(x, slope=0.01):
    return jnp.where(x >= 0, x, slope * x)


def setup_inputs(seed: int = 0) -> dict:
    key = jax.random.key(seed)
    ks = jax.random.split(key, 9)
    x = jax.random.normal(ks[0], (N, D_IN), dtype=jnp.float32)
    edge_index = jax.random.randint(ks[1], (2, E), 0, N, dtype=jnp.int32)
    batch = jnp.zeros((N,), dtype=jnp.int32)
    W1 = jax.random.normal(ks[2], (D_IN, D_HID), dtype=jnp.float32) * 0.05
    b1 = jnp.zeros((D_HID,), dtype=jnp.float32)
    Wmu = jax.random.normal(ks[3], (D_HID, D_OUT), dtype=jnp.float32) * 0.05
    bmu = jnp.zeros((D_OUT,), dtype=jnp.float32)
    Wlv = jax.random.normal(ks[4], (D_HID, D_OUT), dtype=jnp.float32) * 0.05
    blv = jnp.zeros((D_OUT,), dtype=jnp.float32)
    return {"x": x, "edge_index": edge_index, "batch": batch,
            "W1": W1, "b1": b1, "Wmu": Wmu, "bmu": bmu, "Wlv": Wlv, "blv": blv}


def reference(x, edge_index, batch, W1, b1, Wmu, bmu, Wlv, blv):
    h = gcn_conv(x, edge_index, W1, b1)
    h = leaky_relu(h, 0.01)
    mu = gcn_conv(h, edge_index, Wmu, bmu)
    logvar = gcn_conv(h, edge_index, Wlv, blv)
    return (mu, logvar)

if __name__ == "__main__":
    import jax
    _d = setup_inputs()
    print(jax.jit(kernel)(*tuple(_d.values())))

</pallas_src>

<mosaic_0001>
#map = affine_map<(d0, d1) -> (0, 0, 0)>
module attributes {stable_mosaic.version = 14 : i64} {
  func.func @_deg_body(%arg0: i32, %arg1: i32, %arg2: memref<32x80x128xi32, #tpu.memory_space<hbm>>, %arg3: memref<2x10112x128xf32, #tpu.memory_space<hbm>>, %arg4: memref<80x128xi32, #tpu.memory_space<vmem>>, %arg5: memref<128x128xf32, #tpu.memory_space<vmem>>, %arg6: memref<10112x128xf32, #tpu.memory_space<vmem_shared>>, %arg7: memref<!tpu.dma_semaphore, #tpu.memory_space<semaphore_mem>>, %arg8: memref<!tpu.dma_semaphore, #tpu.memory_space<semaphore_mem>>, %arg9: memref<!tpu.dma_semaphore, #tpu.memory_space<semaphore_mem>>, %arg10: memref<!tpu.dma_semaphore, #tpu.memory_space<semaphore_mem>>) attributes {dimension_semantics = [#tpu.dimension_semantics<core_parallel>, #tpu.dimension_semantics<subcore_parallel>], iteration_bounds = array<i64: 2, 16>, scalar_prefetch = 0 : i64, scratch_operands = 7 : i64, tpu.core_type = #tpu.core_type<sc_vector_subcore>, window_params = [{transform_indices = #map}, {transform_indices = #map}]} {
    %mul3A = arith.constant 16 : i32
    %mul3A_0 = arith.muli %arg0, %mul3A : i32
    %add3A = arith.addi %mul3A_0, %arg1 : i32
    %broadcast_in_dim3A = arith.constant 0.000000e+00 : f32
    %broadcast_in_dim3A_1 = vector.broadcast %broadcast_in_dim3A : f32 to vector<16xf32>
    %scan3A = arith.constant 0 : i32
    %scan3A_2 = arith.constant 0 : i32
    %scan3A_3 = arith.constant 128 : i32
    %scan3A_4 = arith.addi %scan3A_2, %scan3A_3 : i32
    %scan3A_5 = arith.constant 1 : i32
    scf.for %scan3A_40 = %scan3A_2 to %scan3A_4 step %scan3A_5  : i32 {
      %swap3A = arith.index_cast %scan3A_40 : i32 to index
      %swap3A_41 = arith.constant 0 : index
      %swap3A_42 = tpu.vector_load %arg5[%swap3A, %swap3A_41] {strides = array<i32>} : memref<128x128xf32, #tpu.memory_space<vmem>>, vector<1x16xf32>,
      %swap3A_43 = vector.shape_cast %swap3A_42 : vector<1x16xf32> to vector<16xf32>
      %swap3A_44 = vector.shape_cast %broadcast_in_dim3A_1 : vector<16xf32> to vector<1x16xf32>
      tpu.vector_store %arg5[%swap3A, %swap3A_41], %swap3A_44 {strides = array<i32>} : memref<128x128xf32, #tpu.memory_space<vmem>>, vector<1x16xf32>,
      %swap3A_45 = arith.index_cast %scan3A_40 : i32 to index
      %swap3A_46 = arith.constant 16 : index
      %swap3A_47 = tpu.vector_load %arg5[%swap3A_45, %swap3A_46] {strides = array<i32>} : memref<128x128xf32, #tpu.memory_space<vmem>>, vector<1x16xf32>,
      %swap3A_48 = vector.shape_cast %swap3A_47 : vector<1x16xf32> to vector<16xf32>
      %swap3A_49 = vector.shape_cast %broadcast_in_dim3A_1 : vector<16xf32> to vector<1x16xf32>
      tpu.vector_store %arg5[%swap3A_45, %swap3A_46], %swap3A_49 {strides = array<i32>} : memref<128x128xf32, #tpu.memory_space<vmem>>, vector<1x16xf32>,
      %swap3A_50 = arith.index_cast %scan3A_40 : i32 to index
      %swap3A_51 = arith.constant 32 : index
      %swap3A_52 = tpu.vector_load %arg5[%swap3A_50, %swap3A_51] {strides = array<i32>} : memref<128x128xf32, #tpu.memory_space<vmem>>, vector<1x16xf32>,
      %swap3A_53 = vector.shape_cast %swap3A_52 : vector<1x16xf32> to vector<16xf32>
      %swap3A_54 = vector.shape_cast %broadcast_in_dim3A_1 : vector<16xf32> to vector<1x16xf32>
      tpu.vector_store %arg5[%swap3A_50, %swap3A_51], %swap3A_54 {strides = array<i32>} : memref<128x128xf32, #tpu.memory_space<vmem>>, vector<1x16xf32>,
      %swap3A_55 = arith.index_cast %scan3A_40 : i32 to index
      %swap3A_56 = arith.constant 48 : index
      %swap3A_57 = tpu.vector_load %arg5[%swap3A_55, %swap3A_56] {strides = array<i32>} : memref<128x128xf32, #tpu.memory_space<vmem>>, vector<1x16xf32>,
      %swap3A_58 = vector.shape_cast %swap3A_57 : vector<1x16xf32> to vector<16xf32>
      %swap3A_59 = vector.shape_cast %broadcast_in_dim3A_1 : vector<16xf32> to vector<1x16xf32>
      tpu.vector_store %arg5[%swap3A_55, %swap3A_56], %swap3A_59 {strides = array<i32>} : memref<128x128xf32, #tpu.memory_space<vmem>>, vector<1x16xf32>,
      %swap3A_60 = arith.index_cast %scan3A_40 : i32 to index
      %swap3A_61 = arith.constant 64 : index
      %swap3A_62 = tpu.vector_load %arg5[%swap3A_60, %swap3A_61] {strides = array<i32>} : memref<128x128xf32, #tpu.memory_space<vmem>>, vector<1x16xf32>,
      %swap3A_63 = vector.shape_cast %swap3A_62 : vector<1x16xf32> to vector<16xf32>
      %swap3A_64 = vector.shape_cast %broadcast_in_dim3A_1 : vector<16xf32> to vector<1x16xf32>
      tpu.vector_store %arg5[%swap3A_60, %swap3A_61], %swap3A_64 {strides = array<i32>} : memref<128x128xf32, #tpu.memory_space<vmem>>, vector<1x16xf32>,
      %swap3A_65 = arith.index_cast %scan3A_40 : i32 to index
      %swap3A_66 = arith.constant 80 : index
      %swap3A_67 = tpu.vector_load %arg5[%swap3A_65, %swap3A_66] {strides = array<i32>} : memref<128x128xf32, #tpu.memory_space<vmem>>, vector<1x16xf32>,
      %swap3A_68 = vector.shape_cast %swap3A_67 : vector<1x16xf32> to vector<16xf32>
      %swap3A_69 = vector.shape_cast %broadcast_in_dim3A_1 : vector<16xf32> to vector<1x16xf32>
      tpu.vector_store %arg5[%swap3A_65, %swap3A_66], %swap3A_69 {strides = array<i32>} : memref<128x128xf32, #tpu.memory_space<vmem>>, vector<1x16xf32>,
      %swap3A_70 = arith.index_cast %scan3A_40 : i32 to index
      %swap3A_71 = arith.constant 96 : index
      %swap3A_72 = tpu.vector_load %arg5[%swap3A_70, %swap3A_71] {strides = array<i32>} : memref<128x128xf32, #tpu.memory_space<vmem>>, vector<1x16xf32>,
      %swap3A_73 = vector.shape_cast %swap3A_72 : vector<1x16xf32> to vector<16xf32>
      %swap3A_74 = vector.shape_cast %broadcast_in_dim3A_1 : vector<16xf32> to vector<1x16xf32>
      tpu.vector_store %arg5[%swap3A_70, %swap3A_71], %swap3A_74 {strides = array<i32>} : memref<128x128xf32, #tpu.memory_space<vmem>>, vector<1x16xf32>,
      %swap3A_75 = arith.index_cast %scan3A_40 : i32 to index
      %swap3A_76 = arith.constant 112 : index
      %swap3A_77 = tpu.vector_load %arg5[%swap3A_75, %swap3A_76] {strides = array<i32>} : memref<128x128xf32, #tpu.memory_space<vmem>>, vector<1x16xf32>,
      %swap3A_78 = vector.shape_cast %swap3A_77 : vector<1x16xf32> to vector<16xf32>
      %swap3A_79 = vector.shape_cast %broadcast_in_dim3A_1 : vector<16xf32> to vector<1x16xf32>
      tpu.vector_store %arg5[%swap3A_75, %swap3A_76], %swap3A_79 {strides = array<i32>} : memref<128x128xf32, #tpu.memory_space<vmem>>, vector<1x16xf32>,
    }
    %scan3A_6 = arith.constant 128 : i32
    %mul3A_7 = arith.constant 632 : i32
    %mul3A_8 = arith.muli %arg1, %mul3A_7 : i32
    %add3A_9 = arith.constant 0 : i32
    %add3A_10 = arith.addi %mul3A_8, %add3A_9 : i32
    "tpu.region"() ({
      %run_scoped3A = tpu.sem_alloc : memref<!tpu.dma_semaphore, #tpu.memory_space<semaphore_mem>>
      %dma_start3A = arith.constant 0 : i32
      %dma_start3A_40 = tpu.memref_slice %arg6[%add3A_10, %dma_start3A] : memref<10112x128xf32, #tpu.memory_space<vmem_shared>> -> memref<128x128xf32, #tpu.memory_space<vmem_shared>>
      %dma_start3A_41 = arith.constant 0 : i32
      %dma_start3A_42 = tpu.memref_slice %arg6[%add3A_10, %dma_start3A_41] : memref<10112x128xf32, #tpu.memory_space<vmem_shared>> -> memref<128x128xf32, #tpu.memory_space<vmem_shared>>
      tpu.enqueue_dma source(%arg5 : memref<128x128xf32, #tpu.memory_space<vmem>>) target(%dma_start3A_42 : memref<128x128xf32, #tpu.memory_space<vmem_shared>>) target_semaphore(%run_scoped3A : memref<!tpu.dma_semaphore, #tpu.memory_space<semaphore_mem>>)
      %dma_wait3A = arith.constant 0 : i32
      %dma_wait3A_43 = tpu.memref_slice %arg6[%add3A_10, %dma_wait3A] : memref<10112x128xf32, #tpu.memory_space<vmem_shared>> -> memref<128x128xf32, #tpu.memory_space<vmem_shared>>
      %dma_wait3A_44 = arith.constant 0 : i32
      %dma_wait3A_45 = tpu.memref_slice %arg6[%add3A_10, %dma_wait3A_44] : memref<10112x128xf32, #tpu.memory_space<vmem_shared>> -> memref<128x128xf32, #tpu.memory_space<vmem_shared>>
      tpu.wait_dma2 semaphore(%run_scoped3A : memref<!tpu.dma_semaphore, #tpu.memory_space<semaphore_mem>>) src(%arg5 : memref<128x128xf32, #tpu.memory_space<vmem>>) dst(%dma_wait3A_45 : memref<128x128xf32, #tpu.memory_space<vmem_shared>>)
      tpu.yield
    }) : () -> ()
    %add3A_11 = arith.constant 128 : i32
    %add3A_12 = arith.addi %mul3A_8, %add3A_11 : i32
    "tpu.region"() ({
      %run_scoped3A = tpu.sem_alloc : memref<!tpu.dma_semaphore, #tpu.memory_space<semaphore_mem>>
      %dma_start3A = arith.constant 0 : i32
      %dma_start3A_40 = tpu.memref_slice %arg6[%add3A_12, %dma_start3A] : memref<10112x128xf32, #tpu.memory_space<vmem_shared>> -> memref<128x128xf32, #tpu.memory_space<vmem_shared>>
      %dma_start3A_41 = arith.constant 0 : i32
      %dma_start3A_42 = tpu.memref_slice %arg6[%add3A_12, %dma_start3A_41] : memref<10112x128xf32, #tpu.memory_space<vmem_shared>> -> memref<128x128xf32, #tpu.memory_space<vmem_shared>>
      tpu.enqueue_dma source(%arg5 : memref<128x128xf32, #tpu.memory_space<vmem>>) target(%dma_start3A_42 : memref<128x128xf32, #tpu.memory_space<vmem_shared>>) target_semaphore(%run_scoped3A : memref<!tpu.dma_semaphore, #tpu.memory_space<semaphore_mem>>)
      %dma_wait3A = arith.constant 0 : i32
      %dma_wait3A_43 = tpu.memref_slice %arg6[%add3A_12, %dma_wait3A] : memref<10112x128xf32, #tpu.memory_space<vmem_shared>> -> memref<128x128xf32, #tpu.memory_space<vmem_shared>>
      %dma_wait3A_44 = arith.constant 0 : i32
      %dma_wait3A_45 = tpu.memref_slice %arg6[%add3A_12, %dma_wait3A_44] : memref<10112x128xf32, #tpu.memory_space<vmem_shared>> -> memref<128x128xf32, #tpu.memory_space<vmem_shared>>
      tpu.wait_dma2 semaphore(%run_scoped3A : memref<!tpu.dma_semaphore, #tpu.memory_space<semaphore_mem>>) src(%arg5 : memref<128x128xf32, #tpu.memory_space<vmem>>) dst(%dma_wait3A_45 : memref<128x128xf32, #tpu.memory_space<vmem_shared>>)
      tpu.yield
    }) : () -> ()
    %add3A_13 = arith.constant 256 : i32
    %add3A_14 = arith.addi %mul3A_8, %add3A_13 : i32
    "tpu.region"() ({
      %run_scoped3A = tpu.sem_alloc : memref<!tpu.dma_semaphore, #tpu.memory_space<semaphore_mem>>
      %dma_start3A = arith.constant 0 : i32
      %dma_start3A_40 = tpu.memref_slice %arg6[%add3A_14, %dma_start3A] : memref<10112x128xf32, #tpu.memory_space<vmem_shared>> -> memref<128x128xf32, #tpu.memory_space<vmem_shared>>
      %dma_start3A_41 = arith.constant 0 : i32
      %dma_start3A_42 = tpu.memref_slice %arg6[%add3A_14, %dma_start3A_41] : memref<10112x128xf32, #tpu.memory_space<vmem_shared>> -> memref<128x128xf32, #tpu.memory_space<vmem_shared>>
      tpu.enqueue_dma source(%arg5 : memref<128x128xf32, #tpu.memory_space<vmem>>) target(%dma_start3A_42 : memref<128x128xf32, #tpu.memory_space<vmem_shared>>) target_semaphore(%run_scoped3A : memref<!tpu.dma_semaphore, #tpu.memory_space<semaphore_mem>>)
      %dma_wait3A = arith.constant 0 : i32
      %dma_wait3A_43 = tpu.memref_slice %arg6[%add3A_14, %dma_wait3A] : memref<10112x128xf32, #tpu.memory_space<vmem_shared>> -> memref<128x128xf32, #tpu.memory_space<vmem_shared>>
      %dma_wait3A_44 = arith.constant 0 : i32
      %dma_wait3A_45 = tpu.memref_slice %arg6[%add3A_14, %dma_wait3A_44] : memref<10112x128xf32, #tpu.memory_space<vmem_shared>> -> memref<128x128xf32, #tpu.memory_space<vmem_shared>>
      tpu.wait_dma2 semaphore(%run_scoped3A : memref<!tpu.dma_semaphore, #tpu.memory_space<semaphore_mem>>) src(%arg5 : memref<128x128xf32, #tpu.memory_space<vmem>>) dst(%dma_wait3A_45 : memref<128x128xf32, #tpu.memory_space<vmem_shared>>)
      tpu.yield
    }) : () -> ()
    %add3A_15 = arith.constant 384 : i32
    %add3A_16 = arith.addi %mul3A_8, %add3A_15 : i32
    "tpu.region"() ({
      %run_scoped3A = tpu.sem_alloc : memref<!tpu.dma_semaphore, #tpu.memory_space<semaphore_mem>>
      %dma_start3A = arith.constant 0 : i32
      %dma_start3A_40 = tpu.memref_slice %arg6[%add3A_16, %dma_start3A] : memref<10112x128xf32, #tpu.memory_space<vmem_shared>> -> memref<128x128xf32, #tpu.memory_space<vmem_shared>>
      %dma_start3A_41 = arith.constant 0 : i32
      %dma_start3A_42 = tpu.memref_slice %arg6[%add3A_16, %dma_start3A_41] : memref<10112x128xf32, #tpu.memory_space<vmem_shared>> -> memref<128x128xf32, #tpu.memory_space<vmem_shared>>
      tpu.enqueue_dma source(%arg5 : memref<128x128xf32, #tpu.memory_space<vmem>>) target(%dma_start3A_42 : memref<128x128xf32, #tpu.memory_space<vmem_shared>>) target_semaphore(%run_scoped3A : memref<!tpu.dma_semaphore, #tpu.memory_space<semaphore_mem>>)
      %dma_wait3A = arith.constant 0 : i32
      %dma_wait3A_43 = tpu.memref_slice %arg6[%add3A_16, %dma_wait3A] : memref<10112x128xf32, #tpu.memory_space<vmem_shared>> -> memref<128x128xf32, #tpu.memory_space<vmem_shared>>
      %dma_wait3A_44 = arith.constant 0 : i32
      %dma_wait3A_45 = tpu.memref_slice %arg6[%add3A_16, %dma_wait3A_44] : memref<10112x128xf32, #tpu.memory_space<vmem_shared>> -> memref<128x128xf32, #tpu.memory_space<vmem_shared>>
      tpu.wait_dma2 semaphore(%run_scoped3A : memref<!tpu.dma_semaphore, #tpu.memory_space<semaphore_mem>>) src(%arg5 : memref<128x128xf32, #tpu.memory_space<vmem>>) dst(%dma_wait3A_45 : memref<128x128xf32, #tpu.memory_space<vmem_shared>>)
      tpu.yield
    }) : () -> ()
    %add3A_17 = arith.constant 512 : i32
    %add3A_18 = arith.addi %mul3A_8, %add3A_17 : i32
    "tpu.region"() ({
      %run_scoped3A = tpu.sem_alloc : memref<!tpu.dma_semaphore, #tpu.memory_space<semaphore_mem>>
      %dma_start3A = arith.constant 0 : i32
      %dma_start3A_40 = arith.constant 0 : i32
      %dma_start3A_41 = tpu.memref_slice %arg5[%dma_start3A, %dma_start3A_40] : memref<128x128xf32, #tpu.memory_space<vmem>> -> memref<120x128xf32, #tpu.memory_space<vmem>>
      %dma_start3A_42 = arith.constant 0 : i32
      %dma_start3A_43 = tpu.memref_slice %arg6[%add3A_18, %dma_start3A_42] : memref<10112x128xf32, #tpu.memory_space<vmem_shared>> -> memref<120x128xf32, #tpu.memory_space<vmem_shared>>
      %dma_start3A_44 = arith.constant 0 : i32
      %dma_start3A_45 = tpu.memref_slice %arg6[%add3A_18, %dma_start3A_44] : memref<10112x128xf32, #tpu.memory_space<vmem_shared>> -> memref<120x128xf32, #tpu.memory_space<vmem_shared>>
      %dma_start3A_46 = arith.constant 0 : i32
      %dma_start3A_47 = arith.constant 0 : i32
      %dma_start3A_48 = tpu.memref_slice %arg5[%dma_start3A_46, %dma_start3A_47] : memref<128x128xf32, #tpu.memory_space<vmem>> -> memref<120x128xf32, #tpu.memory_space<vmem>>
      tpu.enqueue_dma source(%dma_start3A_48 : memref<120x128xf32, #tpu.memory_space<vmem>>) target(%dma_start3A_45 : memref<120x128xf32, #tpu.memory_space<vmem_shared>>) target_semaphore(%run_scoped3A : memref<!tpu.dma_semaphore, #tpu.memory_space<semaphore_mem>>)
      %dma_wait3A = arith.constant 0 : i32
      %dma_wait3A_49 = arith.constant 0 : i32
      %dma_wait3A_50 = tpu.memref_slice %arg5[%dma_wait3A, %dma_wait3A_49] : memref<128x128xf32, #tpu.memory_space<vmem>> -> memref<120x128xf32, #tpu.memory_space<vmem>>
      %dma_wait3A_51 = arith.constant 0 : i32
      %dma_wait3A_52 = tpu.memref_slice %arg6[%add3A_18, %dma_wait3A_51] : memref<10112x128xf32, #tpu.memory_space<vmem_shared>> -> memref<120x128xf32, #tpu.memory_space<vmem_shared>>
      %dma_wait3A_53 = arith.constant 0 : i32
      %dma_wait3A_54 = tpu.memref_slice %arg6[%add3A_18, %dma_wait3A_53] : memref<10112x128xf32, #tpu.memory_space<vmem_shared>> -> memref<120x128xf32, #tpu.memory_space<vmem_shared>>
      %dma_wait3A_55 = arith.constant 0 : i32
      %dma_wait3A_56 = arith.constant 0 : i32
      %dma_wait3A_57 = tpu.memref_slice %arg5[%dma_wait3A_55, %dma_wait3A_56] : memref<128x128xf32, #tpu.memory_space<vmem>> -> memref<120x128xf32, #tpu.memory_space<vmem>>
      tpu.wait_dma2 semaphore(%run_scoped3A : memref<!tpu.dma_semaphore, #tpu.memory_space<semaphore_mem>>) src(%dma_wait3A_57 : memref<120x128xf32, #tpu.memory_space<vmem>>) dst(%dma_wait3A_54 : memref<120x128xf32, #tpu.memory_space<vmem_shared>>)
      tpu.yield
    }) : () -> ()
    %broadcast_in_dim3A_19 = arith.constant 1.000000e+00 : f32
    %broadcast_in_dim3A_20 = vector.broadcast %broadcast_in_dim3A_19 : f32 to vector<16xf32>
    %scan3A_21 = arith.constant 0 : i32
    %scan3A_22 = arith.constant 0 : i32
    %scan3A_23 = arith.constant 128 : i32
    %scan3A_24 = arith.addi %scan3A_22, %scan3A_23 : i32
    %scan3A_25 = arith.constant 1 : i32
    scf.for %scan3A_40 = %scan3A_22 to %scan3A_24 step %scan3A_25  : i32 {
      %swap3A = arith.index_cast %scan3A_40 : i32 to index
      %swap3A_41 = arith.constant 0 : index
      %swap3A_42 = tpu.vector_load %arg5[%swap3A, %swap3A_41] {strides = array<i32>} : memref<128x128xf32, #tpu.memory_space<vmem>>, vector<1x16xf32>,
      %swap3A_43 = vector.shape_cast %swap3A_42 : vector<1x16xf32> to vector<16xf32>
      %swap3A_44 = vector.shape_cast %broadcast_in_dim3A_20 : vector<16xf32> to vector<1x16xf32>
      tpu.vector_store %arg5[%swap3A, %swap3A_41], %swap3A_44 {strides = array<i32>} : memref<128x128xf32, #tpu.memory_space<vmem>>, vector<1x16xf32>,
      %swap3A_45 = arith.index_cast %scan3A_40 : i32 to index
      %swap3A_46 = arith.constant 16 : index
      %swap3A_47 = tpu.vector_load %arg5[%swap3A_45, %swap3A_46] {strides = array<i32>} : memref<128x128xf32, #tpu.memory_space<vmem>>, vector<1x16xf32>,
      %swap3A_48 = vector.shape_cast %swap3A_47 : vector<1x16xf32> to vector<16xf32>
      %swap3A_49 = vector.shape_cast %broadcast_in_dim3A_20 : vector<16xf32> to vector<1x16xf32>
      tpu.vector_store %arg5[%swap3A_45, %swap3A_46], %swap3A_49 {strides = array<i32>} : memref<128x128xf32, #tpu.memory_space<vmem>>, vector<1x16xf32>,
      %swap3A_50 = arith.index_cast %scan3A_40 : i32 to index
      %swap3A_51 = arith.constant 32 : index
      %swap3A_52 = tpu.vector_load %arg5[%swap3A_50, %swap3A_51] {strides = array<i32>} : memref<128x128xf32, #tpu.memory_space<vmem>>, vector<1x16xf32>,
      %swap3A_53 = vector.shape_cast %swap3A_52 : vector<1x16xf32> to vector<16xf32>
      %swap3A_54 = vector.shape_cast %broadcast_in_dim3A_20 : vector<16xf32> to vector<1x16xf32>
      tpu.vector_store %arg5[%swap3A_50, %swap3A_51], %swap3A_54 {strides = array<i32>} : memref<128x128xf32, #tpu.memory_space<vmem>>, vector<1x16xf32>,
      %swap3A_55 = arith.index_cast %scan3A_40 : i32 to index
      %swap3A_56 = arith.constant 48 : index
      %swap3A_57 = tpu.vector_load %arg5[%swap3A_55, %swap3A_56] {strides = array<i32>} : memref<128x128xf32, #tpu.memory_space<vmem>>, vector<1x16xf32>,
      %swap3A_58 = vector.shape_cast %swap3A_57 : vector<1x16xf32> to vector<16xf32>
      %swap3A_59 = vector.shape_cast %broadcast_in_dim3A_20 : vector<16xf32> to vector<1x16xf32>
      tpu.vector_store %arg5[%swap3A_55, %swap3A_56], %swap3A_59 {strides = array<i32>} : memref<128x128xf32, #tpu.memory_space<vmem>>, vector<1x16xf32>,
      %swap3A_60 = arith.index_cast %scan3A_40 : i32 to index
      %swap3A_61 = arith.constant 64 : index
      %swap3A_62 = tpu.vector_load %arg5[%swap3A_60, %swap3A_61] {strides = array<i32>} : memref<128x128xf32, #tpu.memory_space<vmem>>, vector<1x16xf32>,
      %swap3A_63 = vector.shape_cast %swap3A_62 : vector<1x16xf32> to vector<16xf32>
      %swap3A_64 = vector.shape_cast %broadcast_in_dim3A_20 : vector<16xf32> to vector<1x16xf32>
      tpu.vector_store %arg5[%swap3A_60, %swap3A_61], %swap3A_64 {strides = array<i32>} : memref<128x128xf32, #tpu.memory_space<vmem>>, vector<1x16xf32>,
      %swap3A_65 = arith.index_cast %scan3A_40 : i32 to index
      %swap3A_66 = arith.constant 80 : index
      %swap3A_67 = tpu.vector_load %arg5[%swap3A_65, %swap3A_66] {strides = array<i32>} : memref<128x128xf32, #tpu.memory_space<vmem>>, vector<1x16xf32>,
      %swap3A_68 = vector.shape_cast %swap3A_67 : vector<1x16xf32> to vector<16xf32>
      %swap3A_69 = vector.shape_cast %broadcast_in_dim3A_20 : vector<16xf32> to vector<1x16xf32>
      tpu.vector_store %arg5[%swap3A_65, %swap3A_66], %swap3A_69 {strides = array<i32>} : memref<128x128xf32, #tpu.memory_space<vmem>>, vector<1x16xf32>,
      %swap3A_70 = arith.index_cast %scan3A_40 : i32 to index
      %swap3A_71 = arith.constant 96 : index
      %swap3A_72 = tpu.vector_load %arg5[%swap3A_70, %swap3A_71] {strides = array<i32>} : memref<128x128xf32, #tpu.memory_space<vmem>>, vector<1x16xf32>,
      %swap3A_73 = vector.shape_cast %swap3A_72 : vector<1x16xf32> to vector<16xf32>
      %swap3A_74 = vector.shape_cast %broadcast_in_dim3A_20 : vector<16xf32> to vector<1x16xf32>
      tpu.vector_store %arg5[%swap3A_70, %swap3A_71], %swap3A_74 {strides = array<i32>} : memref<128x128xf32, #tpu.memory_space<vmem>>, vector<1x16xf32>,
      %swap3A_75 = arith.index_cast %scan3A_40 : i32 to index
      %swap3A_76 = arith.constant 112 : index
      %swap3A_77 = tpu.vector_load %arg5[%swap3A_75, %swap3A_76] {strides = array<i32>} : memref<128x128xf32, #tpu.memory_space<vmem>>, vector<1x16xf32>,
      %swap3A_78 = vector.shape_cast %swap3A_77 : vector<1x16xf32> to vector<16xf32>
      %swap3A_79 = vector.shape_cast %broadcast_in_dim3A_20 : vector<16xf32> to vector<1x16xf32>
      tpu.vector_store %arg5[%swap3A_75, %swap3A_76], %swap3A_79 {strides = array<i32>} : memref<128x128xf32, #tpu.memory_space<vmem>>, vector<1x16xf32>,
    }
    %scan3A_26 = arith.constant 128 : i32
    %barrier3A = arith.constant 0 : index
    tpu.barrier barrier_id(%barrier3A)
    "tpu.region"() ({
      %run_scoped3A = tpu.sem_alloc : memref<!tpu.dma_semaphore, #tpu.memory_space<semaphore_mem>>
      %dma_start3A = arith.constant 0 : i32
      %dma_start3A_40 = arith.constant 0 : i32
      %dma_start3A_41 = tpu.memref_slice %arg2[%add3A, %dma_start3A, %dma_start3A_40] : memref<32x80x128xi32, #tpu.memory_space<hbm>> -> memref<1x80x128xi32, #tpu.memory_space<hbm>>
      %dma_start3A_42 = tpu.memref_squeeze %dma_start3A_41 : memref<1x80x128xi32, #tpu.memory_space<hbm>> -> memref<80x128xi32, #tpu.memory_space<hbm>>
      %dma_start3A_43 = arith.constant 0 : i32
      %dma_start3A_44 = arith.constant 0 : i32
      %dma_start3A_45 = tpu.memref_slice %arg2[%add3A, %dma_start3A_43, %dma_start3A_44] : memref<32x80x128xi32, #tpu.memory_space<hbm>> -> memref<1x80x128xi32, #tpu.memory_space<hbm>>
      %dma_start3A_46 = tpu.memref_squeeze %dma_start3A_45 : memref<1x80x128xi32, #tpu.memory_space<hbm>> -> memref<80x128xi32, #tpu.memory_space<hbm>>
      tpu.enqueue_dma source(%dma_start3A_46 : memref<80x128xi32, #tpu.memory_space<hbm>>) target(%arg4 : memref<80x128xi32, #tpu.memory_space<vmem>>) target_semaphore(%run_scoped3A : memref<!tpu.dma_semaphore, #tpu.memory_space<semaphore_mem>>)
      %dma_wait3A = arith.constant 0 : i32
      %dma_wait3A_47 = arith.constant 0 : i32
      %dma_wait3A_48 = tpu.memref_slice %arg2[%add3A, %dma_wait3A, %dma_wait3A_47] : memref<32x80x128xi32, #tpu.memory_space<hbm>> -> memref<1x80x128xi32, #tpu.memory_space<hbm>>
      %dma_wait3A_49 = tpu.memref_squeeze %dma_wait3A_48 : memref<1x80x128xi32, #tpu.memory_space<hbm>> -> memref<80x128xi32, #tpu.memory_space<hbm>>
      %dma_wait3A_50 = arith.constant 0 : i32
      %dma_wait3A_51 = arith.constant 0 : i32
      %dma_wait3A_52 = tpu.memref_slice %arg2[%add3A, %dma_wait3A_50, %dma_wait3A_51] : memref<32x80x128xi32, #tpu.memory_space<hbm>> -> memref<1x80x128xi32, #tpu.memory_space<hbm>>
      %dma_wait3A_53 = tpu.memref_squeeze %dma_wait3A_52 : memref<1x80x128xi32, #tpu.memory_space<hbm>> -> memref<80x128xi32, #tpu.memory_space<hbm>>
      tpu.wait_dma2 semaphore(%run_scoped3A : memref<!tpu.dma_semaphore, #tpu.memory_space<semaphore_mem>>) src(%dma_wait3A_53 : memref<80x128xi32, #tpu.memory_space<hbm>>) dst(%arg4 : memref<80x128xi32, #tpu.memory_space<vmem>>)
      tpu.yield
    }) : () -> ()
    %scan3A_27 = arith.constant 0 : i32
    %scan3A_28 = arith.constant 0 : i32
    %scan3A_29 = arith.constant 20 : i32
    %scan3A_30 = arith.addi %scan3A_28, %scan3A_29 : i32
    %scan3A_31 = arith.constant 1 : i32
    scf.for %scan3A_40 = %scan3A_28 to %scan3A_30 step %scan3A_31  : i32 {
      %mul3A_41 = arith.constant 4 : i32
      %mul3A_42 = arith.muli %scan3A_40, %mul3A_41 : i32
      %add3A_43 = arith.constant 0 : i32
      %add3A_44 = arith.addi %mul3A_42, %add3A_43 : i32
      %dma_start3A = arith.constant 0 : i32
      %dma_start3A_45 = tpu.memref_slice %arg4[%add3A_44, %dma_start3A] : memref<80x128xi32, #tpu.memory_space<vmem>> -> memref<1x128xi32, #tpu.memory_space<vmem>>
      %dma_start3A_46 = tpu.memref_squeeze %dma_start3A_45 : memref<1x128xi32, #tpu.memory_space<vmem>> -> memref<128xi32, #tpu.memory_space<vmem>>
      %dma_start3A_47 = arith.constant 0 : i32
      %dma_start3A_48 = arith.constant 0 : i32
      %dma_start3A_49 = tpu.memref_slice %arg6[%dma_start3A_47, %dma_start3A_48] : memref<10112x128xf32, #tpu.memory_space<vmem_shared>> -> memref<10112x128xf32, #tpu.memory_space<vmem_shared>>
      tpu.enqueue_indirect_dma source(%arg5 : memref<128x128xf32, #tpu.memory_space<vmem>>) target(%dma_start3A_49 : memref<10112x128xf32, #tpu.memory_space<vmem_shared>>) offsets(%dma_start3A_46 : memref<128xi32, #tpu.memory_space<vmem>>) semaphore(%arg7 : memref<!tpu.dma_semaphore, #tpu.memory_space<semaphore_mem>>) {add = true}
      %mul3A_50 = arith.constant 4 : i32
      %mul3A_51 = arith.muli %scan3A_40, %mul3A_50 : i32
      %add3A_52 = arith.constant 1 : i32
      %add3A_53 = arith.addi %mul3A_51, %add3A_52 : i32
      %dma_start3A_54 = arith.constant 0 : i32
      %dma_start3A_55 = tpu.memref_slice %arg4[%add3A_53, %dma_start3A_54] : memref<80x128xi32, #tpu.memory_space<vmem>> -> memref<1x128xi32, #tpu.memory_space<vmem>>
      %dma_start3A_56 = tpu.memref_squeeze %dma_start3A_55 : memref<1x128xi32, #tpu.memory_space<vmem>> -> memref<128xi32, #tpu.memory_space<vmem>>
      %dma_start3A_57 = arith.constant 0 : i32
      %dma_start3A_58 = arith.constant 0 : i32
      %dma_start3A_59 = tpu.memref_slice %arg6[%dma_start3A_57, %dma_start3A_58] : memref<10112x128xf32, #tpu.memory_space<vmem_shared>> -> memref<10112x128xf32, #tpu.memory_space<vmem_shared>>
      tpu.enqueue_indirect_dma source(%arg5 : memref<128x128xf32, #tpu.memory_space<vmem>>) target(%dma_start3A_59 : memref<10112x128xf32, #tpu.memory_space<vmem_shared>>) offsets(%dma_start3A_56 : memref<128xi32, #tpu.memory_space<vmem>>) semaphore(%arg8 : memref<!tpu.dma_semaphore, #tpu.memory_space<semaphore_mem>>) {add = true}
      %mul3A_60 = arith.constant 4 : i32
      %mul3A_61 = arith.muli %scan3A_40, %mul3A_60 : i32
      %add3A_62 = arith.constant 2 : i32
      %add3A_63 = arith.addi %mul3A_61, %add3A_62 : i32
      %dma_start3A_64 = arith.constant 0 : i32
      %dma_start3A_65 = tpu.memref_slice %arg4[%add3A_63, %dma_start3A_64] : memref<80x128xi32, #tpu.memory_space<vmem>> -> memref<1x128xi32, #tpu.memory_space<vmem>>
      %dma_start3A_66 = tpu.memref_squeeze %dma_start3A_65 : memref<1x128xi32, #tpu.memory_space<vmem>> -> memref<128xi32, #tpu.memory_space<vmem>>
      %dma_start3A_67 = arith.constant 0 : i32
      %dma_start3A_68 = arith.constant 0 : i32
      %dma_start3A_69 = tpu.memref_slice %arg6[%dma_start3A_67, %dma_start3A_68] : memref<10112x128xf32, #tpu.memory_space<vmem_shared>> -> memref<10112x128xf32, #tpu.memory_space<vmem_shared>>
      tpu.enqueue_indirect_dma source(%arg5 : memref<128x128xf32, #tpu.memory_space<vmem>>) target(%dma_start3A_69 : memref<10112x128xf32, #tpu.memory_space<vmem_shared>>) offsets(%dma_start3A_66 : memref<128xi32, #tpu.memory_space<vmem>>) semaphore(%arg9 : memref<!tpu.dma_semaphore, #tpu.memory_space<semaphore_mem>>) {add = true}
      %mul3A_70 = arith.constant 4 : i32
      %mul3A_71 = arith.muli %scan3A_40, %mul3A_70 : i32
      %add3A_72 = arith.constant 3 : i32
      %add3A_73 = arith.addi %mul3A_71, %add3A_72 : i32
      %dma_start3A_74 = arith.constant 0 : i32
      %dma_start3A_75 = tpu.memref_slice %arg4[%add3A_73, %dma_start3A_74] : memref<80x128xi32, #tpu.memory_space<vmem>> -> memref<1x128xi32, #tpu.memory_space<vmem>>
      %dma_start3A_76 = tpu.memref_squeeze %dma_start3A_75 : memref<1x128xi32, #tpu.memory_space<vmem>> -> memref<128xi32, #tpu.memory_space<vmem>>
      %dma_start3A_77 = arith.constant 0 : i32
      %dma_start3A_78 = arith.constant 0 : i32
      %dma_start3A_79 = tpu.memref_slice %arg6[%dma_start3A_77, %dma_start3A_78] : memref<10112x128xf32, #tpu.memory_space<vmem_shared>> -> memref<10112x128xf32, #tpu.memory_space<vmem_shared>>
      tpu.enqueue_indirect_dma source(%arg5 : memref<128x128xf32, #tpu.memory_space<vmem>>) target(%dma_start3A_79 : memref<10112x128xf32, #tpu.memory_space<vmem_shared>>) offsets(%dma_start3A_76 : memref<128xi32, #tpu.memory_space<vmem>>) semaphore(%arg10 : memref<!tpu.dma_semaphore, #tpu.memory_space<semaphore_mem>>) {add = true}
    }
    %scan3A_32 = arith.constant 20 : i32
    %scan3A_33 = arith.constant 0 : i32
    %scan3A_34 = arith.constant 0 : i32
    %scan3A_35 = arith.constant 20 : i32
    %scan3A_36 = arith.addi %scan3A_34, %scan3A_35 : i32
    %scan3A_37 = arith.constant 1 : i32
    scf.for %scan3A_40 = %scan3A_34 to %scan3A_36 step %scan3A_37  : i32 {
      %dma_wait3A = arith.constant 0 : i32
      %dma_wait3A_41 = arith.constant 0 : i32
      %dma_wait3A_42 = tpu.memref_slice %arg4[%dma_wait3A, %dma_wait3A_41] : memref<80x128xi32, #tpu.memory_space<vmem>> -> memref<1x128xi32, #tpu.memory_space<vmem>>
      %dma_wait3A_43 = tpu.memref_squeeze %dma_wait3A_42 : memref<1x128xi32, #tpu.memory_space<vmem>> -> memref<128xi32, #tpu.memory_space<vmem>>
      %dma_wait3A_44 = arith.constant 0 : i32
      %dma_wait3A_45 = arith.constant 0 : i32
      %dma_wait3A_46 = tpu.memref_slice %arg6[%dma_wait3A_44, %dma_wait3A_45] : memref<10112x128xf32, #tpu.memory_space<vmem_shared>> -> memref<10112x128xf32, #tpu.memory_space<vmem_shared>>
      tpu.wait_indirect_dma semaphore(%arg7 : memref<!tpu.dma_semaphore, #tpu.memory_space<semaphore_mem>>) src(%arg5 : memref<128x128xf32, #tpu.memory_space<vmem>>) dst(%dma_wait3A_46 : memref<10112x128xf32, #tpu.memory_space<vmem_shared>>)
      %dma_wait3A_47 = arith.constant 0 : i32
      %dma_wait3A_48 = arith.constant 0 : i32
      %dma_wait3A_49 = tpu.memref_slice %arg4[%dma_wait3A_47, %dma_wait3A_48] : memref<80x128xi32, #tpu.memory_space<vmem>> -> memref<1x128xi32, #tpu.memory_space<vmem>>
      %dma_wait3A_50 = tpu.memref_squeeze %dma_wait3A_49 : memref<1x128xi32, #tpu.memory_space<vmem>> -> memref<128xi32, #tpu.memory_space<vmem>>
      %dma_wait3A_51 = arith.constant 0 : i32
      %dma_wait3A_52 = arith.constant 0 : i32
      %dma_wait3A_53 = tpu.memref_slice %arg6[%dma_wait3A_51, %dma_wait3A_52] : memref<10112x128xf32, #tpu.memory_space<vmem_shared>> -> memref<10112x128xf32, #tpu.memory_space<vmem_shared>>
      tpu.wait_indirect_dma semaphore(%arg8 : memref<!tpu.dma_semaphore, #tpu.memory_space<semaphore_mem>>) src(%arg5 : memref<128x128xf32, #tpu.memory_space<vmem>>) dst(%dma_wait3A_53 : memref<10112x128xf32, #tpu.memory_space<vmem_shared>>)
      %dma_wait3A_54 = arith.constant 0 : i32
      %dma_wait3A_55 = arith.constant 0 : i32
      %dma_wait3A_56 = tpu.memref_slice %arg4[%dma_wait3A_54, %dma_wait3A_55] : memref<80x128xi32, #tpu.memory_space<vmem>> -> memref<1x128xi32, #tpu.memory_space<vmem>>
      %dma_wait3A_57 = tpu.memref_squeeze %dma_wait3A_56 : memref<1x128xi32, #tpu.memory_space<vmem>> -> memref<128xi32, #tpu.memory_space<vmem>>
      %dma_wait3A_58 = arith.constant 0 : i32
      %dma_wait3A_59 = arith.constant 0 : i32
      %dma_wait3A_60 = tpu.memref_slice %arg6[%dma_wait3A_58, %dma_wait3A_59] : memref<10112x128xf32, #tpu.memory_space<vmem_shared>> -> memref<10112x128xf32, #tpu.memory_space<vmem_shared>>
      tpu.wait_indirect_dma semaphore(%arg9 : memref<!tpu.dma_semaphore, #tpu.memory_space<semaphore_mem>>) src(%arg5 : memref<128x128xf32, #tpu.memory_space<vmem>>) dst(%dma_wait3A_60 : memref<10112x128xf32, #tpu.memory_space<vmem_shared>>)
      %dma_wait3A_61 = arith.constant 0 : i32
      %dma_wait3A_62 = arith.constant 0 : i32
      %dma_wait3A_63 = tpu.memref_slice %arg4[%dma_wait3A_61, %dma_wait3A_62] : memref<80x128xi32, #tpu.memory_space<vmem>> -> memref<1x128xi32, #tpu.memory_space<vmem>>
      %dma_wait3A_64 = tpu.memref_squeeze %dma_wait3A_63 : memref<1x128xi32, #tpu.memory_space<vmem>> -> memref<128xi32, #tpu.memory_space<vmem>>
      %dma_wait3A_65 = arith.constant 0 : i32
      %dma_wait3A_66 = arith.constant 0 : i32
      %dma_wait3A_67 = tpu.memref_slice %arg6[%dma_wait3A_65, %dma_wait3A_66] : memref<10112x128xf32, #tpu.memory_space<vmem_shared>> -> memref<10112x128xf32, #tpu.memory_space<vmem_shared>>
      tpu.wait_indirect_dma semaphore(%arg10 : memref<!tpu.dma_semaphore, #tpu.memory_space<semaphore_mem>>) src(%arg5 : memref<128x128xf32, #tpu.memory_space<vmem>>) dst(%dma_wait3A_67 : memref<10112x128xf32, #tpu.memory_space<vmem_shared>>)
    }
    %scan3A_38 = arith.constant 20 : i32
    %barrier3A_39 = arith.constant 0 : index
    tpu.barrier barrier_id(%barrier3A_39)
    "tpu.region"() ({
      %run_scoped3A = tpu.sem_alloc : memref<!tpu.dma_semaphore, #tpu.memory_space<semaphore_mem>>
      %dma_start3A = arith.constant 0 : i32
      %dma_start3A_40 = arith.constant 0 : i32
      %dma_start3A_41 = tpu.memref_slice %arg3[%arg0, %dma_start3A, %dma_start3A_40] : memref<2x10112x128xf32, #tpu.memory_space<hbm>> -> memref<1x10112x128xf32, #tpu.memory_space<hbm>>
      %dma_start3A_42 = tpu.memref_squeeze %dma_start3A_41 : memref<1x10112x128xf32, #tpu.memory_space<hbm>> -> memref<10112x128xf32, #tpu.memory_space<hbm>>
      %dma_start3A_43 = arith.constant 0 : i32
      %dma_start3A_44 = tpu.memref_slice %dma_start3A_42[%mul3A_8, %dma_start3A_43] : memref<10112x128xf32, #tpu.memory_space<hbm>> -> memref<632x128xf32, #tpu.memory_space<hbm>>
      %dma_start3A_45 = arith.constant 0 : i32
      %dma_start3A_46 = tpu.memref_slice %arg6[%mul3A_8, %dma_start3A_45] : memref<10112x128xf32, #tpu.memory_space<vmem_shared>> -> memref<632x128xf32, #tpu.memory_space<vmem_shared>>
      tpu.enqueue_dma source(%dma_start3A_46 : memref<632x128xf32, #tpu.memory_space<vmem_shared>>) target(%dma_start3A_44 : memref<632x128xf32, #tpu.memory_space<hbm>>) target_semaphore(%run_scoped3A : memref<!tpu.dma_semaphore, #tpu.memory_space<semaphore_mem>>)
      %dma_wait3A = arith.constant 0 : i32
      %dma_wait3A_47 = arith.constant 0 : i32
      %dma_wait3A_48 = tpu.memref_slice %arg3[%arg0, %dma_wait3A, %dma_wait3A_47] : memref<2x10112x128xf32, #tpu.memory_space<hbm>> -> memref<1x10112x128xf32, #tpu.memory_space<hbm>>
      %dma_wait3A_49 = tpu.memref_squeeze %dma_wait3A_48 : memref<1x10112x128xf32, #tpu.memory_space<hbm>> -> memref<10112x128xf32, #tpu.memory_space<hbm>>
      %dma_wait3A_50 = arith.constant 0 : i32
      %dma_wait3A_51 = tpu.memref_slice %dma_wait3A_49[%mul3A_8, %dma_wait3A_50] : memref<10112x128xf32, #tpu.memory_space<hbm>> -> memref<632x128xf32, #tpu.memory_space<hbm>>
      %dma_wait3A_52 = arith.constant 0 : i32
      %dma_wait3A_53 = tpu.memref_slice %arg6[%mul3A_8, %dma_wait3A_52] : memref<10112x128xf32, #tpu.memory_space<vmem_shared>> -> memref<632x128xf32, #tpu.memory_space<vmem_shared>>
      tpu.wait_dma2 semaphore(%run_scoped3A : memref<!tpu.dma_semaphore, #tpu.memory_space<semaphore_mem>>) src(%dma_wait3A_53 : memref<632x128xf32, #tpu.memory_space<vmem_shared>>) dst(%dma_wait3A_51 : memref<632x128xf32, #tpu.memory_space<hbm>>)
      tpu.yield
    }) : () -> ()
    return
  }
}

#map = affine_map<(d0, d1) -> (0, 0)>
#map1 = affine_map<(d0, d1) -> (0, 0, 0, 0)>
#map2 = affine_map<(d0, d1) -> (0, 0, 0)>
module attributes {stable_mosaic.version = 14 : i64} {
  func.func @_prop_body(%arg0: i32, %arg1: i32, %arg2: memref<10000x128xf32, #tpu.memory_space<hbm>>, %arg3: memref<32x2x40x128xi32, #tpu.memory_space<hbm>>, %arg4: memref<32x2x40x128xi32, #tpu.memory_space<hbm>>, %arg5: memref<2x10112x128xf32, #tpu.memory_space<hbm>>, %arg6: memref<40x128xi32, #tpu.memory_space<vmem>>, %arg7: memref<40x128xi32, #tpu.memory_space<vmem>>, %arg8: memref<128x128xf32, #tpu.memory_space<vmem>>, %arg9: memref<128x128xf32, #tpu.memory_space<vmem>>, %arg10: memref<10112x128xf32, #tpu.memory_space<vmem_shared>>, %arg11: memref<!tpu.dma_semaphore, #tpu.memory_space<semaphore_mem>>, %arg12: memref<!tpu.dma_semaphore, #tpu.memory_space<semaphore_mem>>, %arg13: memref<!tpu.dma_semaphore, #tpu.memory_space<semaphore_mem>>, %arg14: memref<!tpu.dma_semaphore, #tpu.memory_space<semaphore_mem>>) attributes {dimension_semantics = [#tpu.dimension_semantics<core_parallel>, #tpu.dimension_semantics<subcore_parallel>], iteration_bounds = array<i64: 2, 16>, scalar_prefetch = 0 : i64, scratch_operands = 9 : i64, tpu.core_type = #tpu.core_type<sc_vector_subcore>, window_params = [{transform_indices = #map}, {transform_indices = #map1}, {transform_indices = #map1}, {transform_indices = #map2}]} {
    %mul3A = arith.constant 16 : i32
    %mul3A_0 = arith.muli %arg0, %mul3A : i32
    %add3A = arith.addi %mul3A_0, %arg1 : i32
    %broadcast_in_dim3A = arith.constant 0.000000e+00 : f32
    %broadcast_in_dim3A_1 = vector.broadcast %broadcast_in_dim3A : f32 to vector<16xf32>
    %scan3A = arith.constant 0 : i32
    %scan3A_2 = arith.constant 0 : i32
    %scan3A_3 = arith.constant 128 : i32
    %scan3A_4 = arith.addi %scan3A_2, %scan3A_3 : i32
    %scan3A_5 = arith.constant 1 : i32
    scf.for %scan3A_62 = %scan3A_2 to %scan3A_4 step %scan3A_5  : i32 {
      %swap3A = arith.index_cast %scan3A_62 : i32 to index
      %swap3A_63 = arith.constant 0 : index
      %swap3A_64 = tpu.vector_load %arg8[%swap3A, %swap3A_63] {strides = array<i32>} : memref<128x128xf32, #tpu.memory_space<vmem>>, vector<1x16xf32>,
      %swap3A_65 = vector.shape_cast %swap3A_64 : vector<1x16xf32> to vector<16xf32>
      %swap3A_66 = vector.shape_cast %broadcast_in_dim3A_1 : vector<16xf32> to vector<1x16xf32>
      tpu.vector_store %arg8[%swap3A, %swap3A_63], %swap3A_66 {strides = array<i32>} : memref<128x128xf32, #tpu.memory_space<vmem>>, vector<1x16xf32>,
      %swap3A_67 = arith.index_cast %scan3A_62 : i32 to index
      %swap3A_68 = arith.constant 16 : index
      %swap3A_69 = tpu.vector_load %arg8[%swap3A_67, %swap3A_68] {strides = array<i32>} : memref<128x128xf32, #tpu.memory_space<vmem>>, vector<1x16xf32>,
      %swap3A_70 = vector.shape_cast %swap3A_69 : vector<1x16xf32> to vector<16xf32>
      %swap3A_71 = vector.shape_cast %broadcast_in_dim3A_1 : vector<16xf32> to vector<1x16xf32>
      tpu.vector_store %arg8[%swap3A_67, %swap3A_68], %swap3A_71 {strides = array<i32>} : memref<128x128xf32, #tpu.memory_space<vmem>>, vector<1x16xf32>,
      %swap3A_72 = arith.index_cast %scan3A_62 : i32 to index
      %swap3A_73 = arith.constant 32 : index
      %swap3A_74 = tpu.vector_load %arg8[%swap3A_72, %swap3A_73] {strides = array<i32>} : memref<128x128xf32, #tpu.memory_space<vmem>>, vector<1x16xf32>,
      %swap3A_75 = vector.shape_cast %swap3A_74 : vector<1x16xf32> to vector<16xf32>
      %swap3A_76 = vector.shape_cast %broadcast_in_dim3A_1 : vector<16xf32> to vector<1x16xf32>
      tpu.vector_store %arg8[%swap3A_72, %swap3A_73], %swap3A_76 {strides = array<i32>} : memref<128x128xf32, #tpu.memory_space<vmem>>, vector<1x16xf32>,
      %swap3A_77 = arith.index_cast %scan3A_62 : i32 to index
      %swap3A_78 = arith.constant 48 : index
      %swap3A_79 = tpu.vector_load %arg8[%swap3A_77, %swap3A_78] {strides = array<i32>} : memref<128x128xf32, #tpu.memory_space<vmem>>, vector<1x16xf32>,
      %swap3A_80 = vector.shape_cast %swap3A_79 : vector<1x16xf32> to vector<16xf32>
      %swap3A_81 = vector.shape_cast %broadcast_in_dim3A_1 : vector<16xf32> to vector<1x16xf32>
      tpu.vector_store %arg8[%swap3A_77, %swap3A_78], %swap3A_81 {strides = array<i32>} : memref<128x128xf32, #tpu.memory_space<vmem>>, vector<1x16xf32>,
      %swap3A_82 = arith.index_cast %scan3A_62 : i32 to index
      %swap3A_83 = arith.constant 64 : index
      %swap3A_84 = tpu.vector_load %arg8[%swap3A_82, %swap3A_83] {strides = array<i32>} : memref<128x128xf32, #tpu.memory_space<vmem>>, vector<1x16xf32>,
      %swap3A_85 = vector.shape_cast %swap3A_84 : vector<1x16xf32> to vector<16xf32>
      %swap3A_86 = vector.shape_cast %broadcast_in_dim3A_1 : vector<16xf32> to vector<1x16xf32>
      tpu.vector_store %arg8[%swap3A_82, %swap3A_83], %swap3A_86 {strides = array<i32>} : memref<128x128xf32, #tpu.memory_space<vmem>>, vector<1x16xf32>,
      %swap3A_87 = arith.index_cast %scan3A_62 : i32 to index
      %swap3A_88 = arith.constant 80 : index
      %swap3A_89 = tpu.vector_load %arg8[%swap3A_87, %swap3A_88] {strides = array<i32>} : memref<128x128xf32, #tpu.memory_space<vmem>>, vector<1x16xf32>,
      %swap3A_90 = vector.shape_cast %swap3A_89 : vector<1x16xf32> to vector<16xf32>
      %swap3A_91 = vector.shape_cast %broadcast_in_dim3A_1 : vector<16xf32> to vector<1x16xf32>
      tpu.vector_store %arg8[%swap3A_87, %swap3A_88], %swap3A_91 {strides = array<i32>} : memref<128x128xf32, #tpu.memory_space<vmem>>, vector<1x16xf32>,
      %swap3A_92 = arith.index_cast %scan3A_62 : i32 to index
      %swap3A_93 = arith.constant 96 : index
      %swap3A_94 = tpu.vector_load %arg8[%swap3A_92, %swap3A_93] {strides = array<i32>} : memref<128x128xf32, #tpu.memory_space<vmem>>, vector<1x16xf32>,
      %swap3A_95 = vector.shape_cast %swap3A_94 : vector<1x16xf32> to vector<16xf32>
      %swap3A_96 = vector.shape_cast %broadcast_in_dim3A_1 : vector<16xf32> to vector<1x16xf32>
      tpu.vector_store %arg8[%swap3A_92, %swap3A_93], %swap3A_96 {strides = array<i32>} : memref<128x128xf32, #tpu.memory_space<vmem>>, vector<1x16xf32>,
      %swap3A_97 = arith.index_cast %scan3A_62 : i32 to index
      %swap3A_98 = arith.constant 112 : index
      %swap3A_99 = tpu.vector_load %arg8[%swap3A_97, %swap3A_98] {strides = array<i32>} : memref<128x128xf32, #tpu.memory_space<vmem>>, vector<1x16xf32>,
      %swap3A_100 = vector.shape_cast %swap3A_99 : vector<1x16xf32> to vector<16xf32>
      %swap3A_101 = vector.shape_cast %broadcast_in_dim3A_1 : vector<16xf32> to vector<1x16xf32>
      tpu.vector_store %arg8[%swap3A_97, %swap3A_98], %swap3A_101 {strides = array<i32>} : memref<128x128xf32, #tpu.memory_space<vmem>>, vector<1x16xf32>,
    }
    %scan3A_6 = arith.constant 128 : i32
    %mul3A_7 = arith.constant 632 : i32
    %mul3A_8 = arith.muli %arg1, %mul3A_7 : i32
    %add3A_9 = arith.constant 0 : i32
    %add3A_10 = arith.addi %mul3A_8, %add3A_9 : i32
    "tpu.region"() ({
      %run_scoped3A_62 = tpu.sem_alloc : memref<!tpu.dma_semaphore, #tpu.memory_space<semaphore_mem>>
      %dma_start3A_63 = arith.constant 0 : i32
      %dma_start3A_64 = tpu.memref_slice %arg10[%add3A_10, %dma_start3A_63] : memref<10112x128xf32, #tpu.memory_space<vmem_shared>> -> memref<128x128xf32, #tpu.memory_space<vmem_shared>>
      %dma_start3A_65 = arith.constant 0 : i32
      %dma_start3A_66 = tpu.memref_slice %arg10[%add3A_10, %dma_start3A_65] : memref<10112x128xf32, #tpu.memory_space<vmem_shared>> -> memref<128x128xf32, #tpu.memory_space<vmem_shared>>
      tpu.enqueue_dma source(%arg8 : memref<128x128xf32, #tpu.memory_space<vmem>>) target(%dma_start3A_66 : memref<128x128xf32, #tpu.memory_space<vmem_shared>>) target_semaphore(%run_scoped3A_62 : memref<!tpu.dma_semaphore, #tpu.memory_space<semaphore_mem>>)
      %dma_wait3A = arith.constant 0 : i32
      %dma_wait3A_67 = tpu.memref_slice %arg10[%add3A_10, %dma_wait3A] : memref<10112x128xf32, #tpu.memory_space<vmem_shared>> -> memref<128x128xf32, #tpu.memory_space<vmem_shared>>
      %dma_wait3A_68 = arith.constant 0 : i32
      %dma_wait3A_69 = tpu.memref_slice %arg10[%add3A_10, %dma_wait3A_68] : memref<10112x128xf32, #tpu.memory_space<vmem_shared>> -> memref<128x128xf32, #tpu.memory_space<vmem_shared>>
      tpu.wait_dma2 semaphore(%run_scoped3A_62 : memref<!tpu.dma_semaphore, #tpu.memory_space<semaphore_mem>>) src(%arg8 : memref<128x128xf32, #tpu.memory_space<vmem>>) dst(%dma_wait3A_69 : memref<128x128xf32, #tpu.memory_space<vmem_shared>>)
      tpu.yield
    }) : () -> ()
    %add3A_11 = arith.constant 128 : i32
    %add3A_12 = arith.addi %mul3A_8, %add3A_11 : i32
    "tpu.region"() ({
      %run_scoped3A_62 = tpu.sem_alloc : memref<!tpu.dma_semaphore, #tpu.memory_space<semaphore_mem>>
      %dma_start3A_63 = arith.constant 0 : i32
      %dma_start3A_64 = tpu.memref_slice %arg10[%add3A_12, %dma_start3A_63] : memref<10112x128xf32, #tpu.memory_space<vmem_shared>> -> memref<128x128xf32, #tpu.memory_space<vmem_shared>>
      %dma_start3A_65 = arith.constant 0 : i32
      %dma_start3A_66 = tpu.memref_slice %arg10[%add3A_12, %dma_start3A_65] : memref<10112x128xf32, #tpu.memory_space<vmem_shared>> -> memref<128x128xf32, #tpu.memory_space<vmem_shared>>
      tpu.enqueue_dma source(%arg8 : memref<128x128xf32, #tpu.memory_space<vmem>>) target(%dma_start3A_66 : memref<128x128xf32, #tpu.memory_space<vmem_shared>>) target_semaphore(%run_scoped3A_62 : memref<!tpu.dma_semaphore, #tpu.memory_space<semaphore_mem>>)
      %dma_wait3A = arith.constant 0 : i32
      %dma_wait3A_67 = tpu.memref_slice %arg10[%add3A_12, %dma_wait3A] : memref<10112x128xf32, #tpu.memory_space<vmem_shared>> -> memref<128x128xf32, #tpu.memory_space<vmem_shared>>
      %dma_wait3A_68 = arith.constant 0 : i32
      %dma_wait3A_69 = tpu.memref_slice %arg10[%add3A_12, %dma_wait3A_68] : memref<10112x128xf32, #tpu.memory_space<vmem_shared>> -> memref<128x128xf32, #tpu.memory_space<vmem_shared>>
      tpu.wait_dma2 semaphore(%run_scoped3A_62 : memref<!tpu.dma_semaphore, #tpu.memory_space<semaphore_mem>>) src(%arg8 : memref<128x128xf32, #tpu.memory_space<vmem>>) dst(%dma_wait3A_69 : memref<128x128xf32, #tpu.memory_space<vmem_shared>>)
      tpu.yield
    }) : () -> ()
    %add3A_13 = arith.constant 256 : i32
    %add3A_14 = arith.addi %mul3A_8, %add3A_13 : i32
    "tpu.region"() ({
      %run_scoped3A_62 = tpu.sem_alloc : memref<!tpu.dma_semaphore, #tpu.memory_space<semaphore_mem>>
      %dma_start3A_63 = arith.constant 0 : i32
      %dma_start3A_64 = tpu.memref_slice %arg10[%add3A_14, %dma_start3A_63] : memref<10112x128xf32, #tpu.memory_space<vmem_shared>> -> memref<128x128xf32, #tpu.memory_space<vmem_shared>>
      %dma_start3A_65 = arith.constant 0 : i32
      %dma_start3A_66 = tpu.memref_slice %arg10[%add3A_14, %dma_start3A_65] : memref<10112x128xf32, #tpu.memory_space<vmem_shared>> -> memref<128x128xf32, #tpu.memory_space<vmem_shared>>
      tpu.enqueue_dma source(%arg8 : memref<128x128xf32, #tpu.memory_space<vmem>>) target(%dma_start3A_66 : memref<128x128xf32, #tpu.memory_space<vmem_shared>>) target_semaphore(%run_scoped3A_62 : memref<!tpu.dma_semaphore, #tpu.memory_space<semaphore_mem>>)
      %dma_wait3A = arith.constant 0 : i32
      %dma_wait3A_67 = tpu.memref_slice %arg10[%add3A_14, %dma_wait3A] : memref<10112x128xf32, #tpu.memory_space<vmem_shared>> -> memref<128x128xf32, #tpu.memory_space<vmem_shared>>
      %dma_wait3A_68 = arith.constant 0 : i32
      %dma_wait3A_69 = tpu.memref_slice %arg10[%add3A_14, %dma_wait3A_68] : memref<10112x128xf32, #tpu.memory_space<vmem_shared>> -> memref<128x128xf32, #tpu.memory_space<vmem_shared>>
      tpu.wait_dma2 semaphore(%run_scoped3A_62 : memref<!tpu.dma_semaphore, #tpu.memory_space<semaphore_mem>>) src(%arg8 : memref<128x128xf32, #tpu.memory_space<vmem>>) dst(%dma_wait3A_69 : memref<128x128xf32, #tpu.memory_space<vmem_shared>>)
      tpu.yield
    }) : () -> ()
    %add3A_15 = arith.constant 384 : i32
    %add3A_16 = arith.addi %mul3A_8, %add3A_15 : i32
    "tpu.region"() ({
      %run_scoped3A_62 = tpu.sem_alloc : memref<!tpu.dma_semaphore, #tpu.memory_space<semaphore_mem>>
      %dma_start3A_63 = arith.constant 0 : i32
      %dma_start3A_64 = tpu.memref_slice %arg10[%add3A_16, %dma_start3A_63] : memref<10112x128xf32, #tpu.memory_space<vmem_shared>> -> memref<128x128xf32, #tpu.memory_space<vmem_shared>>
      %dma_start3A_65 = arith.constant 0 : i32
      %dma_start3A_66 = tpu.memref_slice %arg10[%add3A_16, %dma_start3A_65] : memref<10112x128xf32, #tpu.memory_space<vmem_shared>> -> memref<128x128xf32, #tpu.memory_space<vmem_shared>>
      tpu.enqueue_dma source(%arg8 : memref<128x128xf32, #tpu.memory_space<vmem>>) target(%dma_start3A_66 : memref<128x128xf32, #tpu.memory_space<vmem_shared>>) target_semaphore(%run_scoped3A_62 : memref<!tpu.dma_semaphore, #tpu.memory_space<semaphore_mem>>)
      %dma_wait3A = arith.constant 0 : i32
      %dma_wait3A_67 = tpu.memref_slice %arg10[%add3A_16, %dma_wait3A] : memref<10112x128xf32, #tpu.memory_space<vmem_shared>> -> memref<128x128xf32, #tpu.memory_space<vmem_shared>>
      %dma_wait3A_68 = arith.constant 0 : i32
      %dma_wait3A_69 = tpu.memref_slice %arg10[%add3A_16, %dma_wait3A_68] : memref<10112x128xf32, #tpu.memory_space<vmem_shared>> -> memref<128x128xf32, #tpu.memory_space<vmem_shared>>
      tpu.wait_dma2 semaphore(%run_scoped3A_62 : memref<!tpu.dma_semaphore, #tpu.memory_space<semaphore_mem>>) src(%arg8 : memref<128x128xf32, #tpu.memory_space<vmem>>) dst(%dma_wait3A_69 : memref<128x128xf32, #tpu.memory_space<vmem_shared>>)
      tpu.yield
    }) : () -> ()
    %add3A_17 = arith.constant 512 : i32
    %add3A_18 = arith.addi %mul3A_8, %add3A_17 : i32
    "tpu.region"() ({
      %run_scoped3A_62 = tpu.sem_alloc : memref<!tpu.dma_semaphore, #tpu.memory_space<semaphore_mem>>
      %dma_start3A_63 = arith.constant 0 : i32
      %dma_start3A_64 = arith.constant 0 : i32
      %dma_start3A_65 = tpu.memref_slice %arg8[%dma_start3A_63, %dma_start3A_64] : memref<128x128xf32, #tpu.memory_space<vmem>> -> memref<120x128xf32, #tpu.memory_space<vmem>>
      %dma_start3A_66 = arith.constant 0 : i32
      %dma_start3A_67 = tpu.memref_slice %arg10[%add3A_18, %dma_start3A_66] : memref<10112x128xf32, #tpu.memory_space<vmem_shared>> -> memref<120x128xf32, #tpu.memory_space<vmem_shared>>
      %dma_start3A_68 = arith.constant 0 : i32
      %dma_start3A_69 = tpu.memref_slice %arg10[%add3A_18, %dma_start3A_68] : memref<10112x128xf32, #tpu.memory_space<vmem_shared>> -> memref<120x128xf32, #tpu.memory_space<vmem_shared>>
      %dma_start3A_70 = arith.constant 0 : i32
      %dma_start3A_71 = arith.constant 0 : i32
      %dma_start3A_72 = tpu.memref_slice %arg8[%dma_start3A_70, %dma_start3A_71] : memref<128x128xf32, #tpu.memory_space<vmem>> -> memref<120x128xf32, #tpu.memory_space<vmem>>
      tpu.enqueue_dma source(%dma_start3A_72 : memref<120x128xf32, #tpu.memory_space<vmem>>) target(%dma_start3A_69 : memref<120x128xf32, #tpu.memory_space<vmem_shared>>) target_semaphore(%run_scoped3A_62 : memref<!tpu.dma_semaphore, #tpu.memory_space<semaphore_mem>>)
      %dma_wait3A = arith.constant 0 : i32
      %dma_wait3A_73 = arith.constant 0 : i32
      %dma_wait3A_74 = tpu.memref_slice %arg8[%dma_wait3A, %dma_wait3A_73] : memref<128x128xf32, #tpu.memory_space<vmem>> -> memref<120x128xf32, #tpu.memory_space<vmem>>
      %dma_wait3A_75 = arith.constant 0 : i32
      %dma_wait3A_76 = tpu.memref_slice %arg10[%add3A_18, %dma_wait3A_75] : memref<10112x128xf32, #tpu.memory_space<vmem_shared>> -> memref<120x128xf32, #tpu.memory_space<vmem_shared>>
      %dma_wait3A_77 = arith.constant 0 : i32
      %dma_wait3A_78 = tpu.memref_slice %arg10[%add3A_18, %dma_wait3A_77] : memref<10112x128xf32, #tpu.memory_space<vmem_shared>> -> memref<120x128xf32, #tpu.memory_space<vmem_shared>>
      %dma_wait3A_79 = arith.constant 0 : i32
      %dma_wait3A_80 = arith.constant 0 : i32
      %dma_wait3A_81 = tpu.memref_slice %arg8[%dma_wait3A_79, %dma_wait3A_80] : memref<128x128xf32, #tpu.memory_space<vmem>> -> memref<120x128xf32, #tpu.memory_space<vmem>>
      tpu.wait_dma2 semaphore(%run_scoped3A_62 : memref<!tpu.dma_semaphore, #tpu.memory_space<semaphore_mem>>) src(%dma_wait3A_81 : memref<120x128xf32, #tpu.memory_space<vmem>>) dst(%dma_wait3A_78 : memref<120x128xf32, #tpu.memory_space<vmem_shared>>)
      tpu.yield
    }) : () -> ()
    %barrier3A = arith.constant 0 : index
    tpu.barrier barrier_id(%barrier3A)
    %run_scoped3A = arith.constant 0 : i32
    "tpu.region"() ({
      %run_scoped3A_62 = tpu.sem_alloc : memref<!tpu.dma_semaphore, #tpu.memory_space<semaphore_mem>>
      %dma_start3A_63 = arith.constant 0 : i32
      %dma_start3A_64 = arith.constant 0 : i32
      %dma_start3A_65 = arith.constant 0 : i32
      %dma_start3A_66 = tpu.memref_slice %arg3[%add3A, %dma_start3A_63, %dma_start3A_64, %dma_start3A_65] : memref<32x2x40x128xi32, #tpu.memory_space<hbm>> -> memref<1x2x40x128xi32, #tpu.memory_space<hbm>>
      %dma_start3A_67 = tpu.memref_squeeze %dma_start3A_66 : memref<1x2x40x128xi32, #tpu.memory_space<hbm>> -> memref<2x40x128xi32, #tpu.memory_space<hbm>>
      %dma_start3A_68 = arith.constant 0 : i32
      %dma_start3A_69 = arith.constant 0 : i32
      %dma_start3A_70 = tpu.memref_slice %dma_start3A_67[%run_scoped3A, %dma_start3A_68, %dma_start3A_69] : memref<2x40x128xi32, #tpu.memory_space<hbm>> -> memref<1x40x128xi32, #tpu.memory_space<hbm>>
      %dma_start3A_71 = tpu.memref_squeeze %dma_start3A_70 : memref<1x40x128xi32, #tpu.memory_space<hbm>> -> memref<40x128xi32, #tpu.memory_space<hbm>>
      %dma_start3A_72 = arith.constant 0 : i32
      %dma_start3A_73 = arith.constant 0 : i32
      %dma_start3A_74 = arith.constant 0 : i32
      %dma_start3A_75 = tpu.memref_slice %arg3[%add3A, %dma_start3A_72, %dma_start3A_73, %dma_start3A_74] : memref<32x2x40x128xi32, #tpu.memory_space<hbm>> -> memref<1x2x40x128xi32, #tpu.memory_space<hbm>>
      %dma_start3A_76 = tpu.memref_squeeze %dma_start3A_75 : memref<1x2x40x128xi32, #tpu.memory_space<hbm>> -> memref<2x40x128xi32, #tpu.memory_space<hbm>>
      %dma_start3A_77 = arith.constant 0 : i32
      %dma_start3A_78 = arith.constant 0 : i32
      %dma_start3A_79 = tpu.memref_slice %dma_start3A_76[%run_scoped3A, %dma_start3A_77, %dma_start3A_78] : memref<2x40x128xi32, #tpu.memory_space<hbm>> -> memref<1x40x128xi32, #tpu.memory_space<hbm>>
      %dma_start3A_80 = tpu.memref_squeeze %dma_start3A_79 : memref<1x40x128xi32, #tpu.memory_space<hbm>> -> memref<40x128xi32, #tpu.memory_space<hbm>>
      tpu.enqueue_dma source(%dma_start3A_80 : memref<40x128xi32, #tpu.memory_space<hbm>>) target(%arg6 : memref<40x128xi32, #tpu.memory_space<vmem>>) target_semaphore(%run_scoped3A_62 : memref<!tpu.dma_semaphore, #tpu.memory_space<semaphore_mem>>)
      %dma_wait3A = arith.constant 0 : i32
      %dma_wait3A_81 = arith.constant 0 : i32
      %dma_wait3A_82 = arith.constant 0 : i32
      %dma_wait3A_83 = tpu.memref_slice %arg3[%add3A, %dma_wait3A, %dma_wait3A_81, %dma_wait3A_82] : memref<32x2x40x128xi32, #tpu.memory_space<hbm>> -> memref<1x2x40x128xi32, #tpu.memory_space<hbm>>
      %dma_wait3A_84 = tpu.memref_squeeze %dma_wait3A_83 : memref<1x2x40x128xi32, #tpu.memory_space<hbm>> -> memref<2x40x128xi32, #tpu.memory_space<hbm>>
      %dma_wait3A_85 = arith.constant 0 : i32
      %dma_wait3A_86 = arith.constant 0 : i32
      %dma_wait3A_87 = tpu.memref_slice %dma_wait3A_84[%run_scoped3A, %dma_wait3A_85, %dma_wait3A_86] : memref<2x40x128xi32, #tpu.memory_space<hbm>> -> memref<1x40x128xi32, #tpu.memory_space<hbm>>
      %dma_wait3A_88 = tpu.memref_squeeze %dma_wait3A_87 : memref<1x40x128xi32, #tpu.memory_space<hbm>> -> memref<40x128xi32, #tpu.memory_space<hbm>>
      %dma_wait3A_89 = arith.constant 0 : i32
      %dma_wait3A_90 = arith.constant 0 : i32
      %dma_wait3A_91 = arith.constant 0 : i32
      %dma_wait3A_92 = tpu.memref_slice %arg3[%add3A, %dma_wait3A_89, %dma_wait3A_90, %dma_wait3A_91] : memref<32x2x40x128xi32, #tpu.memory_space<hbm>> -> memref<1x2x40x128xi32, #tpu.memory_space<hbm>>
      %dma_wait3A_93 = tpu.memref_squeeze %dma_wait3A_92 : memref<1x2x40x128xi32, #tpu.memory_space<hbm>> -> memref<2x40x128xi32, #tpu.memory_space<hbm>>
      %dma_wait3A_94 = arith.constant 0 : i32
      %dma_wait3A_95 = arith.constant 0 : i32
      %dma_wait3A_96 = tpu.memref_slice %dma_wait3A_93[%run_scoped3A, %dma_wait3A_94, %dma_wait3A_95] : memref<2x40x128xi32, #tpu.memory_space<hbm>> -> memref<1x40x128xi32, #tpu.memory_space<hbm>>
      %dma_wait3A_97 = tpu.memref_squeeze %dma_wait3A_96 : memref<1x40x128xi32, #tpu.memory_space<hbm>> -> memref<40x128xi32, #tpu.memory_space<hbm>>
      tpu.wait_dma2 semaphore(%run_scoped3A_62 : memref<!tpu.dma_semaphore, #tpu.memory_space<semaphore_mem>>) src(%dma_wait3A_97 : memref<40x128xi32, #tpu.memory_space<hbm>>) dst(%arg6 : memref<40x128xi32, #tpu.memory_space<vmem>>)
      tpu.yield
    }) : () -> ()
    %run_scoped3A_19 = arith.constant 0 : i32
    "tpu.region"() ({
      %run_scoped3A_62 = tpu.sem_alloc : memref<!tpu.dma_semaphore, #tpu.memory_space<semaphore_mem>>
      %dma_start3A_63 = arith.constant 0 : i32
      %dma_start3A_64 = arith.constant 0 : i32
      %dma_start3A_65 = arith.constant 0 : i32
      %dma_start3A_66 = tpu.memref_slice %arg4[%add3A, %dma_start3A_63, %dma_start3A_64, %dma_start3A_65] : memref<32x2x40x128xi32, #tpu.memory_space<hbm>> -> memref<1x2x40x128xi32, #tpu.memory_space<hbm>>
      %dma_start3A_67 = tpu.memref_squeeze %dma_start3A_66 : memref<1x2x40x128xi32, #tpu.memory_space<hbm>> -> memref<2x40x128xi32, #tpu.memory_space<hbm>>
      %dma_start3A_68 = arith.constant 0 : i32
      %dma_start3A_69 = arith.constant 0 : i32
      %dma_start3A_70 = tpu.memref_slice %dma_start3A_67[%run_scoped3A_19, %dma_start3A_68, %dma_start3A_69] : memref<2x40x128xi32, #tpu.memory_space<hbm>> -> memref<1x40x128xi32, #tpu.memory_space<hbm>>
      %dma_start3A_71 = tpu.memref_squeeze %dma_start3A_70 : memref<1x40x128xi32, #tpu.memory_space<hbm>> -> memref<40x128xi32, #tpu.memory_space<hbm>>
      %dma_start3A_72 = arith.constant 0 : i32
      %dma_start3A_73 = arith.constant 0 : i32
      %dma_start3A_74 = arith.constant 0 : i32
      %dma_start3A_75 = tpu.memref_slice %arg4[%add3A, %dma_start3A_72, %dma_start3A_73, %dma_start3A_74] : memref<32x2x40x128xi32, #tpu.memory_space<hbm>> -> memref<1x2x40x128xi32, #tpu.memory_space<hbm>>
      %dma_start3A_76 = tpu.memref_squeeze %dma_start3A_75 : memref<1x2x40x128xi32, #tpu.memory_space<hbm>> -> memref<2x40x128xi32, #tpu.memory_space<hbm>>
      %dma_start3A_77 = arith.constant 0 : i32
      %dma_start3A_78 = arith.constant 0 : i32
      %dma_start3A_79 = tpu.memref_slice %dma_start3A_76[%run_scoped3A_19, %dma_start3A_77, %dma_start3A_78] : memref<2x40x128xi32, #tpu.memory_space<hbm>> -> memref<1x40x128xi32, #tpu.memory_space<hbm>>
      %dma_start3A_80 = tpu.memref_squeeze %dma_start3A_79 : memref<1x40x128xi32, #tpu.memory_space<hbm>> -> memref<40x128xi32, #tpu.memory_space<hbm>>
      tpu.enqueue_dma source(%dma_start3A_80 : memref<40x128xi32, #tpu.memory_space<hbm>>) target(%arg7 : memref<40x128xi32, #tpu.memory_space<vmem>>) target_semaphore(%run_scoped3A_62 : memref<!tpu.dma_semaphore, #tpu.memory_space<semaphore_mem>>)
      %dma_wait3A = arith.constant 0 : i32
      %dma_wait3A_81 = arith.constant 0 : i32
      %dma_wait3A_82 = arith.constant 0 : i32
      %dma_wait3A_83 = tpu.memref_slice %arg4[%add3A, %dma_wait3A, %dma_wait3A_81, %dma_wait3A_82] : memref<32x2x40x128xi32, #tpu.memory_space<hbm>> -> memref<1x2x40x128xi32, #tpu.memory_space<hbm>>
      %dma_wait3A_84 = tpu.memref_squeeze %dma_wait3A_83 : memref<1x2x40x128xi32, #tpu.memory_space<hbm>> -> memref<2x40x128xi32, #tpu.memory_space<hbm>>
      %dma_wait3A_85 = arith.constant 0 : i32
      %dma_wait3A_86 = arith.constant 0 : i32
      %dma_wait3A_87 = tpu.memref_slice %dma_wait3A_84[%run_scoped3A_19, %dma_wait3A_85, %dma_wait3A_86] : memref<2x40x128xi32, #tpu.memory_space<hbm>> -> memref<1x40x128xi32, #tpu.memory_space<hbm>>
      %dma_wait3A_88 = tpu.memref_squeeze %dma_wait3A_87 : memref<1x40x128xi32, #tpu.memory_space<hbm>> -> memref<40x128xi32, #tpu.memory_space<hbm>>
      %dma_wait3A_89 = arith.constant 0 : i32
      %dma_wait3A_90 = arith.constant 0 : i32
      %dma_wait3A_91 = arith.constant 0 : i32
      %dma_wait3A_92 = tpu.memref_slice %arg4[%add3A, %dma_wait3A_89, %dma_wait3A_90, %dma_wait3A_91] : memref<32x2x40x128xi32, #tpu.memory_space<hbm>> -> memref<1x2x40x128xi32, #tpu.memory_space<hbm>>
      %dma_wait3A_93 = tpu.memref_squeeze %dma_wait3A_92 : memref<1x2x40x128xi32, #tpu.memory_space<hbm>> -> memref<2x40x128xi32, #tpu.memory_space<hbm>>
      %dma_wait3A_94 = arith.constant 0 : i32
      %dma_wait3A_95 = arith.constant 0 : i32
      %dma_wait3A_96 = tpu.memref_slice %dma_wait3A_93[%run_scoped3A_19, %dma_wait3A_94, %dma_wait3A_95] : memref<2x40x128xi32, #tpu.memory_space<hbm>> -> memref<1x40x128xi32, #tpu.memory_space<hbm>>
      %dma_wait3A_97 = tpu.memref_squeeze %dma_wait3A_96 : memref<1x40x128xi32, #tpu.memory_space<hbm>> -> memref<40x128xi32, #tpu.memory_space<hbm>>
      tpu.wait_dma2 semaphore(%run_scoped3A_62 : memref<!tpu.dma_semaphore, #tpu.memory_space<semaphore_mem>>) src(%dma_wait3A_97 : memref<40x128xi32, #tpu.memory_space<hbm>>) dst(%arg7 : memref<40x128xi32, #tpu.memory_space<vmem>>)
      tpu.yield
    }) : () -> ()
    %dma_start3A = arith.constant 0 : i32
    %dma_start3A_20 = arith.constant 0 : i32
    %dma_start3A_21 = tpu.memref_slice %arg6[%dma_start3A, %dma_start3A_20] : memref<40x128xi32, #tpu.memory_space<vmem>> -> memref<1x128xi32, #tpu.memory_space<vmem>>
    %dma_start3A_22 = tpu.memref_squeeze %dma_start3A_21 : memref<1x128xi32, #tpu.memory_space<vmem>> -> memref<128xi32, #tpu.memory_space<vmem>>
    %dma_start3A_23 = arith.constant 0 : i32
    %dma_start3A_24 = arith.constant 0 : i32
    %dma_start3A_25 = tpu.memref_slice %arg2[%dma_start3A_23, %dma_start3A_24] : memref<10000x128xf32, #tpu.memory_space<hbm>> -> memref<10000x128xf32, #tpu.memory_space<hbm>>
    tpu.enqueue_indirect_dma source(%dma_start3A_25 : memref<10000x128xf32, #tpu.memory_space<hbm>>) target(%arg8 : memref<128x128xf32, #tpu.memory_space<vmem>>) offsets(%dma_start3A_22 : memref<128xi32, #tpu.memory_space<vmem>>) semaphore(%arg11 : memref<!tpu.dma_semaphore, #tpu.memory_space<semaphore_mem>>)
    %dma_start3A_26 = arith.constant 1 : i32
    %dma_start3A_27 = arith.constant 0 : i32
    %dma_start3A_28 = tpu.memref_slice %arg6[%dma_start3A_26, %dma_start3A_27] : memref<40x128xi32, #tpu.memory_space<vmem>> -> memref<1x128xi32, #tpu.memory_space<vmem>>
    %dma_start3A_29 = tpu.memref_squeeze %dma_start3A_28 : memref<1x128xi32, #tpu.memory_space<vmem>> -> memref<128xi32, #tpu.memory_space<vmem>>
    %dma_start3A_30 = arith.constant 0 : i32
    %dma_start3A_31 = arith.constant 0 : i32
    %dma_start3A_32 = tpu.memref_slice %arg2[%dma_start3A_30, %dma_start3A_31] : memref<10000x128xf32, #tpu.memory_space<hbm>> -> memref<10000x128xf32, #tpu.memory_space<hbm>>
    tpu.enqueue_indirect_dma source(%dma_start3A_32 : memref<10000x128xf32, #tpu.memory_space<hbm>>) target(%arg9 : memref<128x128xf32, #tpu.memory_space<vmem>>) offsets(%dma_start3A_29 : memref<128xi32, #tpu.memory_space<vmem>>) semaphore(%arg12 : memref<!tpu.dma_semaphore, #tpu.memory_space<semaphore_mem>>)
    %scan3A_33 = arith.constant 0 : i32
    %scan3A_34 = arith.constant 0 : i32
    %scan3A_35 = arith.constant 20 : i32
    %scan3A_36 = arith.addi %scan3A_34, %scan3A_35 : i32
    %scan3A_37 = arith.constant 1 : i32
    scf.for %scan3A_62 = %scan3A_34 to %scan3A_36 step %scan3A_37  : i32 {
      %mul3A_63 = arith.constant 2 : i32
      %mul3A_64 = arith.muli %scan3A_62, %mul3A_63 : i32
      %add3A_65 = arith.constant 0 : i32
      %add3A_66 = arith.addi %mul3A_64, %add3A_65 : i32
      %dma_wait3A = arith.constant 0 : i32
      %dma_wait3A_67 = arith.constant 0 : i32
      %dma_wait3A_68 = tpu.memref_slice %arg6[%dma_wait3A, %dma_wait3A_67] : memref<40x128xi32, #tpu.memory_space<vmem>> -> memref<1x128xi32, #tpu.memory_space<vmem>>
      %dma_wait3A_69 = tpu.memref_squeeze %dma_wait3A_68 : memref<1x128xi32, #tpu.memory_space<vmem>> -> memref<128xi32, #tpu.memory_space<vmem>>
      %dma_wait3A_70 = arith.constant 0 : i32
      %dma_wait3A_71 = arith.constant 0 : i32
      %dma_wait3A_72 = tpu.memref_slice %arg2[%dma_wait3A_70, %dma_wait3A_71] : memref<10000x128xf32, #tpu.memory_space<hbm>> -> memref<10000x128xf32, #tpu.memory_space<hbm>>
      tpu.wait_indirect_dma semaphore(%arg11 : memref<!tpu.dma_semaphore, #tpu.memory_space<semaphore_mem>>) src(%dma_wait3A_72 : memref<10000x128xf32, #tpu.memory_space<hbm>>) dst(%arg8 : memref<128x128xf32, #tpu.memory_space<vmem>>)
      %dma_start3A_73 = arith.constant 0 : i32
      %dma_start3A_74 = tpu.memref_slice %arg7[%add3A_66, %dma_start3A_73] : memref<40x128xi32, #tpu.memory_space<vmem>> -> memref<1x128xi32, #tpu.memory_space<vmem>>
      %dma_start3A_75 = tpu.memref_squeeze %dma_start3A_74 : memref<1x128xi32, #tpu.memory_space<vmem>> -> memref<128xi32, #tpu.memory_space<vmem>>
      %dma_start3A_76 = arith.constant 0 : i32
      %dma_start3A_77 = arith.constant 0 : i32
      %dma_start3A_78 = tpu.memref_slice %arg10[%dma_start3A_76, %dma_start3A_77] : memref<10112x128xf32, #tpu.memory_space<vmem_shared>> -> memref<10112x128xf32, #tpu.memory_space<vmem_shared>>
      tpu.enqueue_indirect_dma source(%arg8 : memref<128x128xf32, #tpu.memory_space<vmem>>) target(%dma_start3A_78 : memref<10112x128xf32, #tpu.memory_space<vmem_shared>>) offsets(%dma_start3A_75 : memref<128xi32, #tpu.memory_space<vmem>>) semaphore(%arg13 : memref<!tpu.dma_semaphore, #tpu.memory_space<semaphore_mem>>) {add = true}
      %dma_wait3A_79 = arith.constant 0 : i32
      %dma_wait3A_80 = arith.constant 0 : i32
      %dma_wait3A_81 = tpu.memref_slice %arg7[%dma_wait3A_79, %dma_wait3A_80] : memref<40x128xi32, #tpu.memory_space<vmem>> -> memref<1x128xi32, #tpu.memory_space<vmem>>
      %dma_wait3A_82 = tpu.memref_squeeze %dma_wait3A_81 : memref<1x128xi32, #tpu.memory_space<vmem>> -> memref<128xi32, #tpu.memory_space<vmem>>
      %dma_wait3A_83 = arith.constant 0 : i32
      %dma_wait3A_84 = arith.constant 0 : i32
      %dma_wait3A_85 = tpu.memref_slice %arg10[%dma_wait3A_83, %dma_wait3A_84] : memref<10112x128xf32, #tpu.memory_space<vmem_shared>> -> memref<10112x128xf32, #tpu.memory_space<vmem_shared>>
      tpu.wait_indirect_dma semaphore(%arg13 : memref<!tpu.dma_semaphore, #tpu.memory_space<semaphore_mem>>) src(%arg8 : memref<128x128xf32, #tpu.memory_space<vmem>>) dst(%dma_wait3A_85 : memref<10112x128xf32, #tpu.memory_space<vmem_shared>>)
      %add3A_86 = arith.constant 2 : i32
      %add3A_87 = arith.addi %add3A_66, %add3A_86 : i32
      %lt3A = arith.constant 40 : i32
      %lt3A_88 = arith.cmpi slt, %add3A_87, %lt3A : i32
      %convert_element_type3A = arith.extui %lt3A_88 : i1 to i32
      %cond3A = arith.constant 0 : i32
      %cond3A_89 = arith.cmpi ne, %convert_element_type3A, %cond3A : i32
      scf.if %cond3A_89 {
        %add3A_121 = arith.constant 2 : i32
        %add3A_122 = arith.addi %add3A_66, %add3A_121 : i32
        %dma_start3A_123 = arith.constant 0 : i32
        %dma_start3A_124 = tpu.memref_slice %arg6[%add3A_122, %dma_start3A_123] : memref<40x128xi32, #tpu.memory_space<vmem>> -> memref<1x128xi32, #tpu.memory_space<vmem>>
        %dma_start3A_125 = tpu.memref_squeeze %dma_start3A_124 : memref<1x128xi32, #tpu.memory_space<vmem>> -> memref<128xi32, #tpu.memory_space<vmem>>
        %dma_start3A_126 = arith.constant 0 : i32
        %dma_start3A_127 = arith.constant 0 : i32
        %dma_start3A_128 = tpu.memref_slice %arg2[%dma_start3A_126, %dma_start3A_127] : memref<10000x128xf32, #tpu.memory_space<hbm>> -> memref<10000x128xf32, #tpu.memory_space<hbm>>
        tpu.enqueue_indirect_dma source(%dma_start3A_128 : memref<10000x128xf32, #tpu.memory_space<hbm>>) target(%arg8 : memref<128x128xf32, #tpu.memory_space<vmem>>) offsets(%dma_start3A_125 : memref<128xi32, #tpu.memory_space<vmem>>) semaphore(%arg11 : memref<!tpu.dma_semaphore, #tpu.memory_space<semaphore_mem>>)
      } else {
      }
      %mul3A_90 = arith.constant 2 : i32
      %mul3A_91 = arith.muli %scan3A_62, %mul3A_90 : i32
      %add3A_92 = arith.constant 1 : i32
      %add3A_93 = arith.addi %mul3A_91, %add3A_92 : i32
      %dma_wait3A_94 = arith.constant 0 : i32
      %dma_wait3A_95 = arith.constant 0 : i32
      %dma_wait3A_96 = tpu.memref_slice %arg6[%dma_wait3A_94, %dma_wait3A_95] : memref<40x128xi32, #tpu.memory_space<vmem>> -> memref<1x128xi32, #tpu.memory_space<vmem>>
      %dma_wait3A_97 = tpu.memref_squeeze %dma_wait3A_96 : memref<1x128xi32, #tpu.memory_space<vmem>> -> memref<128xi32, #tpu.memory_space<vmem>>
      %dma_wait3A_98 = arith.constant 0 : i32
      %dma_wait3A_99 = arith.constant 0 : i32
      %dma_wait3A_100 = tpu.memref_slice %arg2[%dma_wait3A_98, %dma_wait3A_99] : memref<10000x128xf32, #tpu.memory_space<hbm>> -> memref<10000x128xf32, #tpu.memory_space<hbm>>
      tpu.wait_indirect_dma semaphore(%arg12 : memref<!tpu.dma_semaphore, #tpu.memory_space<semaphore_mem>>) src(%dma_wait3A_100 : memref<10000x128xf32, #tpu.memory_space<hbm>>) dst(%arg9 : memref<128x128xf32, #tpu.memory_space<vmem>>)
      %dma_start3A_101 = arith.constant 0 : i32
      %dma_start3A_102 = tpu.memref_slice %arg7[%add3A_93, %dma_start3A_101] : memref<40x128xi32, #tpu.memory_space<vmem>> -> memref<1x128xi32, #tpu.memory_space<vmem>>
      %dma_start3A_103 = tpu.memref_squeeze %dma_start3A_102 : memref<1x128xi32, #tpu.memory_space<vmem>> -> memref<128xi32, #tpu.memory_space<vmem>>
      %dma_start3A_104 = arith.constant 0 : i32
      %dma_start3A_105 = arith.constant 0 : i32
      %dma_start3A_106 = tpu.memref_slice %arg10[%dma_start3A_104, %dma_start3A_105] : memref<10112x128xf32, #tpu.memory_space<vmem_shared>> -> memref<10112x128xf32, #tpu.memory_space<vmem_shared>>
      tpu.enqueue_indirect_dma source(%arg9 : memref<128x128xf32, #tpu.memory_space<vmem>>) target(%dma_start3A_106 : memref<10112x128xf32, #tpu.memory_space<vmem_shared>>) offsets(%dma_start3A_103 : memref<128xi32, #tpu.memory_space<vmem>>) semaphore(%arg14 : memref<!tpu.dma_semaphore, #tpu.memory_space<semaphore_mem>>) {add = true}
      %dma_wait3A_107 = arith.constant 0 : i32
      %dma_wait3A_108 = arith.constant 0 : i32
      %dma_wait3A_109 = tpu.memref_slice %arg7[%dma_wait3A_107, %dma_wait3A_108] : memref<40x128xi32, #tpu.memory_space<vmem>> -> memref<1x128xi32, #tpu.memory_space<vmem>>
      %dma_wait3A_110 = tpu.memref_squeeze %dma_wait3A_109 : memref<1x128xi32, #tpu.memory_space<vmem>> -> memref<128xi32, #tpu.memory_space<vmem>>
      %dma_wait3A_111 = arith.constant 0 : i32
      %dma_wait3A_112 = arith.constant 0 : i32
      %dma_wait3A_113 = tpu.memref_slice %arg10[%dma_wait3A_111, %dma_wait3A_112] : memref<10112x128xf32, #tpu.memory_space<vmem_shared>> -> memref<10112x128xf32, #tpu.memory_space<vmem_shared>>
      tpu.wait_indirect_dma semaphore(%arg14 : memref<!tpu.dma_semaphore, #tpu.memory_space<semaphore_mem>>) src(%arg8 : memref<128x128xf32, #tpu.memory_space<vmem>>) dst(%dma_wait3A_113 : memref<10112x128xf32, #tpu.memory_space<vmem_shared>>)
      %add3A_114 = arith.constant 2 : i32
      %add3A_115 = arith.addi %add3A_93, %add3A_114 : i32
      %lt3A_116 = arith.constant 40 : i32
      %lt3A_117 = arith.cmpi slt, %add3A_115, %lt3A_116 : i32
      %convert_element_type3A_118 = arith.extui %lt3A_117 : i1 to i32
      %cond3A_119 = arith.constant 0 : i32
      %cond3A_120 = arith.cmpi ne, %convert_element_type3A_118, %cond3A_119 : i32
      scf.if %cond3A_120 {
        %add3A_121 = arith.constant 2 : i32
        %add3A_122 = arith.addi %add3A_93, %add3A_121 : i32
        %dma_start3A_123 = arith.constant 0 : i32
        %dma_start3A_124 = tpu.memref_slice %arg6[%add3A_122, %dma_start3A_123] : memref<40x128xi32, #tpu.memory_space<vmem>> -> memref<1x128xi32, #tpu.memory_space<vmem>>
        %dma_start3A_125 = tpu.memref_squeeze %dma_start3A_124 : memref<1x128xi32, #tpu.memory_space<vmem>> -> memref<128xi32, #tpu.memory_space<vmem>>
        %dma_start3A_126 = arith.constant 0 : i32
        %dma_start3A_127 = arith.constant 0 : i32
        %dma_start3A_128 = tpu.memref_slice %arg2[%dma_start3A_126, %dma_start3A_127] : memref<10000x128xf32, #tpu.memory_space<hbm>> -> memref<10000x128xf32, #tpu.memory_space<hbm>>
        tpu.enqueue_indirect_dma source(%dma_start3A_128 : memref<10000x128xf32, #tpu.memory_space<hbm>>) target(%arg9 : memref<128x128xf32, #tpu.memory_space<vmem>>) offsets(%dma_start3A_125 : memref<128xi32, #tpu.memory_space<vmem>>) semaphore(%arg12 : memref<!tpu.dma_semaphore, #tpu.memory_space<semaphore_mem>>)
      } else {
      }
    }
    %scan3A_38 = arith.constant 20 : i32
    %run_scoped3A_39 = arith.constant 1 : i32
    "tpu.region"() ({
      %run_scoped3A_62 = tpu.sem_alloc : memref<!tpu.dma_semaphore, #tpu.memory_space<semaphore_mem>>
      %dma_start3A_63 = arith.constant 0 : i32
      %dma_start3A_64 = arith.constant 0 : i32
      %dma_start3A_65 = arith.constant 0 : i32
      %dma_start3A_66 = tpu.memref_slice %arg3[%add3A, %dma_start3A_63, %dma_start3A_64, %dma_start3A_65] : memref<32x2x40x128xi32, #tpu.memory_space<hbm>> -> memref<1x2x40x128xi32, #tpu.memory_space<hbm>>
      %dma_start3A_67 = tpu.memref_squeeze %dma_start3A_66 : memref<1x2x40x128xi32, #tpu.memory_space<hbm>> -> memref<2x40x128xi32, #tpu.memory_space<hbm>>
      %dma_start3A_68 = arith.constant 0 : i32
      %dma_start3A_69 = arith.constant 0 : i32
      %dma_start3A_70 = tpu.memref_slice %dma_start3A_67[%run_scoped3A_39, %dma_start3A_68, %dma_start3A_69] : memref<2x40x128xi32, #tpu.memory_space<hbm>> -> memref<1x40x128xi32, #tpu.memory_space<hbm>>
      %dma_start3A_71 = tpu.memref_squeeze %dma_start3A_70 : memref<1x40x128xi32, #tpu.memory_space<hbm>> -> memref<40x128xi32, #tpu.memory_space<hbm>>
      %dma_start3A_72 = arith.constant 0 : i32
      %dma_start3A_73 = arith.constant 0 : i32
      %dma_start3A_74 = arith.constant 0 : i32
      %dma_start3A_75 = tpu.memref_slice %arg3[%add3A, %dma_start3A_72, %dma_start3A_73, %dma_start3A_74] : memref<32x2x40x128xi32, #tpu.memory_space<hbm>> -> memref<1x2x40x128xi32, #tpu.memory_space<hbm>>
      %dma_start3A_76 = tpu.memref_squeeze %dma_start3A_75 : memref<1x2x40x128xi32, #tpu.memory_space<hbm>> -> memref<2x40x128xi32, #tpu.memory_space<hbm>>
      %dma_start3A_77 = arith.constant 0 : i32
      %dma_start3A_78 = arith.constant 0 : i32
      %dma_start3A_79 = tpu.memref_slice %dma_start3A_76[%run_scoped3A_39, %dma_start3A_77, %dma_start3A_78] : memref<2x40x128xi32, #tpu.memory_space<hbm>> -> memref<1x40x128xi32, #tpu.memory_space<hbm>>
      %dma_start3A_80 = tpu.memref_squeeze %dma_start3A_79 : memref<1x40x128xi32, #tpu.memory_space<hbm>> -> memref<40x128xi32, #tpu.memory_space<hbm>>
      tpu.enqueue_dma source(%dma_start3A_80 : memref<40x128xi32, #tpu.memory_space<hbm>>) target(%arg6 : memref<40x128xi32, #tpu.memory_space<vmem>>) target_semaphore(%run_scoped3A_62 : memref<!tpu.dma_semaphore, #tpu.memory_space<semaphore_mem>>)
      %dma_wait3A = arith.constant 0 : i32
      %dma_wait3A_81 = arith.constant 0 : i32
      %dma_wait3A_82 = arith.constant 0 : i32
      %dma_wait3A_83 = tpu.memref_slice %arg3[%add3A, %dma_wait3A, %dma_wait3A_81, %dma_wait3A_82] : memref<32x2x40x128xi32, #tpu.memory_space<hbm>> -> memref<1x2x40x128xi32, #tpu.memory_space<hbm>>
      %dma_wait3A_84 = tpu.memref_squeeze %dma_wait3A_83 : memref<1x2x40x128xi32, #tpu.memory_space<hbm>> -> memref<2x40x128xi32, #tpu.memory_space<hbm>>
      %dma_wait3A_85 = arith.constant 0 : i32
      %dma_wait3A_86 = arith.constant 0 : i32
      %dma_wait3A_87 = tpu.memref_slice %dma_wait3A_84[%run_scoped3A_39, %dma_wait3A_85, %dma_wait3A_86] : memref<2x40x128xi32, #tpu.memory_space<hbm>> -> memref<1x40x128xi32, #tpu.memory_space<hbm>>
      %dma_wait3A_88 = tpu.memref_squeeze %dma_wait3A_87 : memref<1x40x128xi32, #tpu.memory_space<hbm>> -> memref<40x128xi32, #tpu.memory_space<hbm>>
      %dma_wait3A_89 = arith.constant 0 : i32
      %dma_wait3A_90 = arith.constant 0 : i32
      %dma_wait3A_91 = arith.constant 0 : i32
      %dma_wait3A_92 = tpu.memref_slice %arg3[%add3A, %dma_wait3A_89, %dma_wait3A_90, %dma_wait3A_91] : memref<32x2x40x128xi32, #tpu.memory_space<hbm>> -> memref<1x2x40x128xi32, #tpu.memory_space<hbm>>
      %dma_wait3A_93 = tpu.memref_squeeze %dma_wait3A_92 : memref<1x2x40x128xi32, #tpu.memory_space<hbm>> -> memref<2x40x128xi32, #tpu.memory_space<hbm>>
      %dma_wait3A_94 = arith.constant 0 : i32
      %dma_wait3A_95 = arith.constant 0 : i32
      %dma_wait3A_96 = tpu.memref_slice %dma_wait3A_93[%run_scoped3A_39, %dma_wait3A_94, %dma_wait3A_95] : memref<2x40x128xi32, #tpu.memory_space<hbm>> -> memref<1x40x128xi32, #tpu.memory_space<hbm>>
      %dma_wait3A_97 = tpu.memref_squeeze %dma_wait3A_96 : memref<1x40x128xi32, #tpu.memory_space<hbm>> -> memref<40x128xi32, #tpu.memory_space<hbm>>
      tpu.wait_dma2 semaphore(%run_scoped3A_62 : memref<!tpu.dma_semaphore, #tpu.memory_space<semaphore_mem>>) src(%dma_wait3A_97 : memref<40x128xi32, #tpu.memory_space<hbm>>) dst(%arg6 : memref<40x128xi32, #tpu.memory_space<vmem>>)
      tpu.yield
    }) : () -> ()
    %run_scoped3A_40 = arith.constant 1 : i32
    "tpu.region"() ({
      %run_scoped3A_62 = tpu.sem_alloc : memref<!tpu.dma_semaphore, #tpu.memory_space<semaphore_mem>>
      %dma_start3A_63 = arith.constant 0 : i32
      %dma_start3A_64 = arith.constant 0 : i32
      %dma_start3A_65 = arith.constant 0 : i32
      %dma_start3A_66 = tpu.memref_slice %arg4[%add3A, %dma_start3A_63, %dma_start3A_64, %dma_start3A_65] : memref<32x2x40x128xi32, #tpu.memory_space<hbm>> -> memref<1x2x40x128xi32, #tpu.memory_space<hbm>>
      %dma_start3A_67 = tpu.memref_squeeze %dma_start3A_66 : memref<1x2x40x128xi32, #tpu.memory_space<hbm>> -> memref<2x40x128xi32, #tpu.memory_space<hbm>>
      %dma_start3A_68 = arith.constant 0 : i32
      %dma_start3A_69 = arith.constant 0 : i32
      %dma_start3A_70 = tpu.memref_slice %dma_start3A_67[%run_scoped3A_40, %dma_start3A_68, %dma_start3A_69] : memref<2x40x128xi32, #tpu.memory_space<hbm>> -> memref<1x40x128xi32, #tpu.memory_space<hbm>>
      %dma_start3A_71 = tpu.memref_squeeze %dma_start3A_70 : memref<1x40x128xi32, #tpu.memory_space<hbm>> -> memref<40x128xi32, #tpu.memory_space<hbm>>
      %dma_start3A_72 = arith.constant 0 : i32
      %dma_start3A_73 = arith.constant 0 : i32
      %dma_start3A_74 = arith.constant 0 : i32
      %dma_start3A_75 = tpu.memref_slice %arg4[%add3A, %dma_start3A_72, %dma_start3A_73, %dma_start3A_74] : memref<32x2x40x128xi32, #tpu.memory_space<hbm>> -> memref<1x2x40x128xi32, #tpu.memory_space<hbm>>
      %dma_start3A_76 = tpu.memref_squeeze %dma_start3A_75 : memref<1x2x40x128xi32, #tpu.memory_space<hbm>> -> memref<2x40x128xi32, #tpu.memory_space<hbm>>
      %dma_start3A_77 = arith.constant 0 : i32
      %dma_start3A_78 = arith.constant 0 : i32
      %dma_start3A_79 = tpu.memref_slice %dma_start3A_76[%run_scoped3A_40, %dma_start3A_77, %dma_start3A_78] : memref<2x40x128xi32, #tpu.memory_space<hbm>> -> memref<1x40x128xi32, #tpu.memory_space<hbm>>
      %dma_start3A_80 = tpu.memref_squeeze %dma_start3A_79 : memref<1x40x128xi32, #tpu.memory_space<hbm>> -> memref<40x128xi32, #tpu.memory_space<hbm>>
      tpu.enqueue_dma source(%dma_start3A_80 : memref<40x128xi32, #tpu.memory_space<hbm>>) target(%arg7 : memref<40x128xi32, #tpu.memory_space<vmem>>) target_semaphore(%run_scoped3A_62 : memref<!tpu.dma_semaphore, #tpu.memory_space<semaphore_mem>>)
      %dma_wait3A = arith.constant 0 : i32
      %dma_wait3A_81 = arith.constant 0 : i32
      %dma_wait3A_82 = arith.constant 0 : i32
      %dma_wait3A_83 = tpu.memref_slice %arg4[%add3A, %dma_wait3A, %dma_wait3A_81, %dma_wait3A_82] : memref<32x2x40x128xi32, #tpu.memory_space<hbm>> -> memref<1x2x40x128xi32, #tpu.memory_space<hbm>>
      %dma_wait3A_84 = tpu.memref_squeeze %dma_wait3A_83 : memref<1x2x40x128xi32, #tpu.memory_space<hbm>> -> memref<2x40x128xi32, #tpu.memory_space<hbm>>
      %dma_wait3A_85 = arith.constant 0 : i32
      %dma_wait3A_86 = arith.constant 0 : i32
      %dma_wait3A_87 = tpu.memref_slice %dma_wait3A_84[%run_scoped3A_40, %dma_wait3A_85, %dma_wait3A_86] : memref<2x40x128xi32, #tpu.memory_space<hbm>> -> memref<1x40x128xi32, #tpu.memory_space<hbm>>
      %dma_wait3A_88 = tpu.memref_squeeze %dma_wait3A_87 : memref<1x40x128xi32, #tpu.memory_space<hbm>> -> memref<40x128xi32, #tpu.memory_space<hbm>>
      %dma_wait3A_89 = arith.constant 0 : i32
      %dma_wait3A_90 = arith.constant 0 : i32
      %dma_wait3A_91 = arith.constant 0 : i32
      %dma_wait3A_92 = tpu.memref_slice %arg4[%add3A, %dma_wait3A_89, %dma_wait3A_90, %dma_wait3A_91] : memref<32x2x40x128xi32, #tpu.memory_space<hbm>> -> memref<1x2x40x128xi32, #tpu.memory_space<hbm>>
      %dma_wait3A_93 = tpu.memref_squeeze %dma_wait3A_92 : memref<1x2x40x128xi32, #tpu.memory_space<hbm>> -> memref<2x40x128xi32, #tpu.memory_space<hbm>>
      %dma_wait3A_94 = arith.constant 0 : i32
      %dma_wait3A_95 = arith.constant 0 : i32
      %dma_wait3A_96 = tpu.memref_slice %dma_wait3A_93[%run_scoped3A_40, %dma_wait3A_94, %dma_wait3A_95] : memref<2x40x128xi32, #tpu.memory_space<hbm>> -> memref<1x40x128xi32, #tpu.memory_space<hbm>>
      %dma_wait3A_97 = tpu.memref_squeeze %dma_wait3A_96 : memref<1x40x128xi32, #tpu.memory_space<hbm>> -> memref<40x128xi32, #tpu.memory_space<hbm>>
      tpu.wait_dma2 semaphore(%run_scoped3A_62 : memref<!tpu.dma_semaphore, #tpu.memory_space<semaphore_mem>>) src(%dma_wait3A_97 : memref<40x128xi32, #tpu.memory_space<hbm>>) dst(%arg7 : memref<40x128xi32, #tpu.memory_space<vmem>>)
      tpu.yield
    }) : () -> ()
    %dma_start3A_41 = arith.constant 0 : i32
    %dma_start3A_42 = arith.constant 0 : i32
    %dma_start3A_43 = tpu.memref_slice %arg6[%dma_start3A_41, %dma_start3A_42] : memref<40x128xi32, #tpu.memory_space<vmem>> -> memref<1x128xi32, #tpu.memory_space<vmem>>
    %dma_start3A_44 = tpu.memref_squeeze %dma_start3A_43 : memref<1x128xi32, #tpu.memory_space<vmem>> -> memref<128xi32, #tpu.memory_space<vmem>>
    %dma_start3A_45 = arith.constant 0 : i32
    %dma_start3A_46 = arith.constant 0 : i32
    %dma_start3A_47 = tpu.memref_slice %arg2[%dma_start3A_45, %dma_start3A_46] : memref<10000x128xf32, #tpu.memory_space<hbm>> -> memref<10000x128xf32, #tpu.memory_space<hbm>>
    tpu.enqueue_indirect_dma source(%dma_start3A_47 : memref<10000x128xf32, #tpu.memory_space<hbm>>) target(%arg8 : memref<128x128xf32, #tpu.memory_space<vmem>>) offsets(%dma_start3A_44 : memref<128xi32, #tpu.memory_space<vmem>>) semaphore(%arg11 : memref<!tpu.dma_semaphore, #tpu.memory_space<semaphore_mem>>)
    %dma_start3A_48 = arith.constant 1 : i32
    %dma_start3A_49 = arith.constant 0 : i32
    %dma_start3A_50 = tpu.memref_slice %arg6[%dma_start3A_48, %dma_start3A_49] : memref<40x128xi32, #tpu.memory_space<vmem>> -> memref<1x128xi32, #tpu.memory_space<vmem>>
    %dma_start3A_51 = tpu.memref_squeeze %dma_start3A_50 : memref<1x128xi32, #tpu.memory_space<vmem>> -> memref<128xi32, #tpu.memory_space<vmem>>
    %dma_start3A_52 = arith.constant 0 : i32
    %dma_start3A_53 = arith.constant 0 : i32
    %dma_start3A_54 = tpu.memref_slice %arg2[%dma_start3A_52, %dma_start3A_53] : memref<10000x128xf32, #tpu.memory_space<hbm>> -> memref<10000x128xf32, #tpu.memory_space<hbm>>
    tpu.enqueue_indirect_dma source(%dma_start3A_54 : memref<10000x128xf32, #tpu.memory_space<hbm>>) target(%arg9 : memref<128x128xf32, #tpu.memory_space<vmem>>) offsets(%dma_start3A_51 : memref<128xi32, #tpu.memory_space<vmem>>) semaphore(%arg12 : memref<!tpu.dma_semaphore, #tpu.memory_space<semaphore_mem>>)
    %scan3A_55 = arith.constant 0 : i32
    %scan3A_56 = arith.constant 0 : i32
    %scan3A_57 = arith.constant 20 : i32
    %scan3A_58 = arith.addi %scan3A_56, %scan3A_57 : i32
    %scan3A_59 = arith.constant 1 : i32
    scf.for %scan3A_62 = %scan3A_56 to %scan3A_58 step %scan3A_59  : i32 {
      %mul3A_63 = arith.constant 2 : i32
      %mul3A_64 = arith.muli %scan3A_62, %mul3A_63 : i32
      %add3A_65 = arith.constant 0 : i32
      %add3A_66 = arith.addi %mul3A_64, %add3A_65 : i32
      %dma_wait3A = arith.constant 0 : i32
      %dma_wait3A_67 = arith.constant 0 : i32
      %dma_wait3A_68 = tpu.memref_slice %arg6[%dma_wait3A, %dma_wait3A_67] : memref<40x128xi32, #tpu.memory_space<vmem>> -> memref<1x128xi32, #tpu.memory_space<vmem>>
      %dma_wait3A_69 = tpu.memref_squeeze %dma_wait3A_68 : memref<1x128xi32, #tpu.memory_space<vmem>> -> memref<128xi32, #tpu.memory_space<vmem>>
      %dma_wait3A_70 = arith.constant 0 : i32
      %dma_wait3A_71 = arith.constant 0 : i32
      %dma_wait3A_72 = tpu.memref_slice %arg2[%dma_wait3A_70, %dma_wait3A_71] : memref<10000x128xf32, #tpu.memory_space<hbm>> -> memref<10000x128xf32, #tpu.memory_space<hbm>>
      tpu.wait_indirect_dma semaphore(%arg11 : memref<!tpu.dma_semaphore, #tpu.memory_space<semaphore_mem>>) src(%dma_wait3A_72 : memref<10000x128xf32, #tpu.memory_space<hbm>>) dst(%arg8 : memref<128x128xf32, #tpu.memory_space<vmem>>)
      %dma_start3A_73 = arith.constant 0 : i32
      %dma_start3A_74 = tpu.memref_slice %arg7[%add3A_66, %dma_start3A_73] : memref<40x128xi32, #tpu.memory_space<vmem>> -> memref<1x128xi32, #tpu.memory_space<vmem>>
      %dma_start3A_75 = tpu.memref_squeeze %dma_start3A_74 : memref<1x128xi32, #tpu.memory_space<vmem>> -> memref<128xi32, #tpu.memory_space<vmem>>
      %dma_start3A_76 = arith.constant 0 : i32
      %dma_start3A_77 = arith.constant 0 : i32
      %dma_start3A_78 = tpu.memref_slice %arg10[%dma_start3A_76, %dma_start3A_77] : memref<10112x128xf32, #tpu.memory_space<vmem_shared>> -> memref<10112x128xf32, #tpu.memory_space<vmem_shared>>
      tpu.enqueue_indirect_dma source(%arg8 : memref<128x128xf32, #tpu.memory_space<vmem>>) target(%dma_start3A_78 : memref<10112x128xf32, #tpu.memory_space<vmem_shared>>) offsets(%dma_start3A_75 : memref<128xi32, #tpu.memory_space<vmem>>) semaphore(%arg13 : memref<!tpu.dma_semaphore, #tpu.memory_space<semaphore_mem>>) {add = true}
      %dma_wait3A_79 = arith.constant 0 : i32
      %dma_wait3A_80 = arith.constant 0 : i32
      %dma_wait3A_81 = tpu.memref_slice %arg7[%dma_wait3A_79, %dma_wait3A_80] : memref<40x128xi32, #tpu.memory_space<vmem>> -> memref<1x128xi32, #tpu.memory_space<vmem>>
      %dma_wait3A_82 = tpu.memref_squeeze %dma_wait3A_81 : memref<1x128xi32, #tpu.memory_space<vmem>> -> memref<128xi32, #tpu.memory_space<vmem>>
      %dma_wait3A_83 = arith.constant 0 : i32
      %dma_wait3A_84 = arith.constant 0 : i32
      %dma_wait3A_85 = tpu.memref_slice %arg10[%dma_wait3A_83, %dma_wait3A_84] : memref<10112x128xf32, #tpu.memory_space<vmem_shared>> -> memref<10112x128xf32, #tpu.memory_space<vmem_shared>>
      tpu.wait_indirect_dma semaphore(%arg13 : memref<!tpu.dma_semaphore, #tpu.memory_space<semaphore_mem>>) src(%arg8 : memref<128x128xf32, #tpu.memory_space<vmem>>) dst(%dma_wait3A_85 : memref<10112x128xf32, #tpu.memory_space<vmem_shared>>)
      %add3A_86 = arith.constant 2 : i32
      %add3A_87 = arith.addi %add3A_66, %add3A_86 : i32
      %lt3A = arith.constant 40 : i32
      %lt3A_88 = arith.cmpi slt, %add3A_87, %lt3A : i32
      %convert_element_type3A = arith.extui %lt3A_88 : i1 to i32
      %cond3A = arith.constant 0 : i32
      %cond3A_89 = arith.cmpi ne, %convert_element_type3A, %cond3A : i32
      scf.if %cond3A_89 {
        %add3A_121 = arith.constant 2 : i32
        %add3A_122 = arith.addi %add3A_66, %add3A_121 : i32
        %dma_start3A_123 = arith.constant 0 : i32
        %dma_start3A_124 = tpu.memref_slice %arg6[%add3A_122, %dma_start3A_123] : memref<40x128xi32, #tpu.memory_space<vmem>> -> memref<1x128xi32, #tpu.memory_space<vmem>>
        %dma_start3A_125 = tpu.memref_squeeze %dma_start3A_124 : memref<1x128xi32, #tpu.memory_space<vmem>> -> memref<128xi32, #tpu.memory_space<vmem>>
        %dma_start3A_126 = arith.constant 0 : i32
        %dma_start3A_127 = arith.constant 0 : i32
        %dma_start3A_128 = tpu.memref_slice %arg2[%dma_start3A_126, %dma_start3A_127] : memref<10000x128xf32, #tpu.memory_space<hbm>> -> memref<10000x128xf32, #tpu.memory_space<hbm>>
        tpu.enqueue_indirect_dma source(%dma_start3A_128 : memref<10000x128xf32, #tpu.memory_space<hbm>>) target(%arg8 : memref<128x128xf32, #tpu.memory_space<vmem>>) offsets(%dma_start3A_125 : memref<128xi32, #tpu.memory_space<vmem>>) semaphore(%arg11 : memref<!tpu.dma_semaphore, #tpu.memory_space<semaphore_mem>>)
      } else {
      }
      %mul3A_90 = arith.constant 2 : i32
      %mul3A_91 = arith.muli %scan3A_62, %mul3A_90 : i32
      %add3A_92 = arith.constant 1 : i32
      %add3A_93 = arith.addi %mul3A_91, %add3A_92 : i32
      %dma_wait3A_94 = arith.constant 0 : i32
      %dma_wait3A_95 = arith.constant 0 : i32
      %dma_wait3A_96 = tpu.memref_slice %arg6[%dma_wait3A_94, %dma_wait3A_95] : memref<40x128xi32, #tpu.memory_space<vmem>> -> memref<1x128xi32, #tpu.memory_space<vmem>>
      %dma_wait3A_97 = tpu.memref_squeeze %dma_wait3A_96 : memref<1x128xi32, #tpu.memory_space<vmem>> -> memref<128xi32, #tpu.memory_space<vmem>>
      %dma_wait3A_98 = arith.constant 0 : i32
      %dma_wait3A_99 = arith.constant 0 : i32
      %dma_wait3A_100 = tpu.memref_slice %arg2[%dma_wait3A_98, %dma_wait3A_99] : memref<10000x128xf32, #tpu.memory_space<hbm>> -> memref<10000x128xf32, #tpu.memory_space<hbm>>
      tpu.wait_indirect_dma semaphore(%arg12 : memref<!tpu.dma_semaphore, #tpu.memory_space<semaphore_mem>>) src(%dma_wait3A_100 : memref<10000x128xf32, #tpu.memory_space<hbm>>) dst(%arg9 : memref<128x128xf32, #tpu.memory_space<vmem>>)
      %dma_start3A_101 = arith.constant 0 : i32
      %dma_start3A_102 = tpu.memref_slice %arg7[%add3A_93, %dma_start3A_101] : memref<40x128xi32, #tpu.memory_space<vmem>> -> memref<1x128xi32, #tpu.memory_space<vmem>>
      %dma_start3A_103 = tpu.memref_squeeze %dma_start3A_102 : memref<1x128xi32, #tpu.memory_space<vmem>> -> memref<128xi32, #tpu.memory_space<vmem>>
      %dma_start3A_104 = arith.constant 0 : i32
      %dma_start3A_105 = arith.constant 0 : i32
      %dma_start3A_106 = tpu.memref_slice %arg10[%dma_start3A_104, %dma_start3A_105] : memref<10112x128xf32, #tpu.memory_space<vmem_shared>> -> memref<10112x128xf32, #tpu.memory_space<vmem_shared>>
      tpu.enqueue_indirect_dma source(%arg9 : memref<128x128xf32, #tpu.memory_space<vmem>>) target(%dma_start3A_106 : memref<10112x128xf32, #tpu.memory_space<vmem_shared>>) offsets(%dma_start3A_103 : memref<128xi32, #tpu.memory_space<vmem>>) semaphore(%arg14 : memref<!tpu.dma_semaphore, #tpu.memory_space<semaphore_mem>>) {add = true}
      %dma_wait3A_107 = arith.constant 0 : i32
      %dma_wait3A_108 = arith.constant 0 : i32
      %dma_wait3A_109 = tpu.memref_slice %arg7[%dma_wait3A_107, %dma_wait3A_108] : memref<40x128xi32, #tpu.memory_space<vmem>> -> memref<1x128xi32, #tpu.memory_space<vmem>>
      %dma_wait3A_110 = tpu.memref_squeeze %dma_wait3A_109 : memref<1x128xi32, #tpu.memory_space<vmem>> -> memref<128xi32, #tpu.memory_space<vmem>>
      %dma_wait3A_111 = arith.constant 0 : i32
      %dma_wait3A_112 = arith.constant 0 : i32
      %dma_wait3A_113 = tpu.memref_slice %arg10[%dma_wait3A_111, %dma_wait3A_112] : memref<10112x128xf32, #tpu.memory_space<vmem_shared>> -> memref<10112x128xf32, #tpu.memory_space<vmem_shared>>
      tpu.wait_indirect_dma semaphore(%arg14 : memref<!tpu.dma_semaphore, #tpu.memory_space<semaphore_mem>>) src(%arg8 : memref<128x128xf32, #tpu.memory_space<vmem>>) dst(%dma_wait3A_113 : memref<10112x128xf32, #tpu.memory_space<vmem_shared>>)
      %add3A_114 = arith.constant 2 : i32
      %add3A_115 = arith.addi %add3A_93, %add3A_114 : i32
      %lt3A_116 = arith.constant 40 : i32
      %lt3A_117 = arith.cmpi slt, %add3A_115, %lt3A_116 : i32
      %convert_element_type3A_118 = arith.extui %lt3A_117 : i1 to i32
      %cond3A_119 = arith.constant 0 : i32
      %cond3A_120 = arith.cmpi ne, %convert_element_type3A_118, %cond3A_119 : i32
      scf.if %cond3A_120 {
        %add3A_121 = arith.constant 2 : i32
        %add3A_122 = arith.addi %add3A_93, %add3A_121 : i32
        %dma_start3A_123 = arith.constant 0 : i32
        %dma_start3A_124 = tpu.memref_slice %arg6[%add3A_122, %dma_start3A_123] : memref<40x128xi32, #tpu.memory_space<vmem>> -> memref<1x128xi32, #tpu.memory_space<vmem>>
        %dma_start3A_125 = tpu.memref_squeeze %dma_start3A_124 : memref<1x128xi32, #tpu.memory_space<vmem>> -> memref<128xi32, #tpu.memory_space<vmem>>
        %dma_start3A_126 = arith.constant 0 : i32
        %dma_start3A_127 = arith.constant 0 : i32
        %dma_start3A_128 = tpu.memref_slice %arg2[%dma_start3A_126, %dma_start3A_127] : memref<10000x128xf32, #tpu.memory_space<hbm>> -> memref<10000x128xf32, #tpu.memory_space<hbm>>
        tpu.enqueue_indirect_dma source(%dma_start3A_128 : memref<10000x128xf32, #tpu.memory_space<hbm>>) target(%arg9 : memref<128x128xf32, #tpu.memory_space<vmem>>) offsets(%dma_start3A_125 : memref<128xi32, #tpu.memory_space<vmem>>) semaphore(%arg12 : memref<!tpu.dma_semaphore, #tpu.memory_space<semaphore_mem>>)
      } else {
      }
    }
    %scan3A_60 = arith.constant 20 : i32
    %barrier3A_61 = arith.constant 0 : index
    tpu.barrier barrier_id(%barrier3A_61)
    "tpu.region"() ({
      %run_scoped3A_62 = tpu.sem_alloc : memref<!tpu.dma_semaphore, #tpu.memory_space<semaphore_mem>>
      %dma_start3A_63 = arith.constant 0 : i32
      %dma_start3A_64 = arith.constant 0 : i32
      %dma_start3A_65 = tpu.memref_slice %arg5[%arg0, %dma_start3A_63, %dma_start3A_64] : memref<2x10112x128xf32, #tpu.memory_space<hbm>> -> memref<1x10112x128xf32, #tpu.memory_space<hbm>>
      %dma_start3A_66 = tpu.memref_squeeze %dma_start3A_65 : memref<1x10112x128xf32, #tpu.memory_space<hbm>> -> memref<10112x128xf32, #tpu.memory_space<hbm>>
      %dma_start3A_67 = arith.constant 0 : i32
      %dma_start3A_68 = tpu.memref_slice %dma_start3A_66[%mul3A_8, %dma_start3A_67] : memref<10112x128xf32, #tpu.memory_space<hbm>> -> memref<632x128xf32, #tpu.memory_space<hbm>>
      %dma_start3A_69 = arith.constant 0 : i32
      %dma_start3A_70 = tpu.memref_slice %arg10[%mul3A_8, %dma_start3A_69] : memref<10112x128xf32, #tpu.memory_space<vmem_shared>> -> memref<632x128xf32, #tpu.memory_space<vmem_shared>>
      tpu.enqueue_dma source(%dma_start3A_70 : memref<632x128xf32, #tpu.memory_space<vmem_shared>>) target(%dma_start3A_68 : memref<632x128xf32, #tpu.memory_space<hbm>>) target_semaphore(%run_scoped3A_62 : memref<!tpu.dma_semaphore, #tpu.memory_space<semaphore_mem>>)
      %dma_wait3A = arith.constant 0 : i32
      %dma_wait3A_71 = arith.constant 0 : i32
      %dma_wait3A_72 = tpu.memref_slice %arg5[%arg0, %dma_wait3A, %dma_wait3A_71] : memref<2x10112x128xf32, #tpu.memory_space<hbm>> -> memref<1x10112x128xf32, #tpu.memory_space<hbm>>
      %dma_wait3A_73 = tpu.memref_squeeze %dma_wait3A_72 : memref<1x10112x128xf32, #tpu.memory_space<hbm>> -> memref<10112x128xf32, #tpu.memory_space<hbm>>
      %dma_wait3A_74 = arith.constant 0 : i32
      %dma_wait3A_75 = tpu.memref_slice %dma_wait3A_73[%mul3A_8, %dma_wait3A_74] : memref<10112x128xf32, #tpu.memory_space<hbm>> -> memref<632x128xf32, #tpu.memory_space<hbm>>
      %dma_wait3A_76 = arith.constant 0 : i32
      %dma_wait3A_77 = tpu.memref_slice %arg10[%mul3A_8, %dma_wait3A_76] : memref<10112x128xf32, #tpu.memory_space<vmem_shared>> -> memref<632x128xf32, #tpu.memory_space<vmem_shared>>
      tpu.wait_dma2 semaphore(%run_scoped3A_62 : memref<!tpu.dma_semaphore, #tpu.memory_space<semaphore_mem>>) src(%dma_wait3A_77 : memref<632x128xf32, #tpu.memory_space<vmem_shared>>) dst(%dma_wait3A_75 : memref<632x128xf32, #tpu.memory_space<hbm>>)
      tpu.yield
    }) : () -> ()
    return
  }
}

#map = affine_map<(d0, d1) -> (0, 0)>
#map1 = affine_map<(d0, d1) -> (0, 0, 0, 0)>
#map2 = affine_map<(d0, d1) -> (0, 0, 0)>
module attributes {stable_mosaic.version = 14 : i64} {
  func.func @_prop_body(%arg0: i32, %arg1: i32, %arg2: memref<10000x128xf32, #tpu.memory_space<hbm>>, %arg3: memref<32x2x40x128xi32, #tpu.memory_space<hbm>>, %arg4: memref<32x2x40x128xi32, #tpu.memory_space<hbm>>, %arg5: memref<2x10112x128xf32, #tpu.memory_space<hbm>>, %arg6: memref<40x128xi32, #tpu.memory_space<vmem>>, %arg7: memref<40x128xi32, #tpu.memory_space<vmem>>, %arg8: memref<128x128xf32, #tpu.memory_space<vmem>>, %arg9: memref<128x128xf32, #tpu.memory_space<vmem>>, %arg10: memref<10112x128xf32, #tpu.memory_space<vmem_shared>>, %arg11: memref<!tpu.dma_semaphore, #tpu.memory_space<semaphore_mem>>, %arg12: memref<!tpu.dma_semaphore, #tpu.memory_space<semaphore_mem>>, %arg13: memref<!tpu.dma_semaphore, #tpu.memory_space<semaphore_mem>>, %arg14: memref<!tpu.dma_semaphore, #tpu.memory_space<semaphore_mem>>) attributes {dimension_semantics = [#tpu.dimension_semantics<core_parallel>, #tpu.dimension_semantics<subcore_parallel>], iteration_bounds = array<i64: 2, 16>, scalar_prefetch = 0 : i64, scratch_operands = 9 : i64, tpu.core_type = #tpu.core_type<sc_vector_subcore>, window_params = [{transform_indices = #map}, {transform_indices = #map1}, {transform_indices = #map1}, {transform_indices = #map2}]} {
    %mul3A = arith.constant 16 : i32
    %mul3A_0 = arith.muli %arg0, %mul3A : i32
    %add3A = arith.addi %mul3A_0, %arg1 : i32
    %broadcast_in_dim3A = arith.constant 0.000000e+00 : f32
    %broadcast_in_dim3A_1 = vector.broadcast %broadcast_in_dim3A : f32 to vector<16xf32>
    %scan3A = arith.constant 0 : i32
    %scan3A_2 = arith.constant 0 : i32
    %scan3A_3 = arith.constant 128 : i32
    %scan3A_4 = arith.addi %scan3A_2, %scan3A_3 : i32
    %scan3A_5 = arith.constant 1 : i32
    scf.for %scan3A_62 = %scan3A_2 to %scan3A_4 step %scan3A_5  : i32 {
      %swap3A = arith.index_cast %scan3A_62 : i32 to index
      %swap3A_63 = arith.constant 0 : index
      %swap3A_64 = tpu.vector_load %arg8[%swap3A, %swap3A_63] {strides = array<i32>} : memref<128x128xf32, #tpu.memory_space<vmem>>, vector<1x16xf32>,
      %swap3A_65 = vector.shape_cast %swap3A_64 : vector<1x16xf32> to vector<16xf32>
      %swap3A_66 = vector.shape_cast %broadcast_in_dim3A_1 : vector<16xf32> to vector<1x16xf32>
      tpu.vector_store %arg8[%swap3A, %swap3A_63], %swap3A_66 {strides = array<i32>} : memref<128x128xf32, #tpu.memory_space<vmem>>, vector<1x16xf32>,
      %swap3A_67 = arith.index_cast %scan3A_62 : i32 to index
      %swap3A_68 = arith.constant 16 : index
      %swap3A_69 = tpu.vector_load %arg8[%swap3A_67, %swap3A_68] {strides = array<i32>} : memref<128x128xf32, #tpu.memory_space<vmem>>, vector<1x16xf32>,
      %swap3A_70 = vector.shape_cast %swap3A_69 : vector<1x16xf32> to vector<16xf32>
      %swap3A_71 = vector.shape_cast %broadcast_in_dim3A_1 : vector<16xf32> to vector<1x16xf32>
      tpu.vector_store %arg8[%swap3A_67, %swap3A_68], %swap3A_71 {strides = array<i32>} : memref<128x128xf32, #tpu.memory_space<vmem>>, vector<1x16xf32>,
      %swap3A_72 = arith.index_cast %scan3A_62 : i32 to index
      %swap3A_73 = arith.constant 32 : index
      %swap3A_74 = tpu.vector_load %arg8[%swap3A_72, %swap3A_73] {strides = array<i32>} : memref<128x128xf32, #tpu.memory_space<vmem>>, vector<1x16xf32>,
      %swap3A_75 = vector.shape_cast %swap3A_74 : vector<1x16xf32> to vector<16xf32>
      %swap3A_76 = vector.shape_cast %broadcast_in_dim3A_1 : vector<16xf32> to vector<1x16xf32>
      tpu.vector_store %arg8[%swap3A_72, %swap3A_73], %swap3A_76 {strides = array<i32>} : memref<128x128xf32, #tpu.memory_space<vmem>>, vector<1x16xf32>,
      %swap3A_77 = arith.index_cast %scan3A_62 : i32 to index
      %swap3A_78 = arith.constant 48 : index
      %swap3A_79 = tpu.vector_load %arg8[%swap3A_77, %swap3A_78] {strides = array<i32>} : memref<128x128xf32, #tpu.memory_space<vmem>>, vector<1x16xf32>,
      %swap3A_80 = vector.shape_cast %swap3A_79 : vector<1x16xf32> to vector<16xf32>
      %swap3A_81 = vector.shape_cast %broadcast_in_dim3A_1 : vector<16xf32> to vector<1x16xf32>
      tpu.vector_store %arg8[%swap3A_77, %swap3A_78], %swap3A_81 {strides = array<i32>} : memref<128x128xf32, #tpu.memory_space<vmem>>, vector<1x16xf32>,
      %swap3A_82 = arith.index_cast %scan3A_62 : i32 to index
      %swap3A_83 = arith.constant 64 : index
      %swap3A_84 = tpu.vector_load %arg8[%swap3A_82, %swap3A_83] {strides = array<i32>} : memref<128x128xf32, #tpu.memory_space<vmem>>, vector<1x16xf32>,
      %swap3A_85 = vector.shape_cast %swap3A_84 : vector<1x16xf32> to vector<16xf32>
      %swap3A_86 = vector.shape_cast %broadcast_in_dim3A_1 : vector<16xf32> to vector<1x16xf32>
      tpu.vector_store %arg8[%swap3A_82, %swap3A_83], %swap3A_86 {strides = array<i32>} : memref<128x128xf32, #tpu.memory_space<vmem>>, vector<1x16xf32>,
      %swap3A_87 = arith.index_cast %scan3A_62 : i32 to index
      %swap3A_88 = arith.constant 80 : index
      %swap3A_89 = tpu.vector_load %arg8[%swap3A_87, %swap3A_88] {strides = array<i32>} : memref<128x128xf32, #tpu.memory_space<vmem>>, vector<1x16xf32>,
      %swap3A_90 = vector.shape_cast %swap3A_89 : vector<1x16xf32> to vector<16xf32>
      %swap3A_91 = vector.shape_cast %broadcast_in_dim3A_1 : vector<16xf32> to vector<1x16xf32>
      tpu.vector_store %arg8[%swap3A_87, %swap3A_88], %swap3A_91 {strides = array<i32>} : memref<128x128xf32, #tpu.memory_space<vmem>>, vector<1x16xf32>,
      %swap3A_92 = arith.index_cast %scan3A_62 : i32 to index
      %swap3A_93 = arith.constant 96 : index
      %swap3A_94 = tpu.vector_load %arg8[%swap3A_92, %swap3A_93] {strides = array<i32>} : memref<128x128xf32, #tpu.memory_space<vmem>>, vector<1x16xf32>,
      %swap3A_95 = vector.shape_cast %swap3A_94 : vector<1x16xf32> to vector<16xf32>
      %swap3A_96 = vector.shape_cast %broadcast_in_dim3A_1 : vector<16xf32> to vector<1x16xf32>
      tpu.vector_store %arg8[%swap3A_92, %swap3A_93], %swap3A_96 {strides = array<i32>} : memref<128x128xf32, #tpu.memory_space<vmem>>, vector<1x16xf32>,
      %swap3A_97 = arith.index_cast %scan3A_62 : i32 to index
      %swap3A_98 = arith.constant 112 : index
      %swap3A_99 = tpu.vector_load %arg8[%swap3A_97, %swap3A_98] {strides = array<i32>} : memref<128x128xf32, #tpu.memory_space<vmem>>, vector<1x16xf32>,
      %swap3A_100 = vector.shape_cast %swap3A_99 : vector<1x16xf32> to vector<16xf32>
      %swap3A_101 = vector.shape_cast %broadcast_in_dim3A_1 : vector<16xf32> to vector<1x16xf32>
      tpu.vector_store %arg8[%swap3A_97, %swap3A_98], %swap3A_101 {strides = array<i32>} : memref<128x128xf32, #tpu.memory_space<vmem>>, vector<1x16xf32>,
    }
    %scan3A_6 = arith.constant 128 : i32
    %mul3A_7 = arith.constant 632 : i32
    %mul3A_8 = arith.muli %arg1, %mul3A_7 : i32
    %add3A_9 = arith.constant 0 : i32
    %add3A_10 = arith.addi %mul3A_8, %add3A_9 : i32
    "tpu.region"() ({
      %run_scoped3A_62 = tpu.sem_alloc : memref<!tpu.dma_semaphore, #tpu.memory_space<semaphore_mem>>
      %dma_start3A_63 = arith.constant 0 : i32
      %dma_start3A_64 = tpu.memref_slice %arg10[%add3A_10, %dma_start3A_63] : memref<10112x128xf32, #tpu.memory_space<vmem_shared>> -> memref<128x128xf32, #tpu.memory_space<vmem_shared>>
      %dma_start3A_65 = arith.constant 0 : i32
      %dma_start3A_66 = tpu.memref_slice %arg10[%add3A_10, %dma_start3A_65] : memref<10112x128xf32, #tpu.memory_space<vmem_shared>> -> memref<128x128xf32, #tpu.memory_space<vmem_shared>>
      tpu.enqueue_dma source(%arg8 : memref<128x128xf32, #tpu.memory_space<vmem>>) target(%dma_start3A_66 : memref<128x128xf32, #tpu.memory_space<vmem_shared>>) target_semaphore(%run_scoped3A_62 : memref<!tpu.dma_semaphore, #tpu.memory_space<semaphore_mem>>)
      %dma_wait3A = arith.constant 0 : i32
      %dma_wait3A_67 = tpu.memref_slice %arg10[%add3A_10, %dma_wait3A] : memref<10112x128xf32, #tpu.memory_space<vmem_shared>> -> memref<128x128xf32, #tpu.memory_space<vmem_shared>>
      %dma_wait3A_68 = arith.constant 0 : i32
      %dma_wait3A_69 = tpu.memref_slice %arg10[%add3A_10, %dma_wait3A_68] : memref<10112x128xf32, #tpu.memory_space<vmem_shared>> -> memref<128x128xf32, #tpu.memory_space<vmem_shared>>
      tpu.wait_dma2 semaphore(%run_scoped3A_62 : memref<!tpu.dma_semaphore, #tpu.memory_space<semaphore_mem>>) src(%arg8 : memref<128x128xf32, #tpu.memory_space<vmem>>) dst(%dma_wait3A_69 : memref<128x128xf32, #tpu.memory_space<vmem_shared>>)
      tpu.yield
    }) : () -> ()
    %add3A_11 = arith.constant 128 : i32
    %add3A_12 = arith.addi %mul3A_8, %add3A_11 : i32
    "tpu.region"() ({
      %run_scoped3A_62 = tpu.sem_alloc : memref<!tpu.dma_semaphore, #tpu.memory_space<semaphore_mem>>
      %dma_start3A_63 = arith.constant 0 : i32
      %dma_start3A_64 = tpu.memref_slice %arg10[%add3A_12, %dma_start3A_63] : memref<10112x128xf32, #tpu.memory_space<vmem_shared>> -> memref<128x128xf32, #tpu.memory_space<vmem_shared>>
      %dma_start3A_65 = arith.constant 0 : i32
      %dma_start3A_66 = tpu.memref_slice %arg10[%add3A_12, %dma_start3A_65] : memref<10112x128xf32, #tpu.memory_space<vmem_shared>> -> memref<128x128xf32, #tpu.memory_space<vmem_shared>>
      tpu.enqueue_dma source(%arg8 : memref<128x128xf32, #tpu.memory_space<vmem>>) target(%dma_start3A_66 : memref<128x128xf32, #tpu.memory_space<vmem_shared>>) target_semaphore(%run_scoped3A_62 : memref<!tpu.dma_semaphore, #tpu.memory_space<semaphore_mem>>)
      %dma_wait3A = arith.constant 0 : i32
      %dma_wait3A_67 = tpu.memref_slice %arg10[%add3A_12, %dma_wait3A] : memref<10112x128xf32, #tpu.memory_space<vmem_shared>> -> memref<128x128xf32, #tpu.memory_space<vmem_shared>>
      %dma_wait3A_68 = arith.constant 0 : i32
      %dma_wait3A_69 = tpu.memref_slice %arg10[%add3A_12, %dma_wait3A_68] : memref<10112x128xf32, #tpu.memory_space<vmem_shared>> -> memref<128x128xf32, #tpu.memory_space<vmem_shared>>
      tpu.wait_dma2 semaphore(%run_scoped3A_62 : memref<!tpu.dma_semaphore, #tpu.memory_space<semaphore_mem>>) src(%arg8 : memref<128x128xf32, #tpu.memory_space<vmem>>) dst(%dma_wait3A_69 : memref<128x128xf32, #tpu.memory_space<vmem_shared>>)
      tpu.yield
    }) : () -> ()
    %add3A_13 = arith.constant 256 : i32
    %add3A_14 = arith.addi %mul3A_8, %add3A_13 : i32
    "tpu.region"() ({
      %run_scoped3A_62 = tpu.sem_alloc : memref<!tpu.dma_semaphore, #tpu.memory_space<semaphore_mem>>
      %dma_start3A_63 = arith.constant 0 : i32
      %dma_start3A_64 = tpu.memref_slice %arg10[%add3A_14, %dma_start3A_63] : memref<10112x128xf32, #tpu.memory_space<vmem_shared>> -> memref<128x128xf32, #tpu.memory_space<vmem_shared>>
      %dma_start3A_65 = arith.constant 0 : i32
      %dma_start3A_66 = tpu.memref_slice %arg10[%add3A_14, %dma_start3A_65] : memref<10112x128xf32, #tpu.memory_space<vmem_shared>> -> memref<128x128xf32, #tpu.memory_space<vmem_shared>>
      tpu.enqueue_dma source(%arg8 : memref<128x128xf32, #tpu.memory_space<vmem>>) target(%dma_start3A_66 : memref<128x128xf32, #tpu.memory_space<vmem_shared>>) target_semaphore(%run_scoped3A_62 : memref<!tpu.dma_semaphore, #tpu.memory_space<semaphore_mem>>)
      %dma_wait3A = arith.constant 0 : i32
      %dma_wait3A_67 = tpu.memref_slice %arg10[%add3A_14, %dma_wait3A] : memref<10112x128xf32, #tpu.memory_space<vmem_shared>> -> memref<128x128xf32, #tpu.memory_space<vmem_shared>>
      %dma_wait3A_68 = arith.constant 0 : i32
      %dma_wait3A_69 = tpu.memref_slice %arg10[%add3A_14, %dma_wait3A_68] : memref<10112x128xf32, #tpu.memory_space<vmem_shared>> -> memref<128x128xf32, #tpu.memory_space<vmem_shared>>
      tpu.wait_dma2 semaphore(%run_scoped3A_62 : memref<!tpu.dma_semaphore, #tpu.memory_space<semaphore_mem>>) src(%arg8 : memref<128x128xf32, #tpu.memory_space<vmem>>) dst(%dma_wait3A_69 : memref<128x128xf32, #tpu.memory_space<vmem_shared>>)
      tpu.yield
    }) : () -> ()
    %add3A_15 = arith.constant 384 : i32
    %add3A_16 = arith.addi %mul3A_8, %add3A_15 : i32
    "tpu.region"() ({
      %run_scoped3A_62 = tpu.sem_alloc : memref<!tpu.dma_semaphore, #tpu.memory_space<semaphore_mem>>
      %dma_start3A_63 = arith.constant 0 : i32
      %dma_start3A_64 = tpu.memref_slice %arg10[%add3A_16, %dma_start3A_63] : memref<10112x128xf32, #tpu.memory_space<vmem_shared>> -> memref<128x128xf32, #tpu.memory_space<vmem_shared>>
      %dma_start3A_65 = arith.constant 0 : i32
      %dma_start3A_66 = tpu.memref_slice %arg10[%add3A_16, %dma_start3A_65] : memref<10112x128xf32, #tpu.memory_space<vmem_shared>> -> memref<128x128xf32, #tpu.memory_space<vmem_shared>>
      tpu.enqueue_dma source(%arg8 : memref<128x128xf32, #tpu.memory_space<vmem>>) target(%dma_start3A_66 : memref<128x128xf32, #tpu.memory_space<vmem_shared>>) target_semaphore(%run_scoped3A_62 : memref<!tpu.dma_semaphore, #tpu.memory_space<semaphore_mem>>)
      %dma_wait3A = arith.constant 0 : i32
      %dma_wait3A_67 = tpu.memref_slice %arg10[%add3A_16, %dma_wait3A] : memref<10112x128xf32, #tpu.memory_space<vmem_shared>> -> memref<128x128xf32, #tpu.memory_space<vmem_shared>>
      %dma_wait3A_68 = arith.constant 0 : i32
      %dma_wait3A_69 = tpu.memref_slice %arg10[%add3A_16, %dma_wait3A_68] : memref<10112x128xf32, #tpu.memory_space<vmem_shared>> -> memref<128x128xf32, #tpu.memory_space<vmem_shared>>
      tpu.wait_dma2 semaphore(%run_scoped3A_62 : memref<!tpu.dma_semaphore, #tpu.memory_space<semaphore_mem>>) src(%arg8 : memref<128x128xf32, #tpu.memory_space<vmem>>) dst(%dma_wait3A_69 : memref<128x128xf32, #tpu.memory_space<vmem_shared>>)
      tpu.yield
    }) : () -> ()
    %add3A_17 = arith.constant 512 : i32
    %add3A_18 = arith.addi %mul3A_8, %add3A_17 : i32
    "tpu.region"() ({
      %run_scoped3A_62 = tpu.sem_alloc : memref<!tpu.dma_semaphore, #tpu.memory_space<semaphore_mem>>
      %dma_start3A_63 = arith.constant 0 : i32
      %dma_start3A_64 = arith.constant 0 : i32
      %dma_start3A_65 = tpu.memref_slice %arg8[%dma_start3A_63, %dma_start3A_64] : memref<128x128xf32, #tpu.memory_space<vmem>> -> memref<120x128xf32, #tpu.memory_space<vmem>>
      %dma_start3A_66 = arith.constant 0 : i32
      %dma_start3A_67 = tpu.memref_slice %arg10[%add3A_18, %dma_start3A_66] : memref<10112x128xf32, #tpu.memory_space<vmem_shared>> -> memref<120x128xf32, #tpu.memory_space<vmem_shared>>
      %dma_start3A_68 = arith.constant 0 : i32
      %dma_start3A_69 = tpu.memref_slice %arg10[%add3A_18, %dma_start3A_68] : memref<10112x128xf32, #tpu.memory_space<vmem_shared>> -> memref<120x128xf32, #tpu.memory_space<vmem_shared>>
      %dma_start3A_70 = arith.constant 0 : i32
      %dma_start3A_71 = arith.constant 0 : i32
      %dma_start3A_72 = tpu.memref_slice %arg8[%dma_start3A_70, %dma_start3A_71] : memref<128x128xf32, #tpu.memory_space<vmem>> -> memref<120x128xf32, #tpu.memory_space<vmem>>
      tpu.enqueue_dma source(%dma_start3A_72 : memref<120x128xf32, #tpu.memory_space<vmem>>) target(%dma_start3A_69 : memref<120x128xf32, #tpu.memory_space<vmem_shared>>) target_semaphore(%run_scoped3A_62 : memref<!tpu.dma_semaphore, #tpu.memory_space<semaphore_mem>>)
      %dma_wait3A = arith.constant 0 : i32
      %dma_wait3A_73 = arith.constant 0 : i32
      %dma_wait3A_74 = tpu.memref_slice %arg8[%dma_wait3A, %dma_wait3A_73] : memref<128x128xf32, #tpu.memory_space<vmem>> -> memref<120x128xf32, #tpu.memory_space<vmem>>
      %dma_wait3A_75 = arith.constant 0 : i32
      %dma_wait3A_76 = tpu.memref_slice %arg10[%add3A_18, %dma_wait3A_75] : memref<10112x128xf32, #tpu.memory_space<vmem_shared>> -> memref<120x128xf32, #tpu.memory_space<vmem_shared>>
      %dma_wait3A_77 = arith.constant 0 : i32
      %dma_wait3A_78 = tpu.memref_slice %arg10[%add3A_18, %dma_wait3A_77] : memref<10112x128xf32, #tpu.memory_space<vmem_shared>> -> memref<120x128xf32, #tpu.memory_space<vmem_shared>>
      %dma_wait3A_79 = arith.constant 0 : i32
      %dma_wait3A_80 = arith.constant 0 : i32
      %dma_wait3A_81 = tpu.memref_slice %arg8[%dma_wait3A_79, %dma_wait3A_80] : memref<128x128xf32, #tpu.memory_space<vmem>> -> memref<120x128xf32, #tpu.memory_space<vmem>>
      tpu.wait_dma2 semaphore(%run_scoped3A_62 : memref<!tpu.dma_semaphore, #tpu.memory_space<semaphore_mem>>) src(%dma_wait3A_81 : memref<120x128xf32, #tpu.memory_space<vmem>>) dst(%dma_wait3A_78 : memref<120x128xf32, #tpu.memory_space<vmem_shared>>)
      tpu.yield
    }) : () -> ()
    %barrier3A = arith.constant 0 : index
    tpu.barrier barrier_id(%barrier3A)
    %run_scoped3A = arith.constant 0 : i32
    "tpu.region"() ({
      %run_scoped3A_62 = tpu.sem_alloc : memref<!tpu.dma_semaphore, #tpu.memory_space<semaphore_mem>>
      %dma_start3A_63 = arith.constant 0 : i32
      %dma_start3A_64 = arith.constant 0 : i32
      %dma_start3A_65 = arith.constant 0 : i32
      %dma_start3A_66 = tpu.memref_slice %arg3[%add3A, %dma_start3A_63, %dma_start3A_64, %dma_start3A_65] : memref<32x2x40x128xi32, #tpu.memory_space<hbm>> -> memref<1x2x40x128xi32, #tpu.memory_space<hbm>>
      %dma_start3A_67 = tpu.memref_squeeze %dma_start3A_66 : memref<1x2x40x128xi32, #tpu.memory_space<hbm>> -> memref<2x40x128xi32, #tpu.memory_space<hbm>>
      %dma_start3A_68 = arith.constant 0 : i32
      %dma_start3A_69 = arith.constant 0 : i32
      %dma_start3A_70 = tpu.memref_slice %dma_start3A_67[%run_scoped3A, %dma_start3A_68, %dma_start3A_69] : memref<2x40x128xi32, #tpu.memory_space<hbm>> -> memref<1x40x128xi32, #tpu.memory_space<hbm>>
      %dma_start3A_71 = tpu.memref_squeeze %dma_start3A_70 : memref<1x40x128xi32, #tpu.memory_space<hbm>> -> memref<40x128xi32, #tpu.memory_space<hbm>>
      %dma_start3A_72 = arith.constant 0 : i32
      %dma_start3A_73 = arith.constant 0 : i32
      %dma_start3A_74 = arith.constant 0 : i32
      %dma_start3A_75 = tpu.memref_slice %arg3[%add3A, %dma_start3A_72, %dma_start3A_73, %dma_start3A_74] : memref<32x2x40x128xi32, #tpu.memory_space<hbm>> -> memref<1x2x40x128xi32, #tpu.memory_space<hbm>>
      %dma_start3A_76 = tpu.memref_squeeze %dma_start3A_75 : memref<1x2x40x128xi32, #tpu.memory_space<hbm>> -> memref<2x40x128xi32, #tpu.memory_space<hbm>>
      %dma_start3A_77 = arith.constant 0 : i32
      %dma_start3A_78 = arith.constant 0 : i32
      %dma_start3A_79 = tpu.memref_slice %dma_start3A_76[%run_scoped3A, %dma_start3A_77, %dma_start3A_78] : memref<2x40x128xi32, #tpu.memory_space<hbm>> -> memref<1x40x128xi32, #tpu.memory_space<hbm>>
      %dma_start3A_80 = tpu.memref_squeeze %dma_start3A_79 : memref<1x40x128xi32, #tpu.memory_space<hbm>> -> memref<40x128xi32, #tpu.memory_space<hbm>>
      tpu.enqueue_dma source(%dma_start3A_80 : memref<40x128xi32, #tpu.memory_space<hbm>>) target(%arg6 : memref<40x128xi32, #tpu.memory_space<vmem>>) target_semaphore(%run_scoped3A_62 : memref<!tpu.dma_semaphore, #tpu.memory_space<semaphore_mem>>)
      %dma_wait3A = arith.constant 0 : i32
      %dma_wait3A_81 = arith.constant 0 : i32
      %dma_wait3A_82 = arith.constant 0 : i32
      %dma_wait3A_83 = tpu.memref_slice %arg3[%add3A, %dma_wait3A, %dma_wait3A_81, %dma_wait3A_82] : memref<32x2x40x128xi32, #tpu.memory_space<hbm>> -> memref<1x2x40x128xi32, #tpu.memory_space<hbm>>
      %dma_wait3A_84 = tpu.memref_squeeze %dma_wait3A_83 : memref<1x2x40x128xi32, #tpu.memory_space<hbm>> -> memref<2x40x128xi32, #tpu.memory_space<hbm>>
      %dma_wait3A_85 = arith.constant 0 : i32
      %dma_wait3A_86 = arith.constant 0 : i32
      %dma_wait3A_87 = tpu.memref_slice %dma_wait3A_84[%run_scoped3A, %dma_wait3A_85, %dma_wait3A_86] : memref<2x40x128xi32, #tpu.memory_space<hbm>> -> memref<1x40x128xi32, #tpu.memory_space<hbm>>
      %dma_wait3A_88 = tpu.memref_squeeze %dma_wait3A_87 : memref<1x40x128xi32, #tpu.memory_space<hbm>> -> memref<40x128xi32, #tpu.memory_space<hbm>>
      %dma_wait3A_89 = arith.constant 0 : i32
      %dma_wait3A_90 = arith.constant 0 : i32
      %dma_wait3A_91 = arith.constant 0 : i32
      %dma_wait3A_92 = tpu.memref_slice %arg3[%add3A, %dma_wait3A_89, %dma_wait3A_90, %dma_wait3A_91] : memref<32x2x40x128xi32, #tpu.memory_space<hbm>> -> memref<1x2x40x128xi32, #tpu.memory_space<hbm>>
      %dma_wait3A_93 = tpu.memref_squeeze %dma_wait3A_92 : memref<1x2x40x128xi32, #tpu.memory_space<hbm>> -> memref<2x40x128xi32, #tpu.memory_space<hbm>>
      %dma_wait3A_94 = arith.constant 0 : i32
      %dma_wait3A_95 = arith.constant 0 : i32
      %dma_wait3A_96 = tpu.memref_slice %dma_wait3A_93[%run_scoped3A, %dma_wait3A_94, %dma_wait3A_95] : memref<2x40x128xi32, #tpu.memory_space<hbm>> -> memref<1x40x128xi32, #tpu.memory_space<hbm>>
      %dma_wait3A_97 = tpu.memref_squeeze %dma_wait3A_96 : memref<1x40x128xi32, #tpu.memory_space<hbm>> -> memref<40x128xi32, #tpu.memory_space<hbm>>
      tpu.wait_dma2 semaphore(%run_scoped3A_62 : memref<!tpu.dma_semaphore, #tpu.memory_space<semaphore_mem>>) src(%dma_wait3A_97 : memref<40x128xi32, #tpu.memory_space<hbm>>) dst(%arg6 : memref<40x128xi32, #tpu.memory_space<vmem>>)
      tpu.yield
    }) : () -> ()
    %run_scoped3A_19 = arith.constant 0 : i32
    "tpu.region"() ({
      %run_scoped3A_62 = tpu.sem_alloc : memref<!tpu.dma_semaphore, #tpu.memory_space<semaphore_mem>>
      %dma_start3A_63 = arith.constant 0 : i32
      %dma_start3A_64 = arith.constant 0 : i32
      %dma_start3A_65 = arith.constant 0 : i32
      %dma_start3A_66 = tpu.memref_slice %arg4[%add3A, %dma_start3A_63, %dma_start3A_64, %dma_start3A_65] : memref<32x2x40x128xi32, #tpu.memory_space<hbm>> -> memref<1x2x40x128xi32, #tpu.memory_space<hbm>>
      %dma_start3A_67 = tpu.memref_squeeze %dma_start3A_66 : memref<1x2x40x128xi32, #tpu.memory_space<hbm>> -> memref<2x40x128xi32, #tpu.memory_space<hbm>>
      %dma_start3A_68 = arith.constant 0 : i32
      %dma_start3A_69 = arith.constant 0 : i32
      %dma_start3A_70 = tpu.memref_slice %dma_start3A_67[%run_scoped3A_19, %dma_start3A_68, %dma_start3A_69] : memref<2x40x128xi32, #tpu.memory_space<hbm>> -> memref<1x40x128xi32, #tpu.memory_space<hbm>>
      %dma_start3A_71 = tpu.memref_squeeze %dma_start3A_70 : memref<1x40x128xi32, #tpu.memory_space<hbm>> -> memref<40x128xi32, #tpu.memory_space<hbm>>
      %dma_start3A_72 = arith.constant 0 : i32
      %dma_start3A_73 = arith.constant 0 : i32
      %dma_start3A_74 = arith.constant 0 : i32
      %dma_start3A_75 = tpu.memref_slice %arg4[%add3A, %dma_start3A_72, %dma_start3A_73, %dma_start3A_74] : memref<32x2x40x128xi32, #tpu.memory_space<hbm>> -> memref<1x2x40x128xi32, #tpu.memory_space<hbm>>
      %dma_start3A_76 = tpu.memref_squeeze %dma_start3A_75 : memref<1x2x40x128xi32, #tpu.memory_space<hbm>> -> memref<2x40x128xi32, #tpu.memory_space<hbm>>
      %dma_start3A_77 = arith.constant 0 : i32
      %dma_start3A_78 = arith.constant 0 : i32
      %dma_start3A_79 = tpu.memref_slice %dma_start3A_76[%run_scoped3A_19, %dma_start3A_77, %dma_start3A_78] : memref<2x40x128xi32, #tpu.memory_space<hbm>> -> memref<1x40x128xi32, #tpu.memory_space<hbm>>
      %dma_start3A_80 = tpu.memref_squeeze %dma_start3A_79 : memref<1x40x128xi32, #tpu.memory_space<hbm>> -> memref<40x128xi32, #tpu.memory_space<hbm>>
      tpu.enqueue_dma source(%dma_start3A_80 : memref<40x128xi32, #tpu.memory_space<hbm>>) target(%arg7 : memref<40x128xi32, #tpu.memory_space<vmem>>) target_semaphore(%run_scoped3A_62 : memref<!tpu.dma_semaphore, #tpu.memory_space<semaphore_mem>>)
      %dma_wait3A = arith.constant 0 : i32
      %dma_wait3A_81 = arith.constant 0 : i32
      %dma_wait3A_82 = arith.constant 0 : i32
      %dma_wait3A_83 = tpu.memref_slice %arg4[%add3A, %dma_wait3A, %dma_wait3A_81, %dma_wait3A_82] : memref<32x2x40x128xi32, #tpu.memory_space<hbm>> -> memref<1x2x40x128xi32, #tpu.memory_space<hbm>>
      %dma_wait3A_84 = tpu.memref_squeeze %dma_wait3A_83 : memref<1x2x40x128xi32, #tpu.memory_space<hbm>> -> memref<2x40x128xi32, #tpu.memory_space<hbm>>
      %dma_wait3A_85 = arith.constant 0 : i32
      %dma_wait3A_86 = arith.constant 0 : i32
      %dma_wait3A_87 = tpu.memref_slice %dma_wait3A_84[%run_scoped3A_19, %dma_wait3A_85, %dma_wait3A_86] : memref<2x40x128xi32, #tpu.memory_space<hbm>> -> memref<1x40x128xi32, #tpu.memory_space<hbm>>
      %dma_wait3A_88 = tpu.memref_squeeze %dma_wait3A_87 : memref<1x40x128xi32, #tpu.memory_space<hbm>> -> memref<40x128xi32, #tpu.memory_space<hbm>>
      %dma_wait3A_89 = arith.constant 0 : i32
      %dma_wait3A_90 = arith.constant 0 : i32
      %dma_wait3A_91 = arith.constant 0 : i32
      %dma_wait3A_92 = tpu.memref_slice %arg4[%add3A, %dma_wait3A_89, %dma_wait3A_90, %dma_wait3A_91] : memref<32x2x40x128xi32, #tpu.memory_space<hbm>> -> memref<1x2x40x128xi32, #tpu.memory_space<hbm>>
      %dma_wait3A_93 = tpu.memref_squeeze %dma_wait3A_92 : memref<1x2x40x128xi32, #tpu.memory_space<hbm>> -> memref<2x40x128xi32, #tpu.memory_space<hbm>>
      %dma_wait3A_94 = arith.constant 0 : i32
      %dma_wait3A_95 = arith.constant 0 : i32
      %dma_wait3A_96 = tpu.memref_slice %dma_wait3A_93[%run_scoped3A_19, %dma_wait3A_94, %dma_wait3A_95] : memref<2x40x128xi32, #tpu.memory_space<hbm>> -> memref<1x40x128xi32, #tpu.memory_space<hbm>>
      %dma_wait3A_97 = tpu.memref_squeeze %dma_wait3A_96 : memref<1x40x128xi32, #tpu.memory_space<hbm>> -> memref<40x128xi32, #tpu.memory_space<hbm>>
      tpu.wait_dma2 semaphore(%run_scoped3A_62 : memref<!tpu.dma_semaphore, #tpu.memory_space<semaphore_mem>>) src(%dma_wait3A_97 : memref<40x128xi32, #tpu.memory_space<hbm>>) dst(%arg7 : memref<40x128xi32, #tpu.memory_space<vmem>>)
      tpu.yield
    }) : () -> ()
    %dma_start3A = arith.constant 0 : i32
    %dma_start3A_20 = arith.constant 0 : i32
    %dma_start3A_21 = tpu.memref_slice %arg6[%dma_start3A, %dma_start3A_20] : memref<40x128xi32, #tpu.memory_space<vmem>> -> memref<1x128xi32, #tpu.memory_space<vmem>>
    %dma_start3A_22 = tpu.memref_squeeze %dma_start3A_21 : memref<1x128xi32, #tpu.memory_space<vmem>> -> memref<128xi32, #tpu.memory_space<vmem>>
    %dma_start3A_23 = arith.constant 0 : i32
    %dma_start3A_24 = arith.constant 0 : i32
    %dma_start3A_25 = tpu.memref_slice %arg2[%dma_start3A_23, %dma_start3A_24] : memref<10000x128xf32, #tpu.memory_space<hbm>> -> memref<10000x128xf32, #tpu.memory_space<hbm>>
    tpu.enqueue_indirect_dma source(%dma_start3A_25 : memref<10000x128xf32, #tpu.memory_space<hbm>>) target(%arg8 : memref<128x128xf32, #tpu.memory_space<vmem>>) offsets(%dma_start3A_22 : memref<128xi32, #tpu.memory_space<vmem>>) semaphore(%arg11 : memref<!tpu.dma_semaphore, #tpu.memory_space<semaphore_mem>>)
    %dma_start3A_26 = arith.constant 1 : i32
    %dma_start3A_27 = arith.constant 0 : i32
    %dma_start3A_28 = tpu.memref_slice %arg6[%dma_start3A_26, %dma_start3A_27] : memref<40x128xi32, #tpu.memory_space<vmem>> -> memref<1x128xi32, #tpu.memory_space<vmem>>
    %dma_start3A_29 = tpu.memref_squeeze %dma_start3A_28 : memref<1x128xi32, #tpu.memory_space<vmem>> -> memref<128xi32, #tpu.memory_space<vmem>>
    %dma_start3A_30 = arith.constant 0 : i32
    %dma_start3A_31 = arith.constant 0 : i32
    %dma_start3A_32 = tpu.memref_slice %arg2[%dma_start3A_30, %dma_start3A_31] : memref<10000x128xf32, #tpu.memory_space<hbm>> -> memref<10000x128xf32, #tpu.memory_space<hbm>>
    tpu.enqueue_indirect_dma source(%dma_start3A_32 : memref<10000x128xf32, #tpu.memory_space<hbm>>) target(%arg9 : memref<128x128xf32, #tpu.memory_space<vmem>>) offsets(%dma_start3A_29 : memref<128xi32, #tpu.memory_space<vmem>>) semaphore(%arg12 : memref<!tpu.dma_semaphore, #tpu.memory_space<semaphore_mem>>)
    %scan3A_33 = arith.constant 0 : i32
    %scan3A_34 = arith.constant 0 : i32
    %scan3A_35 = arith.constant 20 : i32
    %scan3A_36 = arith.addi %scan3A_34, %scan3A_35 : i32
    %scan3A_37 = arith.constant 1 : i32
    scf.for %scan3A_62 = %scan3A_34 to %scan3A_36 step %scan3A_37  : i32 {
      %mul3A_63 = arith.constant 2 : i32
      %mul3A_64 = arith.muli %scan3A_62, %mul3A_63 : i32
      %add3A_65 = arith.constant 0 : i32
      %add3A_66 = arith.addi %mul3A_64, %add3A_65 : i32
      %dma_wait3A = arith.constant 0 : i32
      %dma_wait3A_67 = arith.constant 0 : i32
      %dma_wait3A_68 = tpu.memref_slice %arg6[%dma_wait3A, %dma_wait3A_67] : memref<40x128xi32, #tpu.memory_space<vmem>> -> memref<1x128xi32, #tpu.memory_space<vmem>>
      %dma_wait3A_69 = tpu.memref_squeeze %dma_wait3A_68 : memref<1x128xi32, #tpu.memory_space<vmem>> -> memref<128xi32, #tpu.memory_space<vmem>>
      %dma_wait3A_70 = arith.constant 0 : i32
      %dma_wait3A_71 = arith.constant 0 : i32
      %dma_wait3A_72 = tpu.memref_slice %arg2[%dma_wait3A_70, %dma_wait3A_71] : memref<10000x128xf32, #tpu.memory_space<hbm>> -> memref<10000x128xf32, #tpu.memory_space<hbm>>
      tpu.wait_indirect_dma semaphore(%arg11 : memref<!tpu.dma_semaphore, #tpu.memory_space<semaphore_mem>>) src(%dma_wait3A_72 : memref<10000x128xf32, #tpu.memory_space<hbm>>) dst(%arg8 : memref<128x128xf32, #tpu.memory_space<vmem>>)
      %dma_start3A_73 = arith.constant 0 : i32
      %dma_start3A_74 = tpu.memref_slice %arg7[%add3A_66, %dma_start3A_73] : memref<40x128xi32, #tpu.memory_space<vmem>> -> memref<1x128xi32, #tpu.memory_space<vmem>>
      %dma_start3A_75 = tpu.memref_squeeze %dma_start3A_74 : memref<1x128xi32, #tpu.memory_space<vmem>> -> memref<128xi32, #tpu.memory_space<vmem>>
      %dma_start3A_76 = arith.constant 0 : i32
      %dma_start3A_77 = arith.constant 0 : i32
      %dma_start3A_78 = tpu.memref_slice %arg10[%dma_start3A_76, %dma_start3A_77] : memref<10112x128xf32, #tpu.memory_space<vmem_shared>> -> memref<10112x128xf32, #tpu.memory_space<vmem_shared>>
      tpu.enqueue_indirect_dma source(%arg8 : memref<128x128xf32, #tpu.memory_space<vmem>>) target(%dma_start3A_78 : memref<10112x128xf32, #tpu.memory_space<vmem_shared>>) offsets(%dma_start3A_75 : memref<128xi32, #tpu.memory_space<vmem>>) semaphore(%arg13 : memref<!tpu.dma_semaphore, #tpu.memory_space<semaphore_mem>>) {add = true}
      %dma_wait3A_79 = arith.constant 0 : i32
      %dma_wait3A_80 = arith.constant 0 : i32
      %dma_wait3A_81 = tpu.memref_slice %arg7[%dma_wait3A_79, %dma_wait3A_80] : memref<40x128xi32, #tpu.memory_space<vmem>> -> memref<1x128xi32, #tpu.memory_space<vmem>>
      %dma_wait3A_82 = tpu.memref_squeeze %dma_wait3A_81 : memref<1x128xi32, #tpu.memory_space<vmem>> -> memref<128xi32, #tpu.memory_space<vmem>>
      %dma_wait3A_83 = arith.constant 0 : i32
      %dma_wait3A_84 = arith.constant 0 : i32
      %dma_wait3A_85 = tpu.memref_slice %arg10[%dma_wait3A_83, %dma_wait3A_84] : memref<10112x128xf32, #tpu.memory_space<vmem_shared>> -> memref<10112x128xf32, #tpu.memory_space<vmem_shared>>
      tpu.wait_indirect_dma semaphore(%arg13 : memref<!tpu.dma_semaphore, #tpu.memory_space<semaphore_mem>>) src(%arg8 : memref<128x128xf32, #tpu.memory_space<vmem>>) dst(%dma_wait3A_85 : memref<10112x128xf32, #tpu.memory_space<vmem_shared>>)
      %add3A_86 = arith.constant 2 : i32
      %add3A_87 = arith.addi %add3A_66, %add3A_86 : i32
      %lt3A = arith.constant 40 : i32
      %lt3A_88 = arith.cmpi slt, %add3A_87, %lt3A : i32
      %convert_element_type3A = arith.extui %lt3A_88 : i1 to i32
      %cond3A = arith.constant 0 : i32
      %cond3A_89 = arith.cmpi ne, %convert_element_type3A, %cond3A : i32
      scf.if %cond3A_89 {
        %add3A_121 = arith.constant 2 : i32
        %add3A_122 = arith.addi %add3A_66, %add3A_121 : i32
        %dma_start3A_123 = arith.constant 0 : i32
        %dma_start3A_124 = tpu.memref_slice %arg6[%add3A_122, %dma_start3A_123] : memref<40x128xi32, #tpu.memory_space<vmem>> -> memref<1x128xi32, #tpu.memory_space<vmem>>
        %dma_start3A_125 = tpu.memref_squeeze %dma_start3A_124 : memref<1x128xi32, #tpu.memory_space<vmem>> -> memref<128xi32, #tpu.memory_space<vmem>>
        %dma_start3A_126 = arith.constant 0 : i32
        %dma_start3A_127 = arith.constant 0 : i32
        %dma_start3A_128 = tpu.memref_slice %arg2[%dma_start3A_126, %dma_start3A_127] : memref<10000x128xf32, #tpu.memory_space<hbm>> -> memref<10000x128xf32, #tpu.memory_space<hbm>>
        tpu.enqueue_indirect_dma source(%dma_start3A_128 : memref<10000x128xf32, #tpu.memory_space<hbm>>) target(%arg8 : memref<128x128xf32, #tpu.memory_space<vmem>>) offsets(%dma_start3A_125 : memref<128xi32, #tpu.memory_space<vmem>>) semaphore(%arg11 : memref<!tpu.dma_semaphore, #tpu.memory_space<semaphore_mem>>)
      } else {
      }
      %mul3A_90 = arith.constant 2 : i32
      %mul3A_91 = arith.muli %scan3A_62, %mul3A_90 : i32
      %add3A_92 = arith.constant 1 : i32
      %add3A_93 = arith.addi %mul3A_91, %add3A_92 : i32
      %dma_wait3A_94 = arith.constant 0 : i32
      %dma_wait3A_95 = arith.constant 0 : i32
      %dma_wait3A_96 = tpu.memref_slice %arg6[%dma_wait3A_94, %dma_wait3A_95] : memref<40x128xi32, #tpu.memory_space<vmem>> -> memref<1x128xi32, #tpu.memory_space<vmem>>
      %dma_wait3A_97 = tpu.memref_squeeze %dma_wait3A_96 : memref<1x128xi32, #tpu.memory_space<vmem>> -> memref<128xi32, #tpu.memory_space<vmem>>
      %dma_wait3A_98 = arith.constant 0 : i32
      %dma_wait3A_99 = arith.constant 0 : i32
      %dma_wait3A_100 = tpu.memref_slice %arg2[%dma_wait3A_98, %dma_wait3A_99] : memref<10000x128xf32, #tpu.memory_space<hbm>> -> memref<10000x128xf32, #tpu.memory_space<hbm>>
      tpu.wait_indirect_dma semaphore(%arg12 : memref<!tpu.dma_semaphore, #tpu.memory_space<semaphore_mem>>) src(%dma_wait3A_100 : memref<10000x128xf32, #tpu.memory_space<hbm>>) dst(%arg9 : memref<128x128xf32, #tpu.memory_space<vmem>>)
      %dma_start3A_101 = arith.constant 0 : i32
      %dma_start3A_102 = tpu.memref_slice %arg7[%add3A_93, %dma_start3A_101] : memref<40x128xi32, #tpu.memory_space<vmem>> -> memref<1x128xi32, #tpu.memory_space<vmem>>
      %dma_start3A_103 = tpu.memref_squeeze %dma_start3A_102 : memref<1x128xi32, #tpu.memory_space<vmem>> -> memref<128xi32, #tpu.memory_space<vmem>>
      %dma_start3A_104 = arith.constant 0 : i32
      %dma_start3A_105 = arith.constant 0 : i32
      %dma_start3A_106 = tpu.memref_slice %arg10[%dma_start3A_104, %dma_start3A_105] : memref<10112x128xf32, #tpu.memory_space<vmem_shared>> -> memref<10112x128xf32, #tpu.memory_space<vmem_shared>>
      tpu.enqueue_indirect_dma source(%arg9 : memref<128x128xf32, #tpu.memory_space<vmem>>) target(%dma_start3A_106 : memref<10112x128xf32, #tpu.memory_space<vmem_shared>>) offsets(%dma_start3A_103 : memref<128xi32, #tpu.memory_space<vmem>>) semaphore(%arg14 : memref<!tpu.dma_semaphore, #tpu.memory_space<semaphore_mem>>) {add = true}
      %dma_wait3A_107 = arith.constant 0 : i32
      %dma_wait3A_108 = arith.constant 0 : i32
      %dma_wait3A_109 = tpu.memref_slice %arg7[%dma_wait3A_107, %dma_wait3A_108] : memref<40x128xi32, #tpu.memory_space<vmem>> -> memref<1x128xi32, #tpu.memory_space<vmem>>
      %dma_wait3A_110 = tpu.memref_squeeze %dma_wait3A_109 : memref<1x128xi32, #tpu.memory_space<vmem>> -> memref<128xi32, #tpu.memory_space<vmem>>
      %dma_wait3A_111 = arith.constant 0 : i32
      %dma_wait3A_112 = arith.constant 0 : i32
      %dma_wait3A_113 = tpu.memref_slice %arg10[%dma_wait3A_111, %dma_wait3A_112] : memref<10112x128xf32, #tpu.memory_space<vmem_shared>> -> memref<10112x128xf32, #tpu.memory_space<vmem_shared>>
      tpu.wait_indirect_dma semaphore(%arg14 : memref<!tpu.dma_semaphore, #tpu.memory_space<semaphore_mem>>) src(%arg8 : memref<128x128xf32, #tpu.memory_space<vmem>>) dst(%dma_wait3A_113 : memref<10112x128xf32, #tpu.memory_space<vmem_shared>>)
      %add3A_114 = arith.constant 2 : i32
      %add3A_115 = arith.addi %add3A_93, %add3A_114 : i32
      %lt3A_116 = arith.constant 40 : i32
      %lt3A_117 = arith.cmpi slt, %add3A_115, %lt3A_116 : i32
      %convert_element_type3A_118 = arith.extui %lt3A_117 : i1 to i32
      %cond3A_119 = arith.constant 0 : i32
      %cond3A_120 = arith.cmpi ne, %convert_element_type3A_118, %cond3A_119 : i32
      scf.if %cond3A_120 {
        %add3A_121 = arith.constant 2 : i32
        %add3A_122 = arith.addi %add3A_93, %add3A_121 : i32
        %dma_start3A_123 = arith.constant 0 : i32
        %dma_start3A_124 = tpu.memref_slice %arg6[%add3A_122, %dma_start3A_123] : memref<40x128xi32, #tpu.memory_space<vmem>> -> memref<1x128xi32, #tpu.memory_space<vmem>>
        %dma_start3A_125 = tpu.memref_squeeze %dma_start3A_124 : memref<1x128xi32, #tpu.memory_space<vmem>> -> memref<128xi32, #tpu.memory_space<vmem>>
        %dma_start3A_126 = arith.constant 0 : i32
        %dma_start3A_127 = arith.constant 0 : i32
        %dma_start3A_128 = tpu.memref_slice %arg2[%dma_start3A_126, %dma_start3A_127] : memref<10000x128xf32, #tpu.memory_space<hbm>> -> memref<10000x128xf32, #tpu.memory_space<hbm>>
        tpu.enqueue_indirect_dma source(%dma_start3A_128 : memref<10000x128xf32, #tpu.memory_space<hbm>>) target(%arg9 : memref<128x128xf32, #tpu.memory_space<vmem>>) offsets(%dma_start3A_125 : memref<128xi32, #tpu.memory_space<vmem>>) semaphore(%arg12 : memref<!tpu.dma_semaphore, #tpu.memory_space<semaphore_mem>>)
      } else {
      }
    }
    %scan3A_38 = arith.constant 20 : i32
    %run_scoped3A_39 = arith.constant 1 : i32
    "tpu.region"() ({
      %run_scoped3A_62 = tpu.sem_alloc : memref<!tpu.dma_semaphore, #tpu.memory_space<semaphore_mem>>
      %dma_start3A_63 = arith.constant 0 : i32
      %dma_start3A_64 = arith.constant 0 : i32
      %dma_start3A_65 = arith.constant 0 : i32
      %dma_start3A_66 = tpu.memref_slice %arg3[%add3A, %dma_start3A_63, %dma_start3A_64, %dma_start3A_65] : memref<32x2x40x128xi32, #tpu.memory_space<hbm>> -> memref<1x2x40x128xi32, #tpu.memory_space<hbm>>
      %dma_start3A_67 = tpu.memref_squeeze %dma_start3A_66 : memref<1x2x40x128xi32, #tpu.memory_space<hbm>> -> memref<2x40x128xi32, #tpu.memory_space<hbm>>
      %dma_start3A_68 = arith.constant 0 : i32
      %dma_start3A_69 = arith.constant 0 : i32
      %dma_start3A_70 = tpu.memref_slice %dma_start3A_67[%run_scoped3A_39, %dma_start3A_68, %dma_start3A_69] : memref<2x40x128xi32, #tpu.memory_space<hbm>> -> memref<1x40x128xi32, #tpu.memory_space<hbm>>
      %dma_start3A_71 = tpu.memref_squeeze %dma_start3A_70 : memref<1x40x128xi32, #tpu.memory_space<hbm>> -> memref<40x128xi32, #tpu.memory_space<hbm>>
      %dma_start3A_72 = arith.constant 0 : i32
      %dma_start3A_73 = arith.constant 0 : i32
      %dma_start3A_74 = arith.constant 0 : i32
      %dma_start3A_75 = tpu.memref_slice %arg3[%add3A, %dma_start3A_72, %dma_start3A_73, %dma_start3A_74] : memref<32x2x40x128xi32, #tpu.memory_space<hbm>> -> memref<1x2x40x128xi32, #tpu.memory_space<hbm>>
      %dma_start3A_76 = tpu.memref_squeeze %dma_start3A_75 : memref<1x2x40x128xi32, #tpu.memory_space<hbm>> -> memref<2x40x128xi32, #tpu.memory_space<hbm>>
      %dma_start3A_77 = arith.constant 0 : i32
      %dma_start3A_78 = arith.constant 0 : i32
      %dma_start3A_79 = tpu.memref_slice %dma_start3A_76[%run_scoped3A_39, %dma_start3A_77, %dma_start3A_78] : memref<2x40x128xi32, #tpu.memory_space<hbm>> -> memref<1x40x128xi32, #tpu.memory_space<hbm>>
      %dma_start3A_80 = tpu.memref_squeeze %dma_start3A_79 : memref<1x40x128xi32, #tpu.memory_space<hbm>> -> memref<40x128xi32, #tpu.memory_space<hbm>>
      tpu.enqueue_dma source(%dma_start3A_80 : memref<40x128xi32, #tpu.memory_space<hbm>>) target(%arg6 : memref<40x128xi32, #tpu.memory_space<vmem>>) target_semaphore(%run_scoped3A_62 : memref<!tpu.dma_semaphore, #tpu.memory_space<semaphore_mem>>)
      %dma_wait3A = arith.constant 0 : i32
      %dma_wait3A_81 = arith.constant 0 : i32
      %dma_wait3A_82 = arith.constant 0 : i32
      %dma_wait3A_83 = tpu.memref_slice %arg3[%add3A, %dma_wait3A, %dma_wait3A_81, %dma_wait3A_82] : memref<32x2x40x128xi32, #tpu.memory_space<hbm>> -> memref<1x2x40x128xi32, #tpu.memory_space<hbm>>
      %dma_wait3A_84 = tpu.memref_squeeze %dma_wait3A_83 : memref<1x2x40x128xi32, #tpu.memory_space<hbm>> -> memref<2x40x128xi32, #tpu.memory_space<hbm>>
      %dma_wait3A_85 = arith.constant 0 : i32
      %dma_wait3A_86 = arith.constant 0 : i32
      %dma_wait3A_87 = tpu.memref_slice %dma_wait3A_84[%run_scoped3A_39, %dma_wait3A_85, %dma_wait3A_86] : memref<2x40x128xi32, #tpu.memory_space<hbm>> -> memref<1x40x128xi32, #tpu.memory_space<hbm>>
      %dma_wait3A_88 = tpu.memref_squeeze %dma_wait3A_87 : memref<1x40x128xi32, #tpu.memory_space<hbm>> -> memref<40x128xi32, #tpu.memory_space<hbm>>
      %dma_wait3A_89 = arith.constant 0 : i32
      %dma_wait3A_90 = arith.constant 0 : i32
      %dma_wait3A_91 = arith.constant 0 : i32
      %dma_wait3A_92 = tpu.memref_slice %arg3[%add3A, %dma_wait3A_89, %dma_wait3A_90, %dma_wait3A_91] : memref<32x2x40x128xi32, #tpu.memory_space<hbm>> -> memref<1x2x40x128xi32, #tpu.memory_space<hbm>>
      %dma_wait3A_93 = tpu.memref_squeeze %dma_wait3A_92 : memref<1x2x40x128xi32, #tpu.memory_space<hbm>> -> memref<2x40x128xi32, #tpu.memory_space<hbm>>
      %dma_wait3A_94 = arith.constant 0 : i32
      %dma_wait3A_95 = arith.constant 0 : i32
      %dma_wait3A_96 = tpu.memref_slice %dma_wait3A_93[%run_scoped3A_39, %dma_wait3A_94, %dma_wait3A_95] : memref<2x40x128xi32, #tpu.memory_space<hbm>> -> memref<1x40x128xi32, #tpu.memory_space<hbm>>
      %dma_wait3A_97 = tpu.memref_squeeze %dma_wait3A_96 : memref<1x40x128xi32, #tpu.memory_space<hbm>> -> memref<40x128xi32, #tpu.memory_space<hbm>>
      tpu.wait_dma2 semaphore(%run_scoped3A_62 : memref<!tpu.dma_semaphore, #tpu.memory_space<semaphore_mem>>) src(%dma_wait3A_97 : memref<40x128xi32, #tpu.memory_space<hbm>>) dst(%arg6 : memref<40x128xi32, #tpu.memory_space<vmem>>)
      tpu.yield
    }) : () -> ()
    %run_scoped3A_40 = arith.constant 1 : i32
    "tpu.region"() ({
      %run_scoped3A_62 = tpu.sem_alloc : memref<!tpu.dma_semaphore, #tpu.memory_space<semaphore_mem>>
      %dma_start3A_63 = arith.constant 0 : i32
      %dma_start3A_64 = arith.constant 0 : i32
      %dma_start3A_65 = arith.constant 0 : i32
      %dma_start3A_66 = tpu.memref_slice %arg4[%add3A, %dma_start3A_63, %dma_start3A_64, %dma_start3A_65] : memref<32x2x40x128xi32, #tpu.memory_space<hbm>> -> memref<1x2x40x128xi32, #tpu.memory_space<hbm>>
      %dma_start3A_67 = tpu.memref_squeeze %dma_start3A_66 : memref<1x2x40x128xi32, #tpu.memory_space<hbm>> -> memref<2x40x128xi32, #tpu.memory_space<hbm>>
      %dma_start3A_68 = arith.constant 0 : i32
      %dma_start3A_69 = arith.constant 0 : i32
      %dma_start3A_70 = tpu.memref_slice %dma_start3A_67[%run_scoped3A_40, %dma_start3A_68, %dma_start3A_69] : memref<2x40x128xi32, #tpu.memory_space<hbm>> -> memref<1x40x128xi32, #tpu.memory_space<hbm>>
      %dma_start3A_71 = tpu.memref_squeeze %dma_start3A_70 : memref<1x40x128xi32, #tpu.memory_space<hbm>> -> memref<40x128xi32, #tpu.memory_space<hbm>>
      %dma_start3A_72 = arith.constant 0 : i32
      %dma_start3A_73 = arith.constant 0 : i32
      %dma_start3A_74 = arith.constant 0 : i32
      %dma_start3A_75 = tpu.memref_slice %arg4[%add3A, %dma_start3A_72, %dma_start3A_73, %dma_start3A_74] : memref<32x2x40x128xi32, #tpu.memory_space<hbm>> -> memref<1x2x40x128xi32, #tpu.memory_space<hbm>>
      %dma_start3A_76 = tpu.memref_squeeze %dma_start3A_75 : memref<1x2x40x128xi32, #tpu.memory_space<hbm>> -> memref<2x40x128xi32, #tpu.memory_space<hbm>>
      %dma_start3A_77 = arith.constant 0 : i32
      %dma_start3A_78 = arith.constant 0 : i32
      %dma_start3A_79 = tpu.memref_slice %dma_start3A_76[%run_scoped3A_40, %dma_start3A_77, %dma_start3A_78] : memref<2x40x128xi32, #tpu.memory_space<hbm>> -> memref<1x40x128xi32, #tpu.memory_space<hbm>>
      %dma_start3A_80 = tpu.memref_squeeze %dma_start3A_79 : memref<1x40x128xi32, #tpu.memory_space<hbm>> -> memref<40x128xi32, #tpu.memory_space<hbm>>
      tpu.enqueue_dma source(%dma_start3A_80 : memref<40x128xi32, #tpu.memory_space<hbm>>) target(%arg7 : memref<40x128xi32, #tpu.memory_space<vmem>>) target_semaphore(%run_scoped3A_62 : memref<!tpu.dma_semaphore, #tpu.memory_space<semaphore_mem>>)
      %dma_wait3A = arith.constant 0 : i32
      %dma_wait3A_81 = arith.constant 0 : i32
      %dma_wait3A_82 = arith.constant 0 : i32
      %dma_wait3A_83 = tpu.memref_slice %arg4[%add3A, %dma_wait3A, %dma_wait3A_81, %dma_wait3A_82] : memref<32x2x40x128xi32, #tpu.memory_space<hbm>> -> memref<1x2x40x128xi32, #tpu.memory_space<hbm>>
      %dma_wait3A_84 = tpu.memref_squeeze %dma_wait3A_83 : memref<1x2x40x128xi32, #tpu.memory_space<hbm>> -> memref<2x40x128xi32, #tpu.memory_space<hbm>>
      %dma_wait3A_85 = arith.constant 0 : i32
      %dma_wait3A_86 = arith.constant 0 : i32
      %dma_wait3A_87 = tpu.memref_slice %dma_wait3A_84[%run_scoped3A_40, %dma_wait3A_85, %dma_wait3A_86] : memref<2x40x128xi32, #tpu.memory_space<hbm>> -> memref<1x40x128xi32, #tpu.memory_space<hbm>>
      %dma_wait3A_88 = tpu.memref_squeeze %dma_wait3A_87 : memref<1x40x128xi32, #tpu.memory_space<hbm>> -> memref<40x128xi32, #tpu.memory_space<hbm>>
      %dma_wait3A_89 = arith.constant 0 : i32
      %dma_wait3A_90 = arith.constant 0 : i32
      %dma_wait3A_91 = arith.constant 0 : i32
      %dma_wait3A_92 = tpu.memref_slice %arg4[%add3A, %dma_wait3A_89, %dma_wait3A_90, %dma_wait3A_91] : memref<32x2x40x128xi32, #tpu.memory_space<hbm>> -> memref<1x2x40x128xi32, #tpu.memory_space<hbm>>
      %dma_wait3A_93 = tpu.memref_squeeze %dma_wait3A_92 : memref<1x2x40x128xi32, #tpu.memory_space<hbm>> -> memref<2x40x128xi32, #tpu.memory_space<hbm>>
      %dma_wait3A_94 = arith.constant 0 : i32
      %dma_wait3A_95 = arith.constant 0 : i32
      %dma_wait3A_96 = tpu.memref_slice %dma_wait3A_93[%run_scoped3A_40, %dma_wait3A_94, %dma_wait3A_95] : memref<2x40x128xi32, #tpu.memory_space<hbm>> -> memref<1x40x128xi32, #tpu.memory_space<hbm>>
      %dma_wait3A_97 = tpu.memref_squeeze %dma_wait3A_96 : memref<1x40x128xi32, #tpu.memory_space<hbm>> -> memref<40x128xi32, #tpu.memory_space<hbm>>
      tpu.wait_dma2 semaphore(%run_scoped3A_62 : memref<!tpu.dma_semaphore, #tpu.memory_space<semaphore_mem>>) src(%dma_wait3A_97 : memref<40x128xi32, #tpu.memory_space<hbm>>) dst(%arg7 : memref<40x128xi32, #tpu.memory_space<vmem>>)
      tpu.yield
    }) : () -> ()
    %dma_start3A_41 = arith.constant 0 : i32
    %dma_start3A_42 = arith.constant 0 : i32
    %dma_start3A_43 = tpu.memref_slice %arg6[%dma_start3A_41, %dma_start3A_42] : memref<40x128xi32, #tpu.memory_space<vmem>> -> memref<1x128xi32, #tpu.memory_space<vmem>>
    %dma_start3A_44 = tpu.memref_squeeze %dma_start3A_43 : memref<1x128xi32, #tpu.memory_space<vmem>> -> memref<128xi32, #tpu.memory_space<vmem>>
    %dma_start3A_45 = arith.constant 0 : i32
    %dma_start3A_46 = arith.constant 0 : i32
    %dma_start3A_47 = tpu.memref_slice %arg2[%dma_start3A_45, %dma_start3A_46] : memref<10000x128xf32, #tpu.memory_space<hbm>> -> memref<10000x128xf32, #tpu.memory_space<hbm>>
    tpu.enqueue_indirect_dma source(%dma_start3A_47 : memref<10000x128xf32, #tpu.memory_space<hbm>>) target(%arg8 : memref<128x128xf32, #tpu.memory_space<vmem>>) offsets(%dma_start3A_44 : memref<128xi32, #tpu.memory_space<vmem>>) semaphore(%arg11 : memref<!tpu.dma_semaphore, #tpu.memory_space<semaphore_mem>>)
    %dma_start3A_48 = arith.constant 1 : i32
    %dma_start3A_49 = arith.constant 0 : i32
    %dma_start3A_50 = tpu.memref_slice %arg6[%dma_start3A_48, %dma_start3A_49] : memref<40x128xi32, #tpu.memory_space<vmem>> -> memref<1x128xi32, #tpu.memory_space<vmem>>
    %dma_start3A_51 = tpu.memref_squeeze %dma_start3A_50 : memref<1x128xi32, #tpu.memory_space<vmem>> -> memref<128xi32, #tpu.memory_space<vmem>>
    %dma_start3A_52 = arith.constant 0 : i32
    %dma_start3A_53 = arith.constant 0 : i32
    %dma_start3A_54 = tpu.memref_slice %arg2[%dma_start3A_52, %dma_start3A_53] : memref<10000x128xf32, #tpu.memory_space<hbm>> -> memref<10000x128xf32, #tpu.memory_space<hbm>>
    tpu.enqueue_indirect_dma source(%dma_start3A_54 : memref<10000x128xf32, #tpu.memory_space<hbm>>) target(%arg9 : memref<128x128xf32, #tpu.memory_space<vmem>>) offsets(%dma_start3A_51 : memref<128xi32, #tpu.memory_space<vmem>>) semaphore(%arg12 : memref<!tpu.dma_semaphore, #tpu.memory_space<semaphore_mem>>)
    %scan3A_55 = arith.constant 0 : i32
    %scan3A_56 = arith.constant 0 : i32
    %scan3A_57 = arith.constant 20 : i32
    %scan3A_58 = arith.addi %scan3A_56, %scan3A_57 : i32
    %scan3A_59 = arith.constant 1 : i32
    scf.for %scan3A_62 = %scan3A_56 to %scan3A_58 step %scan3A_59  : i32 {
      %mul3A_63 = arith.constant 2 : i32
      %mul3A_64 = arith.muli %scan3A_62, %mul3A_63 : i32
      %add3A_65 = arith.constant 0 : i32
      %add3A_66 = arith.addi %mul3A_64, %add3A_65 : i32
      %dma_wait3A = arith.constant 0 : i32
      %dma_wait3A_67 = arith.constant 0 : i32
      %dma_wait3A_68 = tpu.memref_slice %arg6[%dma_wait3A, %dma_wait3A_67] : memref<40x128xi32, #tpu.memory_space<vmem>> -> memref<1x128xi32, #tpu.memory_space<vmem>>
      %dma_wait3A_69 = tpu.memref_squeeze %dma_wait3A_68 : memref<1x128xi32, #tpu.memory_space<vmem>> -> memref<128xi32, #tpu.memory_space<vmem>>
      %dma_wait3A_70 = arith.constant 0 : i32
      %dma_wait3A_71 = arith.constant 0 : i32
      %dma_wait3A_72 = tpu.memref_slice %arg2[%dma_wait3A_70, %dma_wait3A_71] : memref<10000x128xf32, #tpu.memory_space<hbm>> -> memref<10000x128xf32, #tpu.memory_space<hbm>>
      tpu.wait_indirect_dma semaphore(%arg11 : memref<!tpu.dma_semaphore, #tpu.memory_space<semaphore_mem>>) src(%dma_wait3A_72 : memref<10000x128xf32, #tpu.memory_space<hbm>>) dst(%arg8 : memref<128x128xf32, #tpu.memory_space<vmem>>)
      %dma_start3A_73 = arith.constant 0 : i32
      %dma_start3A_74 = tpu.memref_slice %arg7[%add3A_66, %dma_start3A_73] : memref<40x128xi32, #tpu.memory_space<vmem>> -> memref<1x128xi32, #tpu.memory_space<vmem>>
      %dma_start3A_75 = tpu.memref_squeeze %dma_start3A_74 : memref<1x128xi32, #tpu.memory_space<vmem>> -> memref<128xi32, #tpu.memory_space<vmem>>
      %dma_start3A_76 = arith.constant 0 : i32
      %dma_start3A_77 = arith.constant 0 : i32
      %dma_start3A_78 = tpu.memref_slice %arg10[%dma_start3A_76, %dma_start3A_77] : memref<10112x128xf32, #tpu.memory_space<vmem_shared>> -> memref<10112x128xf32, #tpu.memory_space<vmem_shared>>
      tpu.enqueue_indirect_dma source(%arg8 : memref<128x128xf32, #tpu.memory_space<vmem>>) target(%dma_start3A_78 : memref<10112x128xf32, #tpu.memory_space<vmem_shared>>) offsets(%dma_start3A_75 : memref<128xi32, #tpu.memory_space<vmem>>) semaphore(%arg13 : memref<!tpu.dma_semaphore, #tpu.memory_space<semaphore_mem>>) {add = true}
      %dma_wait3A_79 = arith.constant 0 : i32
      %dma_wait3A_80 = arith.constant 0 : i32
      %dma_wait3A_81 = tpu.memref_slice %arg7[%dma_wait3A_79, %dma_wait3A_80] : memref<40x128xi32, #tpu.memory_space<vmem>> -> memref<1x128xi32, #tpu.memory_space<vmem>>
      %dma_wait3A_82 = tpu.memref_squeeze %dma_wait3A_81 : memref<1x128xi32, #tpu.memory_space<vmem>> -> memref<128xi32, #tpu.memory_space<vmem>>
      %dma_wait3A_83 = arith.constant 0 : i32
      %dma_wait3A_84 = arith.constant 0 : i32
      %dma_wait3A_85 = tpu.memref_slice %arg10[%dma_wait3A_83, %dma_wait3A_84] : memref<10112x128xf32, #tpu.memory_space<vmem_shared>> -> memref<10112x128xf32, #tpu.memory_space<vmem_shared>>
      tpu.wait_indirect_dma semaphore(%arg13 : memref<!tpu.dma_semaphore, #tpu.memory_space<semaphore_mem>>) src(%arg8 : memref<128x128xf32, #tpu.memory_space<vmem>>) dst(%dma_wait3A_85 : memref<10112x128xf32, #tpu.memory_space<vmem_shared>>)
      %add3A_86 = arith.constant 2 : i32
      %add3A_87 = arith.addi %add3A_66, %add3A_86 : i32
      %lt3A = arith.constant 40 : i32
      %lt3A_88 = arith.cmpi slt, %add3A_87, %lt3A : i32
      %convert_element_type3A = arith.extui %lt3A_88 : i1 to i32
      %cond3A = arith.constant 0 : i32
      %cond3A_89 = arith.cmpi ne, %convert_element_type3A, %cond3A : i32
      scf.if %cond3A_89 {
        %add3A_121 = arith.constant 2 : i32
        %add3A_122 = arith.addi %add3A_66, %add3A_121 : i32
        %dma_start3A_123 = arith.constant 0 : i32
        %dma_start3A_124 = tpu.memref_slice %arg6[%add3A_122, %dma_start3A_123] : memref<40x128xi32, #tpu.memory_space<vmem>> -> memref<1x128xi32, #tpu.memory_space<vmem>>
        %dma_start3A_125 = tpu.memref_squeeze %dma_start3A_124 : memref<1x128xi32, #tpu.memory_space<vmem>> -> memref<128xi32, #tpu.memory_space<vmem>>
        %dma_start3A_126 = arith.constant 0 : i32
        %dma_start3A_127 = arith.constant 0 : i32
        %dma_start3A_128 = tpu.memref_slice %arg2[%dma_start3A_126, %dma_start3A_127] : memref<10000x128xf32, #tpu.memory_space<hbm>> -> memref<10000x128xf32, #tpu.memory_space<hbm>>
        tpu.enqueue_indirect_dma source(%dma_start3A_128 : memref<10000x128xf32, #tpu.memory_space<hbm>>) target(%arg8 : memref<128x128xf32, #tpu.memory_space<vmem>>) offsets(%dma_start3A_125 : memref<128xi32, #tpu.memory_space<vmem>>) semaphore(%arg11 : memref<!tpu.dma_semaphore, #tpu.memory_space<semaphore_mem>>)
      } else {
      }
      %mul3A_90 = arith.constant 2 : i32
      %mul3A_91 = arith.muli %scan3A_62, %mul3A_90 : i32
      %add3A_92 = arith.constant 1 : i32
      %add3A_93 = arith.addi %mul3A_91, %add3A_92 : i32
      %dma_wait3A_94 = arith.constant 0 : i32
      %dma_wait3A_95 = arith.constant 0 : i32
      %dma_wait3A_96 = tpu.memref_slice %arg6[%dma_wait3A_94, %dma_wait3A_95] : memref<40x128xi32, #tpu.memory_space<vmem>> -> memref<1x128xi32, #tpu.memory_space<vmem>>
      %dma_wait3A_97 = tpu.memref_squeeze %dma_wait3A_96 : memref<1x128xi32, #tpu.memory_space<vmem>> -> memref<128xi32, #tpu.memory_space<vmem>>
      %dma_wait3A_98 = arith.constant 0 : i32
      %dma_wait3A_99 = arith.constant 0 : i32
      %dma_wait3A_100 = tpu.memref_slice %arg2[%dma_wait3A_98, %dma_wait3A_99] : memref<10000x128xf32, #tpu.memory_space<hbm>> -> memref<10000x128xf32, #tpu.memory_space<hbm>>
      tpu.wait_indirect_dma semaphore(%arg12 : memref<!tpu.dma_semaphore, #tpu.memory_space<semaphore_mem>>) src(%dma_wait3A_100 : memref<10000x128xf32, #tpu.memory_space<hbm>>) dst(%arg9 : memref<128x128xf32, #tpu.memory_space<vmem>>)
      %dma_start3A_101 = arith.constant 0 : i32
      %dma_start3A_102 = tpu.memref_slice %arg7[%add3A_93, %dma_start3A_101] : memref<40x128xi32, #tpu.memory_space<vmem>> -> memref<1x128xi32, #tpu.memory_space<vmem>>
      %dma_start3A_103 = tpu.memref_squeeze %dma_start3A_102 : memref<1x128xi32, #tpu.memory_space<vmem>> -> memref<128xi32, #tpu.memory_space<vmem>>
      %dma_start3A_104 = arith.constant 0 : i32
      %dma_start3A_105 = arith.constant 0 : i32
      %dma_start3A_106 = tpu.memref_slice %arg10[%dma_start3A_104, %dma_start3A_105] : memref<10112x128xf32, #tpu.memory_space<vmem_shared>> -> memref<10112x128xf32, #tpu.memory_space<vmem_shared>>
      tpu.enqueue_indirect_dma source(%arg9 : memref<128x128xf32, #tpu.memory_space<vmem>>) target(%dma_start3A_106 : memref<10112x128xf32, #tpu.memory_space<vmem_shared>>) offsets(%dma_start3A_103 : memref<128xi32, #tpu.memory_space<vmem>>) semaphore(%arg14 : memref<!tpu.dma_semaphore, #tpu.memory_space<semaphore_mem>>) {add = true}
      %dma_wait3A_107 = arith.constant 0 : i32
      %dma_wait3A_108 = arith.constant 0 : i32
      %dma_wait3A_109 = tpu.memref_slice %arg7[%dma_wait3A_107, %dma_wait3A_108] : memref<40x128xi32, #tpu.memory_space<vmem>> -> memref<1x128xi32, #tpu.memory_space<vmem>>
      %dma_wait3A_110 = tpu.memref_squeeze %dma_wait3A_109 : memref<1x128xi32, #tpu.memory_space<vmem>> -> memref<128xi32, #tpu.memory_space<vmem>>
      %dma_wait3A_111 = arith.constant 0 : i32
      %dma_wait3A_112 = arith.constant 0 : i32
      %dma_wait3A_113 = tpu.memref_slice %arg10[%dma_wait3A_111, %dma_wait3A_112] : memref<10112x128xf32, #tpu.memory_space<vmem_shared>> -> memref<10112x128xf32, #tpu.memory_space<vmem_shared>>
      tpu.wait_indirect_dma semaphore(%arg14 : memref<!tpu.dma_semaphore, #tpu.memory_space<semaphore_mem>>) src(%arg8 : memref<128x128xf32, #tpu.memory_space<vmem>>) dst(%dma_wait3A_113 : memref<10112x128xf32, #tpu.memory_space<vmem_shared>>)
      %add3A_114 = arith.constant 2 : i32
      %add3A_115 = arith.addi %add3A_93, %add3A_114 : i32
      %lt3A_116 = arith.constant 40 : i32
      %lt3A_117 = arith.cmpi slt, %add3A_115, %lt3A_116 : i32
      %convert_element_type3A_118 = arith.extui %lt3A_117 : i1 to i32
      %cond3A_119 = arith.constant 0 : i32
      %cond3A_120 = arith.cmpi ne, %convert_element_type3A_118, %cond3A_119 : i32
      scf.if %cond3A_120 {
        %add3A_121 = arith.constant 2 : i32
        %add3A_122 = arith.addi %add3A_93, %add3A_121 : i32
        %dma_start3A_123 = arith.constant 0 : i32
        %dma_start3A_124 = tpu.memref_slice %arg6[%add3A_122, %dma_start3A_123] : memref<40x128xi32, #tpu.memory_space<vmem>> -> memref<1x128xi32, #tpu.memory_space<vmem>>
        %dma_start3A_125 = tpu.memref_squeeze %dma_start3A_124 : memref<1x128xi32, #tpu.memory_space<vmem>> -> memref<128xi32, #tpu.memory_space<vmem>>
        %dma_start3A_126 = arith.constant 0 : i32
        %dma_start3A_127 = arith.constant 0 : i32
        %dma_start3A_128 = tpu.memref_slice %arg2[%dma_start3A_126, %dma_start3A_127] : memref<10000x128xf32, #tpu.memory_space<hbm>> -> memref<10000x128xf32, #tpu.memory_space<hbm>>
        tpu.enqueue_indirect_dma source(%dma_start3A_128 : memref<10000x128xf32, #tpu.memory_space<hbm>>) target(%arg9 : memref<128x128xf32, #tpu.memory_space<vmem>>) offsets(%dma_start3A_125 : memref<128xi32, #tpu.memory_space<vmem>>) semaphore(%arg12 : memref<!tpu.dma_semaphore, #tpu.memory_space<semaphore_mem>>)
      } else {
      }
    }
    %scan3A_60 = arith.constant 20 : i32
    %barrier3A_61 = arith.constant 0 : index
    tpu.barrier barrier_id(%barrier3A_61)
    "tpu.region"() ({
      %run_scoped3A_62 = tpu.sem_alloc : memref<!tpu.dma_semaphore, #tpu.memory_space<semaphore_mem>>
      %dma_start3A_63 = arith.constant 0 : i32
      %dma_start3A_64 = arith.constant 0 : i32
      %dma_start3A_65 = tpu.memref_slice %arg5[%arg0, %dma_start3A_63, %dma_start3A_64] : memref<2x10112x128xf32, #tpu.memory_space<hbm>> -> memref<1x10112x128xf32, #tpu.memory_space<hbm>>
      %dma_start3A_66 = tpu.memref_squeeze %dma_start3A_65 : memref<1x10112x128xf32, #tpu.memory_space<hbm>> -> memref<10112x128xf32, #tpu.memory_space<hbm>>
      %dma_start3A_67 = arith.constant 0 : i32
      %dma_start3A_68 = tpu.memref_slice %dma_start3A_66[%mul3A_8, %dma_start3A_67] : memref<10112x128xf32, #tpu.memory_space<hbm>> -> memref<632x128xf32, #tpu.memory_space<hbm>>
      %dma_start3A_69 = arith.constant 0 : i32
      %dma_start3A_70 = tpu.memref_slice %arg10[%mul3A_8, %dma_start3A_69] : memref<10112x128xf32, #tpu.memory_space<vmem_shared>> -> memref<632x128xf32, #tpu.memory_space<vmem_shared>>
      tpu.enqueue_dma source(%dma_start3A_70 : memref<632x128xf32, #tpu.memory_space<vmem_shared>>) target(%dma_start3A_68 : memref<632x128xf32, #tpu.memory_space<hbm>>) target_semaphore(%run_scoped3A_62 : memref<!tpu.dma_semaphore, #tpu.memory_space<semaphore_mem>>)
      %dma_wait3A = arith.constant 0 : i32
      %dma_wait3A_71 = arith.constant 0 : i32
      %dma_wait3A_72 = tpu.memref_slice %arg5[%arg0, %dma_wait3A, %dma_wait3A_71] : memref<2x10112x128xf32, #tpu.memory_space<hbm>> -> memref<1x10112x128xf32, #tpu.memory_space<hbm>>
      %dma_wait3A_73 = tpu.memref_squeeze %dma_wait3A_72 : memref<1x10112x128xf32, #tpu.memory_space<hbm>> -> memref<10112x128xf32, #tpu.memory_space<hbm>>
      %dma_wait3A_74 = arith.constant 0 : i32
      %dma_wait3A_75 = tpu.memref_slice %dma_wait3A_73[%mul3A_8, %dma_wait3A_74] : memref<10112x128xf32, #tpu.memory_space<hbm>> -> memref<632x128xf32, #tpu.memory_space<hbm>>
      %dma_wait3A_76 = arith.constant 0 : i32
      %dma_wait3A_77 = tpu.memref_slice %arg10[%mul3A_8, %dma_wait3A_76] : memref<10112x128xf32, #tpu.memory_space<vmem_shared>> -> memref<632x128xf32, #tpu.memory_space<vmem_shared>>
      tpu.wait_dma2 semaphore(%run_scoped3A_62 : memref<!tpu.dma_semaphore, #tpu.memory_space<semaphore_mem>>) src(%dma_wait3A_77 : memref<632x128xf32, #tpu.memory_space<vmem_shared>>) dst(%dma_wait3A_75 : memref<632x128xf32, #tpu.memory_space<hbm>>)
      tpu.yield
    }) : () -> ()
    return
  }
}

module attributes {stable_mosaic.version = 14 : i64} {
  func.func @_mm_scale_body(%arg0: i32, %arg1: memref<1000x128xf32, #tpu.memory_space<vmem>>, %arg2: memref<128x128xf32, #tpu.memory_space<vmem>>, %arg3: memref<1000x1xf32, #tpu.memory_space<vmem>>, %arg4: memref<1000x1xf32, #tpu.memory_space<vmem>>, %arg5: memref<1000x128xf32, #tpu.memory_space<vmem>>) attributes {dimension_semantics = [#tpu.dimension_semantics<arbitrary>], iteration_bounds = array<i64: 10>, scalar_prefetch = 0 : i64, scratch_operands = 0 : i64, tpu.core_type = #tpu.core_type<tc>, window_params = [{transform_indices = @transform_0, window_bounds = array<i64: 1000, 128>}, {pipeline_mode = #tpu.pipeline_mode<synchronous>, transform_indices = @transform_1, window_bounds = array<i64: 128, 128>}, {transform_indices = @transform_2, window_bounds = array<i64: 1000, 1>}, {transform_indices = @transform_3, window_bounds = array<i64: 1000, 1>}, {transform_indices = @transform_4, window_bounds = array<i64: 1000, 128>}]} {
    %get3A = arith.constant 0 : index
    %get3A_0 = arith.constant 0 : index
    %get3A_1 = vector.load %arg3[%get3A, %get3A_0] : memref<1000x1xf32, #tpu.memory_space<vmem>>, vector<1000x1xf32>
    %get3A_2 = arith.constant 0 : index
    %get3A_3 = arith.constant 0 : index
    %get3A_4 = vector.load %arg4[%get3A_2, %get3A_3] : memref<1000x1xf32, #tpu.memory_space<vmem>>, vector<1000x1xf32>
    %add3A = arith.addf %get3A_1, %get3A_4 : vector<1000x1xf32>
    %add3A_5 = arith.constant 1.000000e+00 : f32
    %add3A_6 = vector.broadcast %add3A_5 : f32 to vector<1000x1xf32>
    %add3A_7 = arith.addf %add3A, %add3A_6 : vector<1000x1xf32>
    %rsqrt3A = math.rsqrt %add3A_7 : vector<1000x1xf32>
    %get3A_8 = arith.constant 0 : index
    %get3A_9 = arith.constant 0 : index
    %get3A_10 = vector.load %arg1[%get3A_8, %get3A_9] : memref<1000x128xf32, #tpu.memory_space<vmem>>, vector<1000x128xf32>
    %get3A_11 = arith.constant 0 : index
    %get3A_12 = arith.constant 0 : index
    %get3A_13 = vector.load %arg2[%get3A_11, %get3A_12] : memref<128x128xf32, #tpu.memory_space<vmem>>, vector<128x128xf32>
    %dot_general3A = arith.constant dense<0.000000e+00> : vector<1000x128xf32>
    %dot_general3A_14 = tpu.matmul %get3A_10, %get3A_13, %dot_general3A {dimension_numbers = #tpu.dot_dimension_numbers<[1], [0], [0], [1], [0, 0, 1, 1], [], []>, transpose_lhs_hint = false} : vector<1000x128xf32>, vector<128x128xf32>, vector<1000x128xf32> -> vector<1000x128xf32>
    %mul3A = vector.broadcast %rsqrt3A : vector<1000x1xf32> to vector<1000x128xf32>
    %mul3A_15 = arith.mulf %mul3A, %dot_general3A_14 : vector<1000x128xf32>
    %swap3A = arith.constant 0 : index
    %swap3A_16 = arith.constant 0 : index
    %swap3A_17 = vector.load %arg5[%swap3A, %swap3A_16] : memref<1000x128xf32, #tpu.memory_space<vmem>>, vector<1000x128xf32>
    tpu.vector_store %arg5[%swap3A, %swap3A_16], %mul3A_15 {strides = array<i32>} : memref<1000x128xf32, #tpu.memory_space<vmem>>, vector<1000x128xf32>,
    return
  }
  func.func @transform_0(%arg0: i32) -> (i32, i32) {
    %c0_i32 = arith.constant 0 : i32
    %c0_i32_0 = arith.constant 0 : i32
    return %arg0, %c0_i32 : i32, i32
  }
  func.func @transform_1(%arg0: i32) -> (i32, i32) {
    %c0_i32 = arith.constant 0 : i32
    %c0_i32_0 = arith.constant 0 : i32
    %c0_i32_1 = arith.constant 0 : i32
    return %c0_i32, %c0_i32_0 : i32, i32
  }
  func.func @transform_2(%arg0: i32) -> (i32, i32) {
    %c0_i32 = arith.constant 0 : i32
    %c0_i32_0 = arith.constant 0 : i32
    return %arg0, %c0_i32 : i32, i32
  }
  func.func @transform_3(%arg0: i32) -> (i32, i32) {
    %c0_i32 = arith.constant 0 : i32
    %c0_i32_0 = arith.constant 0 : i32
    return %arg0, %c0_i32 : i32, i32
  }
  func.func @transform_4(%arg0: i32) -> (i32, i32) {
    %c0_i32 = arith.constant 0 : i32
    %c0_i32_0 = arith.constant 0 : i32
    return %arg0, %c0_i32 : i32, i32
  }
}

module attributes {stable_mosaic.version = 14 : i64} {
  func.func @_mid_body(%arg0: i32, %arg1: memref<1x1000x128xf32, #tpu.memory_space<vmem>>, %arg2: memref<1x1000x128xf32, #tpu.memory_space<vmem>>, %arg3: memref<1000x128xf32, #tpu.memory_space<vmem>>, %arg4: memref<1000x1xf32, #tpu.memory_space<vmem>>, %arg5: memref<1000x1xf32, #tpu.memory_space<vmem>>, %arg6: memref<128x128xf32, #tpu.memory_space<vmem>>, %arg7: memref<1x128xf32, #tpu.memory_space<vmem>>, %arg8: memref<1000x128xf32, #tpu.memory_space<vmem>>) attributes {dimension_semantics = [#tpu.dimension_semantics<arbitrary>], iteration_bounds = array<i64: 10>, scalar_prefetch = 0 : i64, scratch_operands = 0 : i64, tpu.core_type = #tpu.core_type<tc>, window_params = [{transform_indices = @transform_0, window_bounds = array<i64: 1, 1000, 128>}, {transform_indices = @transform_1, window_bounds = array<i64: 1, 1000, 128>}, {transform_indices = @transform_2, window_bounds = array<i64: 1000, 128>}, {transform_indices = @transform_3, window_bounds = array<i64: 1000, 1>}, {transform_indices = @transform_4, window_bounds = array<i64: 1000, 1>}, {pipeline_mode = #tpu.pipeline_mode<synchronous>, transform_indices = @transform_5, window_bounds = array<i64: 128, 128>}, {pipeline_mode = #tpu.pipeline_mode<synchronous>, transform_indices = @transform_6, window_bounds = array<i64: 1, 128>}, {transform_indices = @transform_7, window_bounds = array<i64: 1000, 128>}]} {
    %get3A = arith.constant 0 : index
    %get3A_0 = arith.constant 0 : index
    %get3A_1 = vector.load %arg4[%get3A, %get3A_0] : memref<1000x1xf32, #tpu.memory_space<vmem>>, vector<1000x1xf32>
    %get3A_2 = arith.constant 0 : index
    %get3A_3 = arith.constant 0 : index
    %get3A_4 = vector.load %arg5[%get3A_2, %get3A_3] : memref<1000x1xf32, #tpu.memory_space<vmem>>, vector<1000x1xf32>
    %add3A = arith.addf %get3A_1, %get3A_4 : vector<1000x1xf32>
    %add3A_5 = arith.constant 1.000000e+00 : f32
    %add3A_6 = vector.broadcast %add3A_5 : f32 to vector<1000x1xf32>
    %add3A_7 = arith.addf %add3A, %add3A_6 : vector<1000x1xf32>
    %rsqrt3A = math.rsqrt %add3A_7 : vector<1000x1xf32>
    %get3A_8 = arith.constant 0 : index
    %get3A_9 = arith.constant 0 : index
    %get3A_10 = arith.constant 0 : index
    %get3A_11 = vector.load %arg1[%get3A_8, %get3A_9, %get3A_10] : memref<1x1000x128xf32, #tpu.memory_space<vmem>>, vector<1x1000x128xf32>
    %get3A_12 = vector.shape_cast %get3A_11 : vector<1x1000x128xf32> to vector<1000x128xf32>
    %get3A_13 = arith.constant 0 : index
    %get3A_14 = arith.constant 0 : index
    %get3A_15 = arith.constant 0 : index
    %get3A_16 = vector.load %arg2[%get3A_13, %get3A_14, %get3A_15] : memref<1x1000x128xf32, #tpu.memory_space<vmem>>, vector<1x1000x128xf32>
    %get3A_17 = vector.shape_cast %get3A_16 : vector<1x1000x128xf32> to vector<1000x128xf32>
    %add3A_18 = arith.addf %get3A_12, %get3A_17 : vector<1000x128xf32>
    %get3A_19 = arith.constant 0 : index
    %get3A_20 = arith.constant 0 : index
    %get3A_21 = vector.load %arg3[%get3A_19, %get3A_20] : memref<1000x128xf32, #tpu.memory_space<vmem>>, vector<1000x128xf32>
    %add3A_22 = arith.addf %add3A_18, %get3A_21 : vector<1000x128xf32>
    %mul3A = vector.broadcast %rsqrt3A : vector<1000x1xf32> to vector<1000x128xf32>
    %mul3A_23 = arith.mulf %mul3A, %add3A_22 : vector<1000x128xf32>
    %get3A_24 = arith.constant 0 : index
    %get3A_25 = arith.constant 0 : index
    %get3A_26 = vector.load %arg7[%get3A_24, %get3A_25] : memref<1x128xf32, #tpu.memory_space<vmem>>, vector<1x128xf32>
    %add3A_27 = vector.broadcast %get3A_26 : vector<1x128xf32> to vector<1000x128xf32>
    %add3A_28 = arith.addf %mul3A_23, %add3A_27 : vector<1000x128xf32>
    %ge3A = arith.constant 0.000000e+00 : f32
    %ge3A_29 = vector.broadcast %ge3A : f32 to vector<1000x128xf32>
    %ge3A_30 = arith.cmpf oge, %add3A_28, %ge3A_29 : vector<1000x128xf32>
    %mul3A_31 = arith.constant 0.00999999977 : f32
    %mul3A_32 = vector.broadcast %mul3A_31 : f32 to vector<1000x128xf32>
    %mul3A_33 = arith.mulf %mul3A_32, %add3A_28 : vector<1000x128xf32>
    %select_n3A = arith.select %ge3A_30, %add3A_28, %mul3A_33 : vector<1000x128xi1>, vector<1000x128xf32>
    %get3A_34 = arith.constant 0 : index
    %get3A_35 = arith.constant 0 : index
    %get3A_36 = vector.load %arg6[%get3A_34, %get3A_35] : memref<128x128xf32, #tpu.memory_space<vmem>>, vector<128x128xf32>
    %dot_general3A = arith.constant dense<0.000000e+00> : vector<1000x128xf32>
    %dot_general3A_37 = tpu.matmul %select_n3A, %get3A_36, %dot_general3A {dimension_numbers = #tpu.dot_dimension_numbers<[1], [0], [0], [1], [0, 0, 1, 1], [], []>, transpose_lhs_hint = false} : vector<1000x128xf32>, vector<128x128xf32>, vector<1000x128xf32> -> vector<1000x128xf32>
    %mul3A_38 = vector.broadcast %rsqrt3A : vector<1000x1xf32> to vector<1000x128xf32>
    %mul3A_39 = arith.mulf %mul3A_38, %dot_general3A_37 : vector<1000x128xf32>
    %swap3A = arith.constant 0 : index
    %swap3A_40 = arith.constant 0 : index
    %swap3A_41 = vector.load %arg8[%swap3A, %swap3A_40] : memref<1000x128xf32, #tpu.memory_space<vmem>>, vector<1000x128xf32>
    tpu.vector_store %arg8[%swap3A, %swap3A_40], %mul3A_39 {strides = array<i32>} : memref<1000x128xf32, #tpu.memory_space<vmem>>, vector<1000x128xf32>,
    return
  }
  func.func @transform_0(%arg0: i32) -> (i32, i32, i32) {
    %c0_i32 = arith.constant 0 : i32
    %c0_i32_0 = arith.constant 0 : i32
    %c0_i32_1 = arith.constant 0 : i32
    return %c0_i32, %arg0, %c0_i32_0 : i32, i32, i32
  }
  func.func @transform_1(%arg0: i32) -> (i32, i32, i32) {
    %c1_i32 = arith.constant 1 : i32
    %c0_i32 = arith.constant 0 : i32
    %c0_i32_0 = arith.constant 0 : i32
    return %c1_i32, %arg0, %c0_i32 : i32, i32, i32
  }
  func.func @transform_2(%arg0: i32) -> (i32, i32) {
    %c0_i32 = arith.constant 0 : i32
    %c0_i32_0 = arith.constant 0 : i32
    return %arg0, %c0_i32 : i32, i32
  }
  func.func @transform_3(%arg0: i32) -> (i32, i32) {
    %c0_i32 = arith.constant 0 : i32
    %c0_i32_0 = arith.constant 0 : i32
    return %arg0, %c0_i32 : i32, i32
  }
  func.func @transform_4(%arg0: i32) -> (i32, i32) {
    %c0_i32 = arith.constant 0 : i32
    %c0_i32_0 = arith.constant 0 : i32
    return %arg0, %c0_i32 : i32, i32
  }
  func.func @transform_5(%arg0: i32) -> (i32, i32) {
    %c0_i32 = arith.constant 0 : i32
    %c0_i32_0 = arith.constant 0 : i32
    %c0_i32_1 = arith.constant 0 : i32
    return %c0_i32, %c0_i32_0 : i32, i32
  }
  func.func @transform_6(%arg0: i32) -> (i32, i32) {
    %c0_i32 = arith.constant 0 : i32
    %c0_i32_0 = arith.constant 0 : i32
    %c0_i32_1 = arith.constant 0 : i32
    return %c0_i32, %c0_i32_0 : i32, i32
  }
  func.func @transform_7(%arg0: i32) -> (i32, i32) {
    %c0_i32 = arith.constant 0 : i32
    %c0_i32_0 = arith.constant 0 : i32
    return %arg0, %c0_i32 : i32, i32
  }
}

module attributes {stable_mosaic.version = 14 : i64} {
  func.func @_fin_body(%arg0: i32, %arg1: memref<1x1000x128xf32, #tpu.memory_space<vmem>>, %arg2: memref<1x1000x128xf32, #tpu.memory_space<vmem>>, %arg3: memref<1000x128xf32, #tpu.memory_space<vmem>>, %arg4: memref<1000x1xf32, #tpu.memory_space<vmem>>, %arg5: memref<1000x1xf32, #tpu.memory_space<vmem>>, %arg6: memref<1x64xf32, #tpu.memory_space<vmem>>, %arg7: memref<1x64xf32, #tpu.memory_space<vmem>>, %arg8: memref<1000x64xf32, #tpu.memory_space<vmem>>, %arg9: memref<1000x64xf32, #tpu.memory_space<vmem>>) attributes {dimension_semantics = [#tpu.dimension_semantics<arbitrary>], iteration_bounds = array<i64: 10>, scalar_prefetch = 0 : i64, scratch_operands = 0 : i64, tpu.core_type = #tpu.core_type<tc>, window_params = [{transform_indices = @transform_0, window_bounds = array<i64: 1, 1000, 128>}, {transform_indices = @transform_1, window_bounds = array<i64: 1, 1000, 128>}, {transform_indices = @transform_2, window_bounds = array<i64: 1000, 128>}, {transform_indices = @transform_3, window_bounds = array<i64: 1000, 1>}, {transform_indices = @transform_4, window_bounds = array<i64: 1000, 1>}, {pipeline_mode = #tpu.pipeline_mode<synchronous>, transform_indices = @transform_5, window_bounds = array<i64: 1, 64>}, {pipeline_mode = #tpu.pipeline_mode<synchronous>, transform_indices = @transform_6, window_bounds = array<i64: 1, 64>}, {transform_indices = @transform_7, window_bounds = array<i64: 1000, 64>}, {transform_indices = @transform_8, window_bounds = array<i64: 1000, 64>}]} {
    %get3A = arith.constant 0 : index
    %get3A_0 = arith.constant 0 : index
    %get3A_1 = vector.load %arg4[%get3A, %get3A_0] : memref<1000x1xf32, #tpu.memory_space<vmem>>, vector<1000x1xf32>
    %get3A_2 = arith.constant 0 : index
    %get3A_3 = arith.constant 0 : index
    %get3A_4 = vector.load %arg5[%get3A_2, %get3A_3] : memref<1000x1xf32, #tpu.memory_space<vmem>>, vector<1000x1xf32>
    %add3A = arith.addf %get3A_1, %get3A_4 : vector<1000x1xf32>
    %add3A_5 = arith.constant 1.000000e+00 : f32
    %add3A_6 = vector.broadcast %add3A_5 : f32 to vector<1000x1xf32>
    %add3A_7 = arith.addf %add3A, %add3A_6 : vector<1000x1xf32>
    %rsqrt3A = math.rsqrt %add3A_7 : vector<1000x1xf32>
    %get3A_8 = arith.constant 0 : index
    %get3A_9 = arith.constant 0 : index
    %get3A_10 = arith.constant 0 : index
    %get3A_11 = vector.load %arg1[%get3A_8, %get3A_9, %get3A_10] : memref<1x1000x128xf32, #tpu.memory_space<vmem>>, vector<1x1000x128xf32>
    %get3A_12 = vector.shape_cast %get3A_11 : vector<1x1000x128xf32> to vector<1000x128xf32>
    %get3A_13 = arith.constant 0 : index
    %get3A_14 = arith.constant 0 : index
    %get3A_15 = arith.constant 0 : index
    %get3A_16 = vector.load %arg2[%get3A_13, %get3A_14, %get3A_15] : memref<1x1000x128xf32, #tpu.memory_space<vmem>>, vector<1x1000x128xf32>
    %get3A_17 = vector.shape_cast %get3A_16 : vector<1x1000x128xf32> to vector<1000x128xf32>
    %add3A_18 = arith.addf %get3A_12, %get3A_17 : vector<1000x128xf32>
    %get3A_19 = arith.constant 0 : index
    %get3A_20 = arith.constant 0 : index
    %get3A_21 = vector.load %arg3[%get3A_19, %get3A_20] : memref<1000x128xf32, #tpu.memory_space<vmem>>, vector<1000x128xf32>
    %add3A_22 = arith.addf %add3A_18, %get3A_21 : vector<1000x128xf32>
    %mul3A = vector.broadcast %rsqrt3A : vector<1000x1xf32> to vector<1000x128xf32>
    %mul3A_23 = arith.mulf %mul3A, %add3A_22 : vector<1000x128xf32>
    %slice3A = vector.extract_strided_slice %mul3A_23 {offsets = [0, 0], sizes = [1000, 64], strides = [1, 1]} : vector<1000x128xf32> to vector<1000x64xf32>
    %get3A_24 = arith.constant 0 : index
    %get3A_25 = arith.constant 0 : index
    %get3A_26 = vector.load %arg6[%get3A_24, %get3A_25] : memref<1x64xf32, #tpu.memory_space<vmem>>, vector<1x64xf32>
    %add3A_27 = vector.broadcast %get3A_26 : vector<1x64xf32> to vector<1000x64xf32>
    %add3A_28 = arith.addf %slice3A, %add3A_27 : vector<1000x64xf32>
    %swap3A = arith.constant 0 : index
    %swap3A_29 = arith.constant 0 : index
    %swap3A_30 = vector.load %arg8[%swap3A, %swap3A_29] : memref<1000x64xf32, #tpu.memory_space<vmem>>, vector<1000x64xf32>
    tpu.vector_store %arg8[%swap3A, %swap3A_29], %add3A_28 {strides = array<i32>} : memref<1000x64xf32, #tpu.memory_space<vmem>>, vector<1000x64xf32>,
    %slice3A_31 = vector.extract_strided_slice %mul3A_23 {offsets = [0, 64], sizes = [1000, 64], strides = [1, 1]} : vector<1000x128xf32> to vector<1000x64xf32>
    %get3A_32 = arith.constant 0 : index
    %get3A_33 = arith.constant 0 : index
    %get3A_34 = vector.load %arg7[%get3A_32, %get3A_33] : memref<1x64xf32, #tpu.memory_space<vmem>>, vector<1x64xf32>
    %add3A_35 = vector.broadcast %get3A_34 : vector<1x64xf32> to vector<1000x64xf32>
    %add3A_36 = arith.addf %slice3A_31, %add3A_35 : vector<1000x64xf32>
    %swap3A_37 = arith.constant 0 : index
    %swap3A_38 = arith.constant 0 : index
    %swap3A_39 = vector.load %arg9[%swap3A_37, %swap3A_38] : memref<1000x64xf32, #tpu.memory_space<vmem>>, vector<1000x64xf32>
    tpu.vector_store %arg9[%swap3A_37, %swap3A_38], %add3A_36 {strides = array<i32>} : memref<1000x64xf32, #tpu.memory_space<vmem>>, vector<1000x64xf32>,
    return
  }
  func.func @transform_0(%arg0: i32) -> (i32, i32, i32) {
    %c0_i32 = arith.constant 0 : i32
    %c0_i32_0 = arith.constant 0 : i32
    %c0_i32_1 = arith.constant 0 : i32
    return %c0_i32, %arg0, %c0_i32_0 : i32, i32, i32
  }
  func.func @transform_1(%arg0: i32) -> (i32, i32, i32) {
    %c1_i32 = arith.constant 1 : i32
    %c0_i32 = arith.constant 0 : i32
    %c0_i32_0 = arith.constant 0 : i32
    return %c1_i32, %arg0, %c0_i32 : i32, i32, i32
  }
  func.func @transform_2(%arg0: i32) -> (i32, i32) {
    %c0_i32 = arith.constant 0 : i32
    %c0_i32_0 = arith.constant 0 : i32
    return %arg0, %c0_i32 : i32, i32
  }
  func.func @transform_3(%arg0: i32) -> (i32, i32) {
    %c0_i32 = arith.constant 0 : i32
    %c0_i32_0 = arith.constant 0 : i32
    return %arg0, %c0_i32 : i32, i32
  }
  func.func @transform_4(%arg0: i32) -> (i32, i32) {
    %c0_i32 = arith.constant 0 : i32
    %c0_i32_0 = arith.constant 0 : i32
    return %arg0, %c0_i32 : i32, i32
  }
  func.func @transform_5(%arg0: i32) -> (i32, i32) {
    %c0_i32 = arith.constant 0 : i32
    %c0_i32_0 = arith.constant 0 : i32
    %c0_i32_1 = arith.constant 0 : i32
    return %c0_i32, %c0_i32_0 : i32, i32
  }
  func.func @transform_6(%arg0: i32) -> (i32, i32) {
    %c0_i32 = arith.constant 0 : i32
    %c0_i32_0 = arith.constant 0 : i32
    %c0_i32_1 = arith.constant 0 : i32
    return %c0_i32, %c0_i32_0 : i32, i32
  }
  func.func @transform_7(%arg0: i32) -> (i32, i32) {
    %c0_i32 = arith.constant 0 : i32
    %c0_i32_0 = arith.constant 0 : i32
    return %arg0, %c0_i32 : i32, i32
  }
  func.func @transform_8(%arg0: i32) -> (i32, i32) {
    %c0_i32 = arith.constant 0 : i32
    %c0_i32_0 = arith.constant 0 : i32
    return %arg0, %c0_i32 : i32, i32
  }
}

</mosaic_0001>

<sc_bundles>
// kernel: kernel.11.cloned.1.call-start
scs
__scs_entry_jumppad:
0x0: {  	(pc) =	sbr.rel $0x88, $3  }
0x1: {  	(tag) =	ssettag $0x0;
	lr =	simm.s32 $0x1  }
0x2: {  	[smem:$0x3F99] =	sst lr;
	_ =	strace $0xD0000000  }
0x3: {  	_ = 	snop  }
0x4: {  	_ = 	snop  }
0x5: {  	_ = 	snop  }
0x6: {  	_ = 	snop  }
0x7: {  	_ = 	snop  }
__scs_overlays_trampoline_lowered:
0x8: {  	[smem:$0x3FA8] =	sst s0  }
0x9: {  	[smem:$0x3FA9] =	sst s1  }
0xa: {  	[smem:$0x3FAA] =	sst s2  }
0xb: {  	[smem:$0x3FAB] =	sst s3  }
0xc: {  	[smem:$0x3FAC] =	sst s4  }
0xd: {  	[smem:$0x3FAD] =	sst s5  }
0xe: {  	[smem:$0x3FAE] =	sst s6  }
0xf: {  	[smem:$0x3FAF] =	sst s7  }
0x10: {  	[smem:$0x3FB0] =	sst s8  }
0x11: {  	[smem:$0x3FB1] =	sst s9;
	s0 =	simm.s32 @!p0 $0x0  }
0x12: {  	s1 =	sld [smem:$0x3F97];
	s0 =	simm.s32 @p0 $0x1  }
0x13: {  	[smem:$0x3FB2] =	sst s0;
	s0 =	simm.s32 @!p1 $0x0  }
0x14: {  	s2 =	sld [smem:$0x3F96];
	s0 =	simm.s32 @p1 $0x1  }
0x15: {  	[smem:$0x3FB3] =	sst s0;
	s0 =	simm.s32 @!p2 $0x0  }
0x16: {  	s3 =	sld [smem:$0x3FDB];
	s0 =	simm.s32 @p2 $0x1  }
0x17: {  	s4 =	simm.s32 $0x1BF5;
	[smem:$0x3FB5] =	sst s0  }
0x18: {  	s0 =	sld [smem:$0x3F98];
	_ =	swait.ge [sflag:s4], $0x0  }
0x19: {  	s7 =	sld [smem:$0x3F99]  }
0x1a: {  	s8 =	sadd.s32 $0xFFFFE003, lr  }
0x1b: {  	s9 =	sadd.s32 $0xFFFFFEF7, lr;
	s5 =	simm.s32 $0xFFFFFFFF;
	p2 =	slt.u32 s8, $0xFFFFF086  }
0x1c: {  	p1 =	slt.u32 s9, $0xF7A;
	s5 =	simm.s32 @!p2 $0x0  }
0x1d: {  	s5 =	simm.s32 @p1 $0x1;
	p0 =	seq.s32 s7, s2  }
0x1e: {  	s7 =	smul.u32 @!p0 $0xF7A, s2;
	p2 =	seq.s32 @!p0 s5, $0x0  }
0x1f: {  	s9 =	smul.u32 $0xF7A, s1;
	s8 =	simm.s32 @!p0 $0x1BF5;
	p2 =	por !p2, p0  }
0x20: {  	[sflag:s8] =	ssyncset.s32 @!p0 $0xFFFFF086;
	s6 =	sadd.s32 @!p0 s3, s7;
	s7 =	simm.s32 @!p0 $0x108  }
0x21: {  	s3 =	sadd.s32 s3, s9;
	s6 =	sadd.s32 @!p0 $0x88, s6;
	s7 =	simm.s32 @p2 $0x1082  }
0x22: {  	[simem:s7], [sflag:s8] =	dma.local @!p0 [hbm:s6], $0xF7A  }
0x23: {  	s9 =	sor.u32 $0xD0000000, s2;
	s6 =	simm.s32 $0x108;
	_ =	swait.ge @!p0 [sflag:s8], $0x0  }
0x24: {  	s3 =	sadd.s32 $0x88, s3;
	s6 =	simm.s32 @!p1 $0x1082;
	[sflag:s4] =	ssyncset.s32 $0xFFFFF086  }
0x25: {  	[simem:s6], [sflag:s4] =	dma.local [hbm:s3], $0xF7A  }
0x26: {  	[smem:$0x3F99] =	sst s1;
	(tag) =	ssettag s2;
	_ =	strace s9  }
0x27: {  	s1 =	sld [smem:$0x3FA9]  }
0x28: {  	s2 =	sld [smem:$0x3FAA]  }
0x29: {  	s4 =	sld [smem:$0x3FAC]  }
0x2a: {  	p0 =	seq.s32 s5, $0x0;
	s5 =	sld [smem:$0x3FAD]  }
0x2b: {  	s6 =	sld [smem:$0x3FAE]  }
0x2c: {  	s7 =	sld [smem:$0x3FAF]  }
0x2d: {  	s3 =	simm.s32 $0x108;
	s8 =	sld [smem:$0x3FB0]  }
0x2e: {  	s3 =	simm.s32 @!p0 $0x1082;
	s9 =	sld [smem:$0x3FB1]  }
0x2f: {  	lr =	sadd.s32 s0, s3;
	s0 =	sld [smem:$0x3FA8]  }
0x30: {  	s3 =	sld [smem:$0x3FAB]  }
0x31: {  	[smem:$0x3FB4] =	sst s10  }
0x32: {  	s10 =	sld [smem:$0x3FB2];
	_ =	sdelay $0x3  }
0x33: {  	p0 =	seq.s32 s10, $0x1;
	s10 =	sld [smem:$0x3FB4];
	_ =	sdelay $0x3  }
0x34: {  	[smem:$0x3FB4] =	sst s10  }
0x35: {  	s10 =	sld [smem:$0x3FB3];
	_ =	sdelay $0x3  }
0x36: {  	p1 =	seq.s32 s10, $0x1;
	s10 =	sld [smem:$0x3FB4];
	_ =	sdelay $0x3  }
0x37: {  	[smem:$0x3FB4] =	sst s10  }
0x38: {  	s10 =	sld [smem:$0x3FB5]  }
0x39: {  	_ = 	snop;
	(pc) =	sbr.ind lr, $3  }
0x3a: {  	_ = 	snop  }
0x3b: {  	_ = 	snop  }
0x3c: {  	p2 =	seq.s32 s10, $0x1;
	s10 =	sld [smem:$0x3FB4]  }
0x3d: {  	_ =	shalt  }
0x3e: {  	_ =	shalt  }
0x3f: {  	_ =	shalt  }
0x40: {  	_ =	shalt  }
0x41: {  	_ =	shalt  }
0x42: {  	_ =	shalt  }
0x43: {  	_ =	shalt  }
0x44: {  	_ =	shalt  }
0x45: {  	_ =	shalt  }
0x46: {  	_ =	shalt  }
0x47: {  	_ =	shalt  }
0x48: {  	_ =	shalt  }
0x49: {  	_ =	shalt  }
0x4a: {  	_ =	shalt  }
0x4b: {  	_ =	shalt  }
0x4c: {  	_ =	shalt  }
0x4d: {  	_ =	shalt  }
0x4e: {  	_ =	shalt  }
0x4f: {  	_ =	shalt  }
0x50: {  	_ =	shalt  }
0x51: {  	_ =	shalt  }
0x52: {  	_ =	shalt  }
0x53: {  	_ =	shalt  }
0x54: {  	_ =	shalt  }
0x55: {  	_ =	shalt  }
0x56: {  	_ =	shalt  }
0x57: {  	_ =	shalt  }
0x58: {  	_ =	shalt  }
0x59: {  	_ =	shalt  }
0x5a: {  	_ =	shalt  }
0x5b: {  	_ =	shalt  }
0x5c: {  	_ =	shalt  }
0x5d: {  	_ =	shalt  }
0x5e: {  	_ =	shalt  }
0x5f: {  	_ =	shalt  }
0x60: {  	_ =	shalt  }
0x61: {  	_ =	shalt  }
0x62: {  	_ =	shalt  }
0x63: {  	_ =	shalt  }
0x64: {  	_ =	shalt  }
0x65: {  	_ =	shalt  }
0x66: {  	_ =	shalt  }
0x67: {  	_ =	shalt  }
0x68: {  	_ =	shalt  }
0x69: {  	_ =	shalt  }
0x6a: {  	_ =	shalt  }
0x6b: {  	_ =	shalt  }
0x6c: {  	_ =	shalt  }
0x6d: {  	_ =	shalt  }
0x6e: {  	_ =	shalt  }
0x6f: {  	_ =	shalt  }
0x70: {  	_ =	shalt  }
0x71: {  	_ =	shalt  }
0x72: {  	_ =	shalt  }
0x73: {  	_ =	shalt  }
0x74: {  	_ =	shalt  }
0x75: {  	_ =	shalt  }
0x76: {  	_ =	shalt  }
0x77: {  	_ =	shalt  }
0x78: {  	_ =	shalt  }
0x79: {  	_ =	shalt  }
0x7a: {  	_ =	shalt  }
0x7b: {  	_ =	shalt  }
0x7c: {  	_ =	shalt  }
0x7d: {  	_ =	shalt  }
0x7e: {  	_ =	shalt  }
0x7f: {  	_ =	shalt  }
0x80: {  	_ =	shalt  }
0x81: {  	_ =	shalt  }
0x82: {  	_ =	shalt  }
0x83: {  	_ =	shalt  }
0x84: {  	_ =	shalt  }
0x85: {  	_ =	shalt  }
0x86: {  	_ =	shalt  }
0x87: {  	_ =	shalt  }
.Lfunc_end0:
.L_simem_size_0:
called_computation.1_lowered:
.L_overlay_start_0:
0x88: {  	s2 =	sld [smem:$0x3FD9]  }
0x89: {  	s3 =	sld [smem:$0x3FFE];
	_ =	sdelay $0x1  }
0x8a: {  	s1 =	srdreg.scid  }
0x8b: {  	s0 =	sand.u32 $0x1, s1  }
0x8c: {  	s14 =	sshll.u32 s0, $0xA;
	s2 =	sadd.s32 s3, s2  }
0x8d: {  	s2 =	sadd.s32 s2, s14  }
0x8e: {  	[smem:$0x3FC0] =	sst s2  }
0x8f: {  	_ = 	snop  }
0x90: {  	s2 =	sld [smem:$0x3FD0];
	_ =	sdelay $0x2  }
0x91: {  	s15 =	simm.s32 $0xA;
	s4 =	simm.s32 $0x10  }
0x92: {  	[smem:s4], [sflag:s15] =	dma.local [hbm:s2], $0x1  }
0x93: {  	_ =	swait.eq [sflag:s15], $0x1  }
0x94: {  	[sflag:s15] =	ssyncset.done $0x0  }
0x95: {  	s16 =	sld [smem:$0x10];
	[sflag:s15] =	ssyncadd.s32 $0xFFFFFFFF  }
0x96: {  	s17 =	sld [smem:$0x11];
	(tm) =	ssettm $0x1  }
0x97: {  	s18 =	sld [smem:$0x3FFB];
	_ =	sdelay $0x3  }
0x98: {  	_ =	strace s18  }
0x99: {  	s4 =	sld [smem:$0x3FFC];
	_ =	sdelay $0x3  }
0x9a: {  	_ =	strace s4  }
0x9b: {  	s4 =	sld [smem:$0x3FFD];
	_ =	sdelay $0x3  }
0x9c: {  	_ =	strace s4  }
0x9d: {  	_ =	strace $0x8FFFFFFF  }
0x9e: {  	s19 =	sld [smem:$0x3FDB];
	_ =	sdelay $0x1  }
0x9f: {  	s5 =	simm.s32 $_scs_section_size  }
0xa0: {  	s6 =	simm.s32 $_size__tile_overlayer_lowered;
	s7 =	simm.s32 $_tile_overlayer_lowered  }
0xa1: {  	s22 =	simm.s32 $0x1BFF;
	s21 =	sshll.u32 s7, $0x1;
	s4 =	sadd.s32 s5, s19  }
0xa2: {  	s8 =	simm.s32 $0x0;
	s20 =	sshll.u32 s6, $0x1;
	s6 =	sadd.s32 s21, s4  }
0xa3: {  	[timem:s8], [sflag:s22] =	dma.local [hbm:s6], s20  }
0xa4: {  	_ =	swait.ge [sflag:s22], s20  }
0xa5: {  	s5 =	ssub.s32 $0x0, s20;
	[sflag:s22] =	ssyncset.done $0x0  }
0xa6: {  	[sflag:s22] =	ssyncadd.s32 s5;
	_ =	sdelay $0x1  }
0xa7: {  	s23 =	simm.s32 $0x1B8B  }
0xa8: {  	_ =	swait.ge [sflag:s23], $0x1  }
0xa9: {  	[sflag:s23] =	ssyncset.done $0x0  }
0xaa: {  	s25 =	simm.s32 $0x1B8E;
	s24 =	sld [smem:$0x3FFE];
	[sflag:s23] =	ssyncadd.s32 $0xFFFFFFFF  }
0xab: {  	s26 =	simm.s32 $execute0_lowered;
	[smem:$0x3FD2] =	sst s25  }
0xac: {  	s6 =	sshll.u32 s26, $0x1;
	_ =	strace $0x80000049;
	[dreg:$0x1] =	wrdreg $0xFFFFFFFF  }
0xad: {  	s28 =	simm.s32 $_size_execute0_lowered;
	s4 =	sadd.s32 s4, s6;
	[dreg:$0x0] =	wrdreg $0x0  }
0xae: {  	s6 =	sshll.u32 s28, $0x1;
	[dreg:$0x2] =	wrdreg s4  }
0xaf: {  	[dreg:$0x3] =	wrdreg s6  }
0xb0: {  	[dreg:$0x4] =	wrdreg $0xC0  }
0xb1: {  	_ =	task [dreg:s8], $0x5FFFF  }
0xb2: {  	[dreg:$0x1] =	wrdreg $0xFFFFFFFF  }
0xb3: {  	[dreg:$0x0] =	wrdreg $0x60  }
0xb4: {  	[dreg:$0x2] =	wrdreg s24  }
0xb5: {  	[dreg:$0x3] =	wrdreg s16  }
0xb6: {  	[dreg:$0x4] =	wrdreg s17  }
0xb7: {  	[dreg:$0x5] =	wrdreg $0xA8000  }
0xb8: {  	[dreg:$0x6] =	wrdreg $0x9  }
0xb9: {  	_ =	task.clear_ibuf [dreg:s8], $0x7FFFF;
	_ =	strace $0x90000049  }
0xba: {  	s29 =	simm.s32 $0x9;
	_ =	strace $0x8000004B  }
0xbb: {  	_ =	swait.ge [sflag:s29], $0x1  }
0xbc: {  	[sflag:s29] =	ssyncadd.s32 $0xFFFFFFFF  }
0xbd: {  	_ =	strace $0x9000004B  }
0xbe: {  	_ =	sfence  }
0xbf: {  	s30 =	sld [smem:$0x0];
	_ =	sdelay $0x2  }
0xc0: {  	s31 =	sshll.u32 s1, $0xD;
	s1 =	sshrl.u32 s1, $0x2  }
0xc1: {  	s3 =	sand.u32 $0x4000, s31;
	s1 =	sadd.s32 s1, s30  }
0xc2: {  	s0 =	sor.u32 s3, s0;
	s1 =	sshll.u32 s1, $0x11  }
0xc3: {  	s0 =	sor.u32 s1, s0  }
0xc4: {  	s0 =	sadd.s32 $0x8F2B, s0  }
0xc5: {  	[sflag:s0] =	ssyncadd.remote.s32 $0x1  }
0xc6: {  	_ =	sfence.sel $0xFFFF  }
0xc7: {  	[dreg:$0x0] =	wrdreg $0xFFFFFFFF;
	(pc) =	sbr.abs _section_cstart, $3  }
0xc8: {  	[dreg:$0x1] =	wrdreg $0xFFFFFFFF  }
0xc9: {  	_ =	task.clear_ibuf [dreg:s8], $0x2FFFF;
	_ =	strace $0x9FFFFFFF  }
0xca: {  	(tm) =	ssettm $0x7FFFFFFF  }
0xcb: {  	_ =	shalt  }
tec
execute0_lowered:
.L_overlay_start_1:
0x0: {  	(tag) =	ssettag $0x1  }
0x1: {  	s5 =	rddreg [dreg:$0x0]  }
0x2: {  	s10 =	rddreg [dreg:$0x1]  }
0x3: {  	s11 =	rddreg [dreg:$0x2]  }
0x4: {  	s1 =	rddreg [dreg:$0x3]  }
0x5: {  	s0 =	rddreg [dreg:$0x4]  }
0x6: {  	s2 =	simm.s32 $0x0;
	s3 =	srdreg.scid;
	s15 =	simm.s32 $0x1400  }
0x7: {  	s16 =	simm.s32 $0x80;
	s17 =	simm.s32 $0x6800;
	s18 =	simm.s32 $0x1  }
0x8: {  	s19 =	simm.s32 $0x3;
	s20 =	simm.s32 $0x2;
	s21 =	simm.s32 $0x4  }
0x9: {  	s22 =	simm.s32 $0x2700;
	[smem:$0x7FF] =	sst s2;
	s6 =	sand.u32 $0x1, s3  }
0xa: {  	s23 =	simm.s32 $0x2780;
	s3 =	stileid.u32;
	s7 =	smul.u32 $0x27800, s6  }
0xb: {  	s4 =	sadd.s32 $0x29E00, s5;
	_ =	strace $0x8000004A;
	s8 =	smul.u32 $0x4F000, s3  }
0xc: {  	s30 =	ssub.s32 $0x2, s6;
	s6 =	sshll.u32 s6, $0x4;
	s25 =	smul.u32 $0x2780, s3  }
0xd: {  	s31 =	sshrl.u32 s30, $0x1;
	s6 =	sor.u32 s3, s6;
	s12 =	sadd.s32 s7, s5  }
0xe: {  	s8 =	sshrl.u32 s8, $0x2;
	s13 =	ssub.s32 s30, s31;
	s14 =	smul.u32 $0x500, s6  }
0xf: {  	s5 =	sadd.s32 s8, s1;
	s24 =	sadd.s32 $0x51000, s12;
	s12 =	smax.u32 s13, $0x1  }
0x10: {  	s13 =	simm.s32 $0x2800;
	s6 =	sadd.s32 $0x4000, s5;
	s7 =	sadd.s32 $0x8000, s5  }
0x11: {  	s8 =	sadd.s32 $0xC000, s5;
	s9 =	sadd.s32 $0x10000, s5;
	s10 =	sadd.s32 s10, s14  }
0x12: {  	v0 =	vimm.f32 $0.0e+00;
	s11 =	sadd.s32 s11, s14;
	s14 =	simm.s32 $0x5;
	s24 =	sadd.s32 s25, s24  }
.LBB2_1:
0x13: {  	s25 =	simm.s32 $0x0;
	s26 =	simm.s32 $0x200  }
.LBB2_2:
0x14: {  	p0 =	sne.s32 s26, $0xFE00;
	[tilespmem:s25+$0x2870] =	vst v0  }
0x15: {  	[tilespmem:s25+$0x2800] =	vst v0  }
0x16: {  	[tilespmem:s25+$0x2810] =	vst v0  }
.Ltmp0:
0x17: {  	[tilespmem:s25+$0x2820] =	vst v0;
	(pc) =	sbr.rel @p0 .LBB2_2-.Ltmp0, $4  }
0x18: {  	[tilespmem:s25+$0x2830] =	vst v0  }
0x19: {  	[tilespmem:s25+$0x2840] =	vst v0  }
0x1a: {  	[tilespmem:s25+$0x2850] =	vst v0  }
0x1b: {  	[tilespmem:s25+$0x2860] =	vst v0;
	s25 =	sshra.s32 s26, $0x2;
	s26 =	sadd.s32 $0x200, s26  }
0x1c: {  	[tilespmem:s25+$0x2870] =	vst v0  }
0x1d: {  	[tilespmem:s25+$0x2800] =	vst v0  }
0x1e: {  	[tilespmem:s25+$0x2810] =	vst v0  }
0x1f: {  	[tilespmem:s25+$0x2820] =	vst v0  }
0x20: {  	[tilespmem:s25+$0x2830] =	vst v0  }
0x21: {  	[tilespmem:s25+$0x2840] =	vst v0  }
0x22: {  	[tilespmem:s25+$0x2850] =	vst v0  }
0x23: {  	[tilespmem:s25+$0x2860] =	vst v0  }
0x24: {  	[spmem:s5] =	stream.linear.scatter [tilespmem:s13], [sflag:$0x5], $0x4000, $0x38;
	[tilespmem:$0x1E400] =	vst v63  }
0x25: {  	_ =	swait.ge [sflag:s14], $0x4000  }
0x26: {  	[sflag:s14] =	ssyncset.done $0x0  }
0x27: {  	[sflag:s14] =	ssyncadd.s32 $0xFFFFC000  }
0x28: {  	[spmem:s6] =	stream.linear.scatter [tilespmem:s13], [sflag:$0x5], $0x4000, $0x38;
	[tilespmem:$0x1E400] =	vst v63  }
0x29: {  	_ =	swait.ge [sflag:s14], $0x4000  }
0x2a: {  	[sflag:s14] =	ssyncset.done $0x0  }
0x2b: {  	[sflag:s14] =	ssyncadd.s32 $0xFFFFC000  }
0x2c: {  	[spmem:s7] =	stream.linear.scatter [tilespmem:s13], [sflag:$0x5], $0x4000, $0x38;
	[tilespmem:$0x1E400] =	vst v63  }
0x2d: {  	_ =	swait.ge [sflag:s14], $0x4000  }
0x2e: {  	[sflag:s14] =	ssyncset.done $0x0  }
0x2f: {  	[sflag:s14] =	ssyncadd.s32 $0xFFFFC000  }
0x30: {  	[spmem:s8] =	stream.linear.scatter [tilespmem:s13], [sflag:$0x5], $0x4000, $0x38;
	[tilespmem:$0x1E400] =	vst v63  }
0x31: {  	_ =	swait.ge [sflag:s14], $0x4000  }
0x32: {  	[sflag:s14] =	ssyncset.done $0x0  }
0x33: {  	[sflag:s14] =	ssyncadd.s32 $0xFFFFC000  }
0x34: {  	[spmem:s9] =	stream.linear.scatter [tilespmem:s13], [sflag:$0x5], $0x3C00, $0x38;
	[tilespmem:$0x1E400] =	vst v63  }
0x35: {  	_ =	swait.ge [sflag:s14], $0x3C00  }
0x36: {  	[sflag:s14] =	ssyncset.done $0x0  }
0x37: {  	[sflag:s14] =	ssyncadd.s32 $0xFFFFC400  }
0x38: {  	s28 =	simm.s32 $0x0;
	[bflag:$0x0] =	sbarrier.arrive $0xFFFF  }
0x39: {  	[tilespmem:s28], [sflag:$0x5] =	stream.linear.gather [hbm4b:s10+s28], $0x1400, $0x38;
	[tilespmem:$0x1E400] =	vst v63  }
0x3a: {  	_ =	swait.ge [sflag:s14], $0x1400  }
0x3b: {  	[sflag:s14] =	ssyncset.done $0x0  }
0x3c: {  	[sflag:s14] =	ssyncadd.s32 $0xFFFFEC00  }
0x3d: {  	[tilespmem:s15], [sflag:$0x5] =	stream.linear.gather [hbm4b:s11+s28], $0x1400, $0x38;
	[tilespmem:$0x1E400] =	vst v63  }
0x3e: {  	_ =	swait.ge [sflag:s14], $0x1400  }
0x3f: {  	[sflag:s14] =	ssyncset.done $0x0  }
0x40: {  	[sflag:s14] =	ssyncadd.s32 $0xFFFFEC00  }
0x41: {  	[tilespmem:s13], [sflag:$0x1] =	stream.indirect.gather [hbm4b:s4+s16], $0x80, s28, s16, $0xb8;
	[tilespmem:$0x1E400] =	vst v63  }
0x42: {  	_ = 	snop  }
0x43: {  	[tilespmem:s17], [sflag:$0x2] =	stream.indirect.gather [hbm4b:s4+s16], $0x80, s16, s16, $0xb8;
	[tilespmem:$0x1E400] =	vst v63  }
0x44: {  	_ =	swait.ge [sflag:s18], $0x4000  }
0x45: {  	[sflag:s18] =	ssyncset.done $0x0  }
0x46: {  	s29 =	simm.s32 $0x1400;
	[sflag:s18] =	ssyncadd.s32 $0xFFFFC000  }
0x47: {  	[spmem:s1] =	stream.indirect.scatter.add.f32 [tilespmem:s13], [sflag:$0x3], $0x80, s29, s16, $0xb8;
	[tilespmem:$0x1E400] =	vst v63  }
0x48: {  	_ =	swait.ge [sflag:s19], $0x4000  }
0x49: {  	[sflag:s19] =	ssyncset.done $0x0  }
0x4a: {  	s30 =	simm.s32 $0x100;
	[sflag:s19] =	ssyncadd.s32 $0xFFFFC000  }
0x4b: {  	[tilespmem:s13], [sflag:$0x1] =	stream.indirect.gather [hbm4b:s4+s16], $0x80, s30, s16, $0xb8;
	[tilespmem:$0x1E400] =	vst v63  }
0x4c: {  	_ =	swait.ge [sflag:s20], $0x4000  }
0x4d: {  	[sflag:s20] =	ssyncset.done $0x0  }
0x4e: {  	s31 =	simm.s32 $0x1480;
	[sflag:s20] =	ssyncadd.s32 $0xFFFFC000  }
0x4f: {  	[spmem:s1] =	stream.indirect.scatter.add.f32 [tilespmem:s17], [sflag:$0x4], $0x80, s31, s16, $0xb8;
	[tilespmem:$0x1E400] =	vst v63  }
0x50: {  	_ =	swait.ge [sflag:s21], $0x4000  }
0x51: {  	[sflag:s21] =	ssyncset.done $0x0  }
0x52: {  	s25 =	simm.s32 $0x400;
	s26 =	simm.s32 $0x180;
	[sflag:s21] =	ssyncadd.s32 $0xFFFFC000  }
.LBB2_4:
0x53: {  	[tilespmem:s17], [sflag:$0x2] =	stream.indirect.gather [hbm4b:s4+s16], $0x80, s26, s16, $0xb8;
	[tilespmem:$0x1E400] =	vst v63  }
0x54: {  	s26 =	smov.u32 s25  }
0x55: {  	p0 =	sne.s32 s25, $0x4800;
	s25 =	sadd.s32 $0x400, s25;
	_ =	swait.ge [sflag:s18], $0x4000  }
0x56: {  	s26 =	sshra.s32 s26, $0x2;
	[sflag:s18] =	ssyncset.done $0x0  }
0x57: {  	s28 =	sadd.s32 $0x1400, s26;
	[sflag:s18] =	ssyncadd.s32 $0xFFFFC000  }
0x58: {  	[spmem:s1] =	stream.indirect.scatter.add.f32 [tilespmem:s13], [sflag:$0x3], $0x80, s28, s16, $0xb8;
	[tilespmem:$0x1E400] =	vst v63  }
0x59: {  	_ =	swait.ge [sflag:s19], $0x4000  }
0x5a: {  	[sflag:s19] =	ssyncset.done $0x0  }
0x5b: {  	s28 =	sadd.s32 $0x100, s26;
	[sflag:s19] =	ssyncadd.s32 $0xFFFFC000  }
0x5c: {  	[tilespmem:s13], [sflag:$0x1] =	stream.indirect.gather [hbm4b:s4+s16], $0x80, s28, s16, $0xb8;
	[tilespmem:$0x1E400] =	vst v63  }
0x5d: {  	_ =	swait.ge [sflag:s20], $0x4000  }
0x5e: {  	[sflag:s20] =	ssyncset.done $0x0  }
.Ltmp1:
0x5f: {  	s28 =	sadd.s32 $0x1480, s26;
	[sflag:s20] =	ssyncadd.s32 $0xFFFFC000;
	(pc) =	sbr.rel @p0 .LBB2_4-.Ltmp1, $4  }
0x60: {  	[spmem:s1] =	stream.indirect.scatter.add.f32 [tilespmem:s17], [sflag:$0x4], $0x80, s28, s16, $0xb8;
	[tilespmem:$0x1E400] =	vst v63  }
0x61: {  	_ =	swait.ge [sflag:s21], $0x4000  }
0x62: {  	[sflag:s21] =	ssyncset.done $0x0  }
0x63: {  	s26 =	sadd.s32 $0x180, s26;
	[sflag:s21] =	ssyncadd.s32 $0xFFFFC000  }
0x64: {  	[tilespmem:s17], [sflag:$0x2] =	stream.indirect.gather [hbm4b:s4+s16], $0x80, s26, s16, $0xb8;
	[tilespmem:$0x1E400] =	vst v63  }
0x65: {  	_ =	swait.ge [sflag:s18], $0x4000  }
0x66: {  	[sflag:s18] =	ssyncset.done $0x0  }
0x67: {  	[sflag:s18] =	ssyncadd.s32 $0xFFFFC000  }
0x68: {  	[spmem:s1] =	stream.indirect.scatter.add.f32 [tilespmem:s13], [sflag:$0x3], $0x80, s22, s16, $0xb8;
	[tilespmem:$0x1E400] =	vst v63  }
0x69: {  	_ =	swait.ge [sflag:s19], $0x4000  }
0x6a: {  	[sflag:s19] =	ssyncset.done $0x0  }
0x6b: {  	[sflag:s19] =	ssyncadd.s32 $0xFFFFC000  }
0x6c: {  	_ =	swait.ge [sflag:s20], $0x4000  }
0x6d: {  	[sflag:s20] =	ssyncset.done $0x0  }
0x6e: {  	[sflag:s20] =	ssyncadd.s32 $0xFFFFC000  }
0x6f: {  	[spmem:s1] =	stream.indirect.scatter.add.f32 [tilespmem:s17], [sflag:$0x4], $0x80, s23, s16, $0xb8;
	[tilespmem:$0x1E400] =	vst v63  }
0x70: {  	_ =	swait.ge [sflag:s21], $0x4000  }
0x71: {  	[sflag:s21] =	ssyncset.done $0x0  }
0x72: {  	s25 =	sadd.s32 $0x280, s10;
	s31 =	simm.s32 $0x0;
	[sflag:s21] =	ssyncadd.s32 $0xFFFFC000  }
0x73: {  	[tilespmem:s31], [sflag:$0x5] =	stream.linear.gather [hbm4b:s25+s31], $0x1400, $0x38;
	[tilespmem:$0x1E400] =	vst v63  }
0x74: {  	_ =	swait.ge [sflag:s14], $0x1400  }
0x75: {  	[sflag:s14] =	ssyncset.done $0x0  }
0x76: {  	s28 =	sadd.s32 $0x280, s11;
	[sflag:s14] =	ssyncadd.s32 $0xFFFFEC00  }
0x77: {  	[tilespmem:s15], [sflag:$0x5] =	stream.linear.gather [hbm4b:s28+s31], $0x1400, $0x38;
	[tilespmem:$0x1E400] =	vst v63  }
0x78: {  	_ =	swait.ge [sflag:s14], $0x1400  }
0x79: {  	[sflag:s14] =	ssyncset.done $0x0  }
0x7a: {  	[sflag:s14] =	ssyncadd.s32 $0xFFFFEC00  }
0x7b: {  	[tilespmem:s13], [sflag:$0x1] =	stream.indirect.gather [hbm4b:s4+s16], $0x80, s31, s16, $0xb8;
	[tilespmem:$0x1E400] =	vst v63  }
0x7c: {  	_ = 	snop  }
0x7d: {  	[tilespmem:s17], [sflag:$0x2] =	stream.indirect.gather [hbm4b:s4+s16], $0x80, s16, s16, $0xb8;
	[tilespmem:$0x1E400] =	vst v63  }
0x7e: {  	_ =	swait.ge [sflag:s18], $0x4000  }
0x7f: {  	[sflag:s18] =	ssyncset.done $0x0  }
0x80: {  	s29 =	simm.s32 $0x1400;
	[sflag:s18] =	ssyncadd.s32 $0xFFFFC000  }
0x81: {  	[spmem:s1] =	stream.indirect.scatter.add.f32 [tilespmem:s13], [sflag:$0x3], $0x80, s29, s16, $0xb8;
	[tilespmem:$0x1E400] =	vst v63  }
0x82: {  	_ =	swait.ge [sflag:s19], $0x4000  }
0x83: {  	[sflag:s19] =	ssyncset.done $0x0  }
0x84: {  	s30 =	simm.s32 $0x100;
	[sflag:s19] =	ssyncadd.s32 $0xFFFFC000  }
0x85: {  	[tilespmem:s13], [sflag:$0x1] =	stream.indirect.gather [hbm4b:s4+s16], $0x80, s30, s16, $0xb8;
	[tilespmem:$0x1E400] =	vst v63  }
0x86: {  	_ =	swait.ge [sflag:s20], $0x4000  }
0x87: {  	[sflag:s20] =	ssyncset.done $0x0  }
0x88: {  	s31 =	simm.s32 $0x1480;
	[sflag:s20] =	ssyncadd.s32 $0xFFFFC000  }
0x89: {  	[spmem:s1] =	stream.indirect.scatter.add.f32 [tilespmem:s17], [sflag:$0x4], $0x80, s31, s16, $0xb8;
	[tilespmem:$0x1E400] =	vst v63  }
0x8a: {  	_ =	swait.ge [sflag:s21], $0x4000  }
0x8b: {  	[sflag:s21] =	ssyncset.done $0x0  }
0x8c: {  	s26 =	simm.s32 $0x180;
	s25 =	simm.s32 $0x400;
	[sflag:s21] =	ssyncadd.s32 $0xFFFFC000  }
.LBB2_6:
0x8d: {  	[tilespmem:s17], [sflag:$0x2] =	stream.indirect.gather [hbm4b:s4+s16], $0x80, s26, s16, $0xb8;
	[tilespmem:$0x1E400] =	vst v63  }
0x8e: {  	s26 =	smov.u32 s25  }
0x8f: {  	p0 =	sne.s32 s25, $0x4800;
	s25 =	sadd.s32 $0x400, s25;
	_ =	swait.ge [sflag:s18], $0x4000  }
0x90: {  	s26 =	sshra.s32 s26, $0x2;
	[sflag:s18] =	ssyncset.done $0x0  }
0x91: {  	s28 =	sadd.s32 $0x1400, s26;
	[sflag:s18] =	ssyncadd.s32 $0xFFFFC000  }
0x92: {  	[spmem:s1] =	stream.indirect.scatter.add.f32 [tilespmem:s13], [sflag:$0x3], $0x80, s28, s16, $0xb8;
	[tilespmem:$0x1E400] =	vst v63  }
0x93: {  	_ =	swait.ge [sflag:s19], $0x4000  }
0x94: {  	[sflag:s19] =	ssyncset.done $0x0  }
0x95: {  	s28 =	sadd.s32 $0x100, s26;
	[sflag:s19] =	ssyncadd.s32 $0xFFFFC000  }
0x96: {  	[tilespmem:s13], [sflag:$0x1] =	stream.indirect.gather [hbm4b:s4+s16], $0x80, s28, s16, $0xb8;
	[tilespmem:$0x1E400] =	vst v63  }
0x97: {  	_ =	swait.ge [sflag:s20], $0x4000  }
0x98: {  	[sflag:s20] =	ssyncset.done $0x0  }
.Ltmp2:
0x99: {  	s28 =	sadd.s32 $0x1480, s26;
	[sflag:s20] =	ssyncadd.s32 $0xFFFFC000;
	(pc) =	sbr.rel @p0 .LBB2_6-.Ltmp2, $4  }
0x9a: {  	[spmem:s1] =	stream.indirect.scatter.add.f32 [tilespmem:s17], [sflag:$0x4], $0x80, s28, s16, $0xb8;
	[tilespmem:$0x1E400] =	vst v63  }
0x9b: {  	_ =	swait.ge [sflag:s21], $0x4000  }
0x9c: {  	[sflag:s21] =	ssyncset.done $0x0  }
0x9d: {  	s26 =	sadd.s32 $0x180, s26;
	[sflag:s21] =	ssyncadd.s32 $0xFFFFC000  }
0x9e: {  	[tilespmem:s17], [sflag:$0x2] =	stream.indirect.gather [hbm4b:s4+s16], $0x80, s26, s16, $0xb8;
	[tilespmem:$0x1E400] =	vst v63  }
0x9f: {  	_ =	swait.ge [sflag:s18], $0x4000  }
0xa0: {  	[sflag:s18] =	ssyncset.done $0x0  }
0xa1: {  	[sflag:s18] =	ssyncadd.s32 $0xFFFFC000  }
0xa2: {  	[spmem:s1] =	stream.indirect.scatter.add.f32 [tilespmem:s13], [sflag:$0x3], $0x80, s22, s16, $0xb8;
	[tilespmem:$0x1E400] =	vst v63  }
0xa3: {  	_ =	swait.ge [sflag:s19], $0x4000  }
0xa4: {  	[sflag:s19] =	ssyncset.done $0x0  }
0xa5: {  	[sflag:s19] =	ssyncadd.s32 $0xFFFFC000  }
0xa6: {  	_ =	swait.ge [sflag:s20], $0x4000  }
0xa7: {  	[sflag:s20] =	ssyncset.done $0x0  }
0xa8: {  	[sflag:s20] =	ssyncadd.s32 $0xFFFFC000  }
0xa9: {  	[spmem:s1] =	stream.indirect.scatter.add.f32 [tilespmem:s17], [sflag:$0x4], $0x80, s23, s16, $0xb8;
	[tilespmem:$0x1E400] =	vst v63  }
0xaa: {  	_ =	swait.ge [sflag:s21], $0x4000  }
0xab: {  	s25 =	sshll.u32 s3, $0x6;
	s2 =	sadd.s32 $0x1, s2;
	[sflag:s21] =	ssyncset.done $0x0  }
0xac: {  	s31 =	sshrl.u32 s5, $0x3;
	p0 =	sne.s32 s2, s12;
	[sflag:s21] =	ssyncadd.s32 $0xFFFFC000  }
.Ltmp3:
0xad: {  	s25 =	sor.u32 $0x1C05, s25;
	[bflag:$0x0] =	sbarrier.arrive $0xFFFF;
	(pc) =	sbr.rel @p0 .LBB2_1-.Ltmp3, $4  }
0xae: {  	[hbm:s24], [sflag:s25] =	dma.local [spmem:s31], $0x2780  }
0xaf: {  	_ =	swait.ge [sflag:s14], $0x2780  }
0xb0: {  	[sflag:s14] =	ssyncset.done $0x0  }
0xb1: {  	[sflag:s14] =	ssyncadd.s32 $0xFFFFD880  }
0xb2: {  	_ =	sfence.sel $0x180000  }
0xb3: {  	[bflag:$0x0] =	sbarrier.arrive $0xFFFF  }
0xb4: {  	p0 =	sne.s32 s3, $0x0;
	_ =	strace $0x9000004A  }
0xb5: {  	s0 =	sadd.s32 @!p0 $0x100000, s0;
	[bflag:$0x2] =	sbarrier.arrive $0xFFFF  }
0xb6: {  	[sflag:s0] =	ssyncadd.tile.s32 @!p0 $0x1;
	_ =	shalt  }
.Lfunc_end2:
_tile_overlayer_lowered:
.L_overlay_start_2:
0xb7: {  	(tag) =	ssettag $0x2  }
0xb8: {  	s0 =	rddreg [dreg:$0x0];
	s2 =	stileid.u32  }
0xb9: {  	s1 =	rddreg [dreg:$0x1];
	p0 =	sne.s32 s2, $0x0  }
0xba: {  	s3 =	rddreg [dreg:$0x2];
	[bflag:$0x3] =	sbarrier.arrive $0xFFFF;
	s2 =	simm.s32 @!p0 $0x1C05  }
0xbb: {  	[timem:s3], [sflag:s2] =	dma.local @!p0 [hbm:s0], s1  }
0xbc: {  	s0 =	simm.s32 @!p0 $0x5  }
0xbd: {  	_ =	swait.ge @!p0 [sflag:s0], s1  }
0xbe: {  	s1 =	ssub.s32 @!p0 $0x0, s1;
	[sflag:s0] =	ssyncset.done @!p0 $0x0  }
0xbf: {  	[sflag:s0] =	ssyncadd.s32 @!p0 s1  }
0xc0: {  	[bflag:$0x3] =	sbarrier.arrive $0xFFFF  }
0xc1: {  	_ =	shalt  }

// kernel: kernel.14.cloned.1.call-start
scs
__scs_entry_jumppad:
0x0: {  	(pc) =	sbr.rel $0x88, $3  }
0x1: {  	(tag) =	ssettag $0x0;
	lr =	simm.s32 $0x1  }
0x2: {  	[smem:$0x3F99] =	sst lr;
	_ =	strace $0xD0000000  }
0x3: {  	_ = 	snop  }
0x4: {  	_ = 	snop  }
0x5: {  	_ = 	snop  }
0x6: {  	_ = 	snop  }
0x7: {  	_ = 	snop  }
__scs_overlays_trampoline_lowered:
0x8: {  	[smem:$0x3FA8] =	sst s0  }
0x9: {  	[smem:$0x3FA9] =	sst s1  }
0xa: {  	[smem:$0x3FAA] =	sst s2  }
0xb: {  	[smem:$0x3FAB] =	sst s3  }
0xc: {  	[smem:$0x3FAC] =	sst s4  }
0xd: {  	[smem:$0x3FAD] =	sst s5  }
0xe: {  	[smem:$0x3FAE] =	sst s6  }
0xf: {  	[smem:$0x3FAF] =	sst s7  }
0x10: {  	[smem:$0x3FB0] =	sst s8  }
0x11: {  	[smem:$0x3FB1] =	sst s9;
	s0 =	simm.s32 @!p0 $0x0  }
0x12: {  	s1 =	sld [smem:$0x3F97];
	s0 =	simm.s32 @p0 $0x1  }
0x13: {  	[smem:$0x3FB2] =	sst s0;
	s0 =	simm.s32 @!p1 $0x0  }
0x14: {  	s2 =	sld [smem:$0x3F96];
	s0 =	simm.s32 @p1 $0x1  }
0x15: {  	[smem:$0x3FB3] =	sst s0;
	s0 =	simm.s32 @!p2 $0x0  }
0x16: {  	s3 =	sld [smem:$0x3FDB];
	s0 =	simm.s32 @p2 $0x1  }
0x17: {  	s4 =	simm.s32 $0x1BF5;
	[smem:$0x3FB5] =	sst s0  }
0x18: {  	s0 =	sld [smem:$0x3F98];
	_ =	swait.ge [sflag:s4], $0x0  }
0x19: {  	s7 =	sld [smem:$0x3F99]  }
0x1a: {  	s8 =	sadd.s32 $0xFFFFE003, lr  }
0x1b: {  	s9 =	sadd.s32 $0xFFFFFEF7, lr;
	s5 =	simm.s32 $0xFFFFFFFF;
	p2 =	slt.u32 s8, $0xFFFFF086  }
0x1c: {  	p1 =	slt.u32 s9, $0xF7A;
	s5 =	simm.s32 @!p2 $0x0  }
0x1d: {  	s5 =	simm.s32 @p1 $0x1;
	p0 =	seq.s32 s7, s2  }
0x1e: {  	s7 =	smul.u32 @!p0 $0xF7A, s2;
	p2 =	seq.s32 @!p0 s5, $0x0  }
0x1f: {  	s9 =	smul.u32 $0xF7A, s1;
	s8 =	simm.s32 @!p0 $0x1BF5;
	p2 =	por !p2, p0  }
0x20: {  	[sflag:s8] =	ssyncset.s32 @!p0 $0xFFFFF086;
	s6 =	sadd.s32 @!p0 s3, s7;
	s7 =	simm.s32 @!p0 $0x108  }
0x21: {  	s3 =	sadd.s32 s3, s9;
	s6 =	sadd.s32 @!p0 $0x88, s6;
	s7 =	simm.s32 @p2 $0x1082  }
0x22: {  	[simem:s7], [sflag:s8] =	dma.local @!p0 [hbm:s6], $0xF7A  }
0x23: {  	s9 =	sor.u32 $0xD0000000, s2;
	s6 =	simm.s32 $0x108;
	_ =	swait.ge @!p0 [sflag:s8], $0x0  }
0x24: {  	s3 =	sadd.s32 $0x88, s3;
	s6 =	simm.s32 @!p1 $0x1082;
	[sflag:s4] =	ssyncset.s32 $0xFFFFF086  }
0x25: {  	[simem:s6], [sflag:s4] =	dma.local [hbm:s3], $0xF7A  }
0x26: {  	[smem:$0x3F99] =	sst s1;
	(tag) =	ssettag s2;
	_ =	strace s9  }
0x27: {  	s1 =	sld [smem:$0x3FA9]  }
0x28: {  	s2 =	sld [smem:$0x3FAA]  }
0x29: {  	s4 =	sld [smem:$0x3FAC]  }
0x2a: {  	p0 =	seq.s32 s5, $0x0;
	s5 =	sld [smem:$0x3FAD]  }
0x2b: {  	s6 =	sld [smem:$0x3FAE]  }
0x2c: {  	s7 =	sld [smem:$0x3FAF]  }
0x2d: {  	s3 =	simm.s32 $0x108;
	s8 =	sld [smem:$0x3FB0]  }
0x2e: {  	s3 =	simm.s32 @!p0 $0x1082;
	s9 =	sld [smem:$0x3FB1]  }
0x2f: {  	lr =	sadd.s32 s0, s3;
	s0 =	sld [smem:$0x3FA8]  }
0x30: {  	s3 =	sld [smem:$0x3FAB]  }
0x31: {  	[smem:$0x3FB4] =	sst s10  }
0x32: {  	s10 =	sld [smem:$0x3FB2];
	_ =	sdelay $0x3  }
0x33: {  	p0 =	seq.s32 s10, $0x1;
	s10 =	sld [smem:$0x3FB4];
	_ =	sdelay $0x3  }
0x34: {  	[smem:$0x3FB4] =	sst s10  }
0x35: {  	s10 =	sld [smem:$0x3FB3];
	_ =	sdelay $0x3  }
0x36: {  	p1 =	seq.s32 s10, $0x1;
	s10 =	sld [smem:$0x3FB4];
	_ =	sdelay $0x3  }
0x37: {  	[smem:$0x3FB4] =	sst s10  }
0x38: {  	s10 =	sld [smem:$0x3FB5]  }
0x39: {  	_ = 	snop;
	(pc) =	sbr.ind lr, $3  }
0x3a: {  	_ = 	snop  }
0x3b: {  	_ = 	snop  }
0x3c: {  	p2 =	seq.s32 s10, $0x1;
	s10 =	sld [smem:$0x3FB4]  }
0x3d: {  	_ =	shalt  }
0x3e: {  	_ =	shalt  }
0x3f: {  	_ =	shalt  }
0x40: {  	_ =	shalt  }
0x41: {  	_ =	shalt  }
0x42: {  	_ =	shalt  }
0x43: {  	_ =	shalt  }
0x44: {  	_ =	shalt  }
0x45: {  	_ =	shalt  }
0x46: {  	_ =	shalt  }
0x47: {  	_ =	shalt  }
0x48: {  	_ =	shalt  }
0x49: {  	_ =	shalt  }
0x4a: {  	_ =	shalt  }
0x4b: {  	_ =	shalt  }
0x4c: {  	_ =	shalt  }
0x4d: {  	_ =	shalt  }
0x4e: {  	_ =	shalt  }
0x4f: {  	_ =	shalt  }
0x50: {  	_ =	shalt  }
0x51: {  	_ =	shalt  }
0x52: {  	_ =	shalt  }
0x53: {  	_ =	shalt  }
0x54: {  	_ =	shalt  }
0x55: {  	_ =	shalt  }
0x56: {  	_ =	shalt  }
0x57: {  	_ =	shalt  }
0x58: {  	_ =	shalt  }
0x59: {  	_ =	shalt  }
0x5a: {  	_ =	shalt  }
0x5b: {  	_ =	shalt  }
0x5c: {  	_ =	shalt  }
0x5d: {  	_ =	shalt  }
0x5e: {  	_ =	shalt  }
0x5f: {  	_ =	shalt  }
0x60: {  	_ =	shalt  }
0x61: {  	_ =	shalt  }
0x62: {  	_ =	shalt  }
0x63: {  	_ =	shalt  }
0x64: {  	_ =	shalt  }
0x65: {  	_ =	shalt  }
0x66: {  	_ =	shalt  }
0x67: {  	_ =	shalt  }
0x68: {  	_ =	shalt  }
0x69: {  	_ =	shalt  }
0x6a: {  	_ =	shalt  }
0x6b: {  	_ =	shalt  }
0x6c: {  	_ =	shalt  }
0x6d: {  	_ =	shalt  }
0x6e: {  	_ =	shalt  }
0x6f: {  	_ =	shalt  }
0x70: {  	_ =	shalt  }
0x71: {  	_ =	shalt  }
0x72: {  	_ =	shalt  }
0x73: {  	_ =	shalt  }
0x74: {  	_ =	shalt  }
0x75: {  	_ =	shalt  }
0x76: {  	_ =	shalt  }
0x77: {  	_ =	shalt  }
0x78: {  	_ =	shalt  }
0x79: {  	_ =	shalt  }
0x7a: {  	_ =	shalt  }
0x7b: {  	_ =	shalt  }
0x7c: {  	_ =	shalt  }
0x7d: {  	_ =	shalt  }
0x7e: {  	_ =	shalt  }
0x7f: {  	_ =	shalt  }
0x80: {  	_ =	shalt  }
0x81: {  	_ =	shalt  }
0x82: {  	_ =	shalt  }
0x83: {  	_ =	shalt  }
0x84: {  	_ =	shalt  }
0x85: {  	_ =	shalt  }
0x86: {  	_ =	shalt  }
0x87: {  	_ =	shalt  }
.Lfunc_end0:
.L_simem_size_0:
called_computation.2_lowered:
.L_overlay_start_0:
0x88: {  	s2 =	sld [smem:$0x3FD9]  }
0x89: {  	s3 =	sld [smem:$0x3FFE];
	_ =	sdelay $0x1  }
0x8a: {  	s1 =	srdreg.scid  }
0x8b: {  	s0 =	sand.u32 $0x1, s1  }
0x8c: {  	s14 =	sshll.u32 s0, $0xA;
	s2 =	sadd.s32 s3, s2  }
0x8d: {  	s2 =	sadd.s32 s2, s14  }
0x8e: {  	[smem:$0x3FC0] =	sst s2  }
0x8f: {  	_ = 	snop  }
0x90: {  	s2 =	sld [smem:$0x3FD0];
	_ =	sdelay $0x2  }
0x91: {  	s15 =	simm.s32 $0xA;
	s4 =	simm.s32 $0x10  }
0x92: {  	[smem:s4], [sflag:s15] =	dma.local [hbm:s2], $0x1  }
0x93: {  	_ =	swait.eq [sflag:s15], $0x1  }
0x94: {  	[sflag:s15] =	ssyncset.done $0x0  }
0x95: {  	s16 =	sld [smem:$0x10];
	[sflag:s15] =	ssyncadd.s32 $0xFFFFFFFF  }
0x96: {  	s17 =	sld [smem:$0x11];
	(tm) =	ssettm $0x1  }
0x97: {  	s18 =	sld [smem:$0x3FFB];
	_ =	sdelay $0x3  }
0x98: {  	_ =	strace s18  }
0x99: {  	s4 =	sld [smem:$0x3FFC];
	_ =	sdelay $0x3  }
0x9a: {  	_ =	strace s4  }
0x9b: {  	s4 =	sld [smem:$0x3FFD];
	_ =	sdelay $0x3  }
0x9c: {  	_ =	strace s4  }
0x9d: {  	_ =	strace $0x8FFFFFFF  }
0x9e: {  	s19 =	sld [smem:$0x3FDB];
	_ =	sdelay $0x1  }
0x9f: {  	s5 =	simm.s32 $_scs_section_size  }
0xa0: {  	s6 =	simm.s32 $_size__tile_overlayer_lowered;
	s7 =	simm.s32 $_tile_overlayer_lowered  }
0xa1: {  	s22 =	simm.s32 $0x1BFF;
	s21 =	sshll.u32 s7, $0x1;
	s4 =	sadd.s32 s5, s19  }
0xa2: {  	s8 =	simm.s32 $0x0;
	s20 =	sshll.u32 s6, $0x1;
	s6 =	sadd.s32 s21, s4  }
0xa3: {  	[timem:s8], [sflag:s22] =	dma.local [hbm:s6], s20  }
0xa4: {  	_ =	swait.ge [sflag:s22], s20  }
0xa5: {  	s5 =	ssub.s32 $0x0, s20;
	[sflag:s22] =	ssyncset.done $0x0  }
0xa6: {  	[sflag:s22] =	ssyncadd.s32 s5;
	_ =	sdelay $0x1  }
0xa7: {  	s23 =	simm.s32 $0x1B8B  }
0xa8: {  	_ =	swait.ge [sflag:s23], $0x1  }
0xa9: {  	[sflag:s23] =	ssyncset.done $0x0  }
0xaa: {  	s25 =	simm.s32 $0x1B8E;
	s24 =	sld [smem:$0x3FFE];
	[sflag:s23] =	ssyncadd.s32 $0xFFFFFFFF  }
0xab: {  	s26 =	simm.s32 $execute0_lowered;
	[smem:$0x3FD2] =	sst s25  }
0xac: {  	s6 =	sshll.u32 s26, $0x1;
	_ =	strace $0x8000004C;
	[dreg:$0x1] =	wrdreg $0xFFFFFFFF  }
0xad: {  	s28 =	simm.s32 $_size_execute0_lowered;
	s4 =	sadd.s32 s4, s6;
	[dreg:$0x0] =	wrdreg $0x0  }
0xae: {  	s6 =	sshll.u32 s28, $0x1;
	[dreg:$0x2] =	wrdreg s4  }
0xaf: {  	[dreg:$0x3] =	wrdreg s6  }
0xb0: {  	[dreg:$0x4] =	wrdreg $0xC0  }
0xb1: {  	_ =	task [dreg:s8], $0x5FFFF  }
0xb2: {  	[dreg:$0x1] =	wrdreg $0xFFFFFFFF  }
0xb3: {  	[dreg:$0x0] =	wrdreg $0x60  }
0xb4: {  	[dreg:$0x2] =	wrdreg s24  }
0xb5: {  	[dreg:$0x3] =	wrdreg s16  }
0xb6: {  	[dreg:$0x4] =	wrdreg s17  }
0xb7: {  	[dreg:$0x5] =	wrdreg $0xA8000  }
0xb8: {  	[dreg:$0x6] =	wrdreg $0x9  }
0xb9: {  	_ =	task.clear_ibuf [dreg:s8], $0x7FFFF;
	_ =	strace $0x9000004C  }
0xba: {  	s29 =	simm.s32 $0x9;
	_ =	strace $0x8000004E  }
0xbb: {  	_ =	swait.ge [sflag:s29], $0x1  }
0xbc: {  	[sflag:s29] =	ssyncadd.s32 $0xFFFFFFFF  }
0xbd: {  	_ =	strace $0x9000004E  }
0xbe: {  	_ =	sfence  }
0xbf: {  	s30 =	sld [smem:$0x0];
	_ =	sdelay $0x2  }
0xc0: {  	s31 =	sshll.u32 s1, $0xD;
	s1 =	sshrl.u32 s1, $0x2  }
0xc1: {  	s3 =	sand.u32 $0x4000, s31;
	s1 =	sadd.s32 s1, s30  }
0xc2: {  	s0 =	sor.u32 s3, s0;
	s1 =	sshll.u32 s1, $0x11  }
0xc3: {  	s0 =	sor.u32 s1, s0  }
0xc4: {  	s0 =	sadd.s32 $0x8F2B, s0  }
0xc5: {  	[sflag:s0] =	ssyncadd.remote.s32 $0x1  }
0xc6: {  	_ =	sfence.sel $0xFFFF  }
0xc7: {  	[dreg:$0x0] =	wrdreg $0xFFFFFFFF;
	(pc) =	sbr.abs _section_cstart, $3  }
0xc8: {  	[dreg:$0x1] =	wrdreg $0xFFFFFFFF  }
0xc9: {  	_ =	task.clear_ibuf [dreg:s8], $0x2FFFF;
	_ =	strace $0x9FFFFFFF  }
0xca: {  	(tm) =	ssettm $0x7FFFFFFF  }
0xcb: {  	_ =	shalt  }
tec
execute0_lowered:
.L_overlay_start_1:
0x0: {  	(tag) =	ssettag $0x1  }
0x1: {  	s5 =	rddreg [dreg:$0x0]  }
0x2: {  	s10 =	rddreg [dreg:$0x1]  }
0x3: {  	s11 =	rddreg [dreg:$0x2]  }
0x4: {  	s1 =	rddreg [dreg:$0x3]  }
0x5: {  	s0 =	rddreg [dreg:$0x4]  }
0x6: {  	s2 =	simm.s32 $0x0;
	s3 =	srdreg.scid;
	s15 =	simm.s32 $0x1400  }
0x7: {  	s16 =	simm.s32 $0x80;
	s17 =	simm.s32 $0x6800;
	s18 =	simm.s32 $0x1  }
0x8: {  	s19 =	simm.s32 $0x3;
	s20 =	simm.s32 $0x2;
	s21 =	simm.s32 $0x4  }
0x9: {  	s22 =	simm.s32 $0x2700;
	[smem:$0x7FF] =	sst s2;
	s6 =	sand.u32 $0x1, s3  }
0xa: {  	s23 =	simm.s32 $0x2780;
	s3 =	stileid.u32;
	s7 =	smul.u32 $0x27800, s6  }
0xb: {  	s4 =	sadd.s32 $0x29E00, s5;
	_ =	strace $0x8000004D;
	s8 =	smul.u32 $0x4F000, s3  }
0xc: {  	s30 =	ssub.s32 $0x2, s6;
	s6 =	sshll.u32 s6, $0x4;
	s25 =	smul.u32 $0x2780, s3  }
0xd: {  	s31 =	sshrl.u32 s30, $0x1;
	s6 =	sor.u32 s3, s6;
	s12 =	sadd.s32 s7, s5  }
0xe: {  	s8 =	sshrl.u32 s8, $0x2;
	s13 =	ssub.s32 s30, s31;
	s14 =	smul.u32 $0x500, s6  }
0xf: {  	s5 =	sadd.s32 s8, s1;
	s24 =	sadd.s32 $0x51000, s12;
	s12 =	smax.u32 s13, $0x1  }
0x10: {  	s13 =	simm.s32 $0x2800;
	s6 =	sadd.s32 $0x4000, s5;
	s7 =	sadd.s32 $0x8000, s5  }
0x11: {  	s8 =	sadd.s32 $0xC000, s5;
	s9 =	sadd.s32 $0x10000, s5;
	s10 =	sadd.s32 s10, s14  }
0x12: {  	v0 =	vimm.f32 $0.0e+00;
	s11 =	sadd.s32 s11, s14;
	s14 =	simm.s32 $0x5;
	s24 =	sadd.s32 s25, s24  }
.LBB2_1:
0x13: {  	s25 =	simm.s32 $0x0;
	s26 =	simm.s32 $0x200  }
.LBB2_2:
0x14: {  	p0 =	sne.s32 s26, $0xFE00;
	[tilespmem:s25+$0x2870] =	vst v0  }
0x15: {  	[tilespmem:s25+$0x2800] =	vst v0  }
0x16: {  	[tilespmem:s25+$0x2810] =	vst v0  }
.Ltmp0:
0x17: {  	[tilespmem:s25+$0x2820] =	vst v0;
	(pc) =	sbr.rel @p0 .LBB2_2-.Ltmp0, $4  }
0x18: {  	[tilespmem:s25+$0x2830] =	vst v0  }
0x19: {  	[tilespmem:s25+$0x2840] =	vst v0  }
0x1a: {  	[tilespmem:s25+$0x2850] =	vst v0  }
0x1b: {  	[tilespmem:s25+$0x2860] =	vst v0;
	s25 =	sshra.s32 s26, $0x2;
	s26 =	sadd.s32 $0x200, s26  }
0x1c: {  	[tilespmem:s25+$0x2870] =	vst v0  }
0x1d: {  	[tilespmem:s25+$0x2800] =	vst v0  }
0x1e: {  	[tilespmem:s25+$0x2810] =	vst v0  }
0x1f: {  	[tilespmem:s25+$0x2820] =	vst v0  }
0x20: {  	[tilespmem:s25+$0x2830] =	vst v0  }
0x21: {  	[tilespmem:s25+$0x2840] =	vst v0  }
0x22: {  	[tilespmem:s25+$0x2850] =	vst v0  }
0x23: {  	[tilespmem:s25+$0x2860] =	vst v0  }
0x24: {  	[spmem:s5] =	stream.linear.scatter [tilespmem:s13], [sflag:$0x5], $0x4000, $0x38;
	[tilespmem:$0x1E400] =	vst v63  }
0x25: {  	_ =	swait.ge [sflag:s14], $0x4000  }
0x26: {  	[sflag:s14] =	ssyncset.done $0x0  }
0x27: {  	[sflag:s14] =	ssyncadd.s32 $0xFFFFC000  }
0x28: {  	[spmem:s6] =	stream.linear.scatter [tilespmem:s13], [sflag:$0x5], $0x4000, $0x38;
	[tilespmem:$0x1E400] =	vst v63  }
0x29: {  	_ =	swait.ge [sflag:s14], $0x4000  }
0x2a: {  	[sflag:s14] =	ssyncset.done $0x0  }
0x2b: {  	[sflag:s14] =	ssyncadd.s32 $0xFFFFC000  }
0x2c: {  	[spmem:s7] =	stream.linear.scatter [tilespmem:s13], [sflag:$0x5], $0x4000, $0x38;
	[tilespmem:$0x1E400] =	vst v63  }
0x2d: {  	_ =	swait.ge [sflag:s14], $0x4000  }
0x2e: {  	[sflag:s14] =	ssyncset.done $0x0  }
0x2f: {  	[sflag:s14] =	ssyncadd.s32 $0xFFFFC000  }
0x30: {  	[spmem:s8] =	stream.linear.scatter [tilespmem:s13], [sflag:$0x5], $0x4000, $0x38;
	[tilespmem:$0x1E400] =	vst v63  }
0x31: {  	_ =	swait.ge [sflag:s14], $0x4000  }
0x32: {  	[sflag:s14] =	ssyncset.done $0x0  }
0x33: {  	[sflag:s14] =	ssyncadd.s32 $0xFFFFC000  }
0x34: {  	[spmem:s9] =	stream.linear.scatter [tilespmem:s13], [sflag:$0x5], $0x3C00, $0x38;
	[tilespmem:$0x1E400] =	vst v63  }
0x35: {  	_ =	swait.ge [sflag:s14], $0x3C00  }
0x36: {  	[sflag:s14] =	ssyncset.done $0x0  }
0x37: {  	[sflag:s14] =	ssyncadd.s32 $0xFFFFC400  }
0x38: {  	s28 =	simm.s32 $0x0;
	[bflag:$0x0] =	sbarrier.arrive $0xFFFF  }
0x39: {  	[tilespmem:s28], [sflag:$0x5] =	stream.linear.gather [hbm4b:s10+s28], $0x1400, $0x38;
	[tilespmem:$0x1E400] =	vst v63  }
0x3a: {  	_ =	swait.ge [sflag:s14], $0x1400  }
0x3b: {  	[sflag:s14] =	ssyncset.done $0x0  }
0x3c: {  	[sflag:s14] =	ssyncadd.s32 $0xFFFFEC00  }
0x3d: {  	[tilespmem:s15], [sflag:$0x5] =	stream.linear.gather [hbm4b:s11+s28], $0x1400, $0x38;
	[tilespmem:$0x1E400] =	vst v63  }
0x3e: {  	_ =	swait.ge [sflag:s14], $0x1400  }
0x3f: {  	[sflag:s14] =	ssyncset.done $0x0  }
0x40: {  	[sflag:s14] =	ssyncadd.s32 $0xFFFFEC00  }
0x41: {  	[tilespmem:s13], [sflag:$0x1] =	stream.indirect.gather [hbm4b:s4+s16], $0x80, s28, s16, $0xb8;
	[tilespmem:$0x1E400] =	vst v63  }
0x42: {  	_ = 	snop  }
0x43: {  	[tilespmem:s17], [sflag:$0x2] =	stream.indirect.gather [hbm4b:s4+s16], $0x80, s16, s16, $0xb8;
	[tilespmem:$0x1E400] =	vst v63  }
0x44: {  	_ =	swait.ge [sflag:s18], $0x4000  }
0x45: {  	[sflag:s18] =	ssyncset.done $0x0  }
0x46: {  	s29 =	simm.s32 $0x1400;
	[sflag:s18] =	ssyncadd.s32 $0xFFFFC000  }
0x47: {  	[spmem:s1] =	stream.indirect.scatter.add.f32 [tilespmem:s13], [sflag:$0x3], $0x80, s29, s16, $0xb8;
	[tilespmem:$0x1E400] =	vst v63  }
0x48: {  	_ =	swait.ge [sflag:s19], $0x4000  }
0x49: {  	[sflag:s19] =	ssyncset.done $0x0  }
0x4a: {  	s30 =	simm.s32 $0x100;
	[sflag:s19] =	ssyncadd.s32 $0xFFFFC000  }
0x4b: {  	[tilespmem:s13], [sflag:$0x1] =	stream.indirect.gather [hbm4b:s4+s16], $0x80, s30, s16, $0xb8;
	[tilespmem:$0x1E400] =	vst v63  }
0x4c: {  	_ =	swait.ge [sflag:s20], $0x4000  }
0x4d: {  	[sflag:s20] =	ssyncset.done $0x0  }
0x4e: {  	s31 =	simm.s32 $0x1480;
	[sflag:s20] =	ssyncadd.s32 $0xFFFFC000  }
0x4f: {  	[spmem:s1] =	stream.indirect.scatter.add.f32 [tilespmem:s17], [sflag:$0x4], $0x80, s31, s16, $0xb8;
	[tilespmem:$0x1E400] =	vst v63  }
0x50: {  	_ =	swait.ge [sflag:s21], $0x4000  }
0x51: {  	[sflag:s21] =	ssyncset.done $0x0  }
0x52: {  	s25 =	simm.s32 $0x400;
	s26 =	simm.s32 $0x180;
	[sflag:s21] =	ssyncadd.s32 $0xFFFFC000  }
.LBB2_4:
0x53: {  	[tilespmem:s17], [sflag:$0x2] =	stream.indirect.gather [hbm4b:s4+s16], $0x80, s26, s16, $0xb8;
	[tilespmem:$0x1E400] =	vst v63  }
0x54: {  	s26 =	smov.u32 s25  }
0x55: {  	p0 =	sne.s32 s25, $0x4800;
	s25 =	sadd.s32 $0x400, s25;
	_ =	swait.ge [sflag:s18], $0x4000  }
0x56: {  	s26 =	sshra.s32 s26, $0x2;
	[sflag:s18] =	ssyncset.done $0x0  }
0x57: {  	s28 =	sadd.s32 $0x1400, s26;
	[sflag:s18] =	ssyncadd.s32 $0xFFFFC000  }
0x58: {  	[spmem:s1] =	stream.indirect.scatter.add.f32 [tilespmem:s13], [sflag:$0x3], $0x80, s28, s16, $0xb8;
	[tilespmem:$0x1E400] =	vst v63  }
0x59: {  	_ =	swait.ge [sflag:s19], $0x4000  }
0x5a: {  	[sflag:s19] =	ssyncset.done $0x0  }
0x5b: {  	s28 =	sadd.s32 $0x100, s26;
	[sflag:s19] =	ssyncadd.s32 $0xFFFFC000  }
0x5c: {  	[tilespmem:s13], [sflag:$0x1] =	stream.indirect.gather [hbm4b:s4+s16], $0x80, s28, s16, $0xb8;
	[tilespmem:$0x1E400] =	vst v63  }
0x5d: {  	_ =	swait.ge [sflag:s20], $0x4000  }
0x5e: {  	[sflag:s20] =	ssyncset.done $0x0  }
.Ltmp1:
0x5f: {  	s28 =	sadd.s32 $0x1480, s26;
	[sflag:s20] =	ssyncadd.s32 $0xFFFFC000;
	(pc) =	sbr.rel @p0 .LBB2_4-.Ltmp1, $4  }
0x60: {  	[spmem:s1] =	stream.indirect.scatter.add.f32 [tilespmem:s17], [sflag:$0x4], $0x80, s28, s16, $0xb8;
	[tilespmem:$0x1E400] =	vst v63  }
0x61: {  	_ =	swait.ge [sflag:s21], $0x4000  }
0x62: {  	[sflag:s21] =	ssyncset.done $0x0  }
0x63: {  	s26 =	sadd.s32 $0x180, s26;
	[sflag:s21] =	ssyncadd.s32 $0xFFFFC000  }
0x64: {  	[tilespmem:s17], [sflag:$0x2] =	stream.indirect.gather [hbm4b:s4+s16], $0x80, s26, s16, $0xb8;
	[tilespmem:$0x1E400] =	vst v63  }
0x65: {  	_ =	swait.ge [sflag:s18], $0x4000  }
0x66: {  	[sflag:s18] =	ssyncset.done $0x0  }
0x67: {  	[sflag:s18] =	ssyncadd.s32 $0xFFFFC000  }
0x68: {  	[spmem:s1] =	stream.indirect.scatter.add.f32 [tilespmem:s13], [sflag:$0x3], $0x80, s22, s16, $0xb8;
	[tilespmem:$0x1E400] =	vst v63  }
0x69: {  	_ =	swait.ge [sflag:s19], $0x4000  }
0x6a: {  	[sflag:s19] =	ssyncset.done $0x0  }
0x6b: {  	[sflag:s19] =	ssyncadd.s32 $0xFFFFC000  }
0x6c: {  	_ =	swait.ge [sflag:s20], $0x4000  }
0x6d: {  	[sflag:s20] =	ssyncset.done $0x0  }
0x6e: {  	[sflag:s20] =	ssyncadd.s32 $0xFFFFC000  }
0x6f: {  	[spmem:s1] =	stream.indirect.scatter.add.f32 [tilespmem:s17], [sflag:$0x4], $0x80, s23, s16, $0xb8;
	[tilespmem:$0x1E400] =	vst v63  }
0x70: {  	_ =	swait.ge [sflag:s21], $0x4000  }
0x71: {  	[sflag:s21] =	ssyncset.done $0x0  }
0x72: {  	s25 =	sadd.s32 $0x280, s10;
	s31 =	simm.s32 $0x0;
	[sflag:s21] =	ssyncadd.s32 $0xFFFFC000  }
0x73: {  	[tilespmem:s31], [sflag:$0x5] =	stream.linear.gather [hbm4b:s25+s31], $0x1400, $0x38;
	[tilespmem:$0x1E400] =	vst v63  }
0x74: {  	_ =	swait.ge [sflag:s14], $0x1400  }
0x75: {  	[sflag:s14] =	ssyncset.done $0x0  }
0x76: {  	s28 =	sadd.s32 $0x280, s11;
	[sflag:s14] =	ssyncadd.s32 $0xFFFFEC00  }
0x77: {  	[tilespmem:s15], [sflag:$0x5] =	stream.linear.gather [hbm4b:s28+s31], $0x1400, $0x38;
	[tilespmem:$0x1E400] =	vst v63  }
0x78: {  	_ =	swait.ge [sflag:s14], $0x1400  }
0x79: {  	[sflag:s14] =	ssyncset.done $0x0  }
0x7a: {  	[sflag:s14] =	ssyncadd.s32 $0xFFFFEC00  }
0x7b: {  	[tilespmem:s13], [sflag:$0x1] =	stream.indirect.gather [hbm4b:s4+s16], $0x80, s31, s16, $0xb8;
	[tilespmem:$0x1E400] =	vst v63  }
0x7c: {  	_ = 	snop  }
0x7d: {  	[tilespmem:s17], [sflag:$0x2] =	stream.indirect.gather [hbm4b:s4+s16], $0x80, s16, s16, $0xb8;
	[tilespmem:$0x1E400] =	vst v63  }
0x7e: {  	_ =	swait.ge [sflag:s18], $0x4000  }
0x7f: {  	[sflag:s18] =	ssyncset.done $0x0  }
0x80: {  	s29 =	simm.s32 $0x1400;
	[sflag:s18] =	ssyncadd.s32 $0xFFFFC000  }
0x81: {  	[spmem:s1] =	stream.indirect.scatter.add.f32 [tilespmem:s13], [sflag:$0x3], $0x80, s29, s16, $0xb8;
	[tilespmem:$0x1E400] =	vst v63  }
0x82: {  	_ =	swait.ge [sflag:s19], $0x4000  }
0x83: {  	[sflag:s19] =	ssyncset.done $0x0  }
0x84: {  	s30 =	simm.s32 $0x100;
	[sflag:s19] =	ssyncadd.s32 $0xFFFFC000  }
0x85: {  	[tilespmem:s13], [sflag:$0x1] =	stream.indirect.gather [hbm4b:s4+s16], $0x80, s30, s16, $0xb8;
	[tilespmem:$0x1E400] =	vst v63  }
0x86: {  	_ =	swait.ge [sflag:s20], $0x4000  }
0x87: {  	[sflag:s20] =	ssyncset.done $0x0  }
0x88: {  	s31 =	simm.s32 $0x1480;
	[sflag:s20] =	ssyncadd.s32 $0xFFFFC000  }
0x89: {  	[spmem:s1] =	stream.indirect.scatter.add.f32 [tilespmem:s17], [sflag:$0x4], $0x80, s31, s16, $0xb8;
	[tilespmem:$0x1E400] =	vst v63  }
0x8a: {  	_ =	swait.ge [sflag:s21], $0x4000  }
0x8b: {  	[sflag:s21] =	ssyncset.done $0x0  }
0x8c: {  	s26 =	simm.s32 $0x180;
	s25 =	simm.s32 $0x400;
	[sflag:s21] =	ssyncadd.s32 $0xFFFFC000  }
.LBB2_6:
0x8d: {  	[tilespmem:s17], [sflag:$0x2] =	stream.indirect.gather [hbm4b:s4+s16], $0x80, s26, s16, $0xb8;
	[tilespmem:$0x1E400] =	vst v63  }
0x8e: {  	s26 =	smov.u32 s25  }
0x8f: {  	p0 =	sne.s32 s25, $0x4800;
	s25 =	sadd.s32 $0x400, s25;
	_ =	swait.ge [sflag:s18], $0x4000  }
0x90: {  	s26 =	sshra.s32 s26, $0x2;
	[sflag:s18] =	ssyncset.done $0x0  }
0x91: {  	s28 =	sadd.s32 $0x1400, s26;
	[sflag:s18] =	ssyncadd.s32 $0xFFFFC000  }
0x92: {  	[spmem:s1] =	stream.indirect.scatter.add.f32 [tilespmem:s13], [sflag:$0x3], $0x80, s28, s16, $0xb8;
	[tilespmem:$0x1E400] =	vst v63  }
0x93: {  	_ =	swait.ge [sflag:s19], $0x4000  }
0x94: {  	[sflag:s19] =	ssyncset.done $0x0  }
0x95: {  	s28 =	sadd.s32 $0x100, s26;
	[sflag:s19] =	ssyncadd.s32 $0xFFFFC000  }
0x96: {  	[tilespmem:s13], [sflag:$0x1] =	stream.indirect.gather [hbm4b:s4+s16], $0x80, s28, s16, $0xb8;
	[tilespmem:$0x1E400] =	vst v63  }
0x97: {  	_ =	swait.ge [sflag:s20], $0x4000  }
0x98: {  	[sflag:s20] =	ssyncset.done $0x0  }
.Ltmp2:
0x99: {  	s28 =	sadd.s32 $0x1480, s26;
	[sflag:s20] =	ssyncadd.s32 $0xFFFFC000;
	(pc) =	sbr.rel @p0 .LBB2_6-.Ltmp2, $4  }
0x9a: {  	[spmem:s1] =	stream.indirect.scatter.add.f32 [tilespmem:s17], [sflag:$0x4], $0x80, s28, s16, $0xb8;
	[tilespmem:$0x1E400] =	vst v63  }
0x9b: {  	_ =	swait.ge [sflag:s21], $0x4000  }
0x9c: {  	[sflag:s21] =	ssyncset.done $0x0  }
0x9d: {  	s26 =	sadd.s32 $0x180, s26;
	[sflag:s21] =	ssyncadd.s32 $0xFFFFC000  }
0x9e: {  	[tilespmem:s17], [sflag:$0x2] =	stream.indirect.gather [hbm4b:s4+s16], $0x80, s26, s16, $0xb8;
	[tilespmem:$0x1E400] =	vst v63  }
0x9f: {  	_ =	swait.ge [sflag:s18], $0x4000  }
0xa0: {  	[sflag:s18] =	ssyncset.done $0x0  }
0xa1: {  	[sflag:s18] =	ssyncadd.s32 $0xFFFFC000  }
0xa2: {  	[spmem:s1] =	stream.indirect.scatter.add.f32 [tilespmem:s13], [sflag:$0x3], $0x80, s22, s16, $0xb8;
	[tilespmem:$0x1E400] =	vst v63  }
0xa3: {  	_ =	swait.ge [sflag:s19], $0x4000  }
0xa4: {  	[sflag:s19] =	ssyncset.done $0x0  }
0xa5: {  	[sflag:s19] =	ssyncadd.s32 $0xFFFFC000  }
0xa6: {  	_ =	swait.ge [sflag:s20], $0x4000  }
0xa7: {  	[sflag:s20] =	ssyncset.done $0x0  }
0xa8: {  	[sflag:s20] =	ssyncadd.s32 $0xFFFFC000  }
0xa9: {  	[spmem:s1] =	stream.indirect.scatter.add.f32 [tilespmem:s17], [sflag:$0x4], $0x80, s23, s16, $0xb8;
	[tilespmem:$0x1E400] =	vst v63  }
0xaa: {  	_ =	swait.ge [sflag:s21], $0x4000  }
0xab: {  	s25 =	sshll.u32 s3, $0x6;
	s2 =	sadd.s32 $0x1, s2;
	[sflag:s21] =	ssyncset.done $0x0  }
0xac: {  	s31 =	sshrl.u32 s5, $0x3;
	p0 =	sne.s32 s2, s12;
	[sflag:s21] =	ssyncadd.s32 $0xFFFFC000  }
.Ltmp3:
0xad: {  	s25 =	sor.u32 $0x1C05, s25;
	[bflag:$0x0] =	sbarrier.arrive $0xFFFF;
	(pc) =	sbr.rel @p0 .LBB2_1-.Ltmp3, $4  }
0xae: {  	[hbm:s24], [sflag:s25] =	dma.local [spmem:s31], $0x2780  }
0xaf: {  	_ =	swait.ge [sflag:s14], $0x2780  }
0xb0: {  	[sflag:s14] =	ssyncset.done $0x0  }
0xb1: {  	[sflag:s14] =	ssyncadd.s32 $0xFFFFD880  }
0xb2: {  	_ =	sfence.sel $0x180000  }
0xb3: {  	[bflag:$0x0] =	sbarrier.arrive $0xFFFF  }
0xb4: {  	p0 =	sne.s32 s3, $0x0;
	_ =	strace $0x9000004D  }
0xb5: {  	s0 =	sadd.s32 @!p0 $0x100000, s0;
	[bflag:$0x2] =	sbarrier.arrive $0xFFFF  }
0xb6: {  	[sflag:s0] =	ssyncadd.tile.s32 @!p0 $0x1;
	_ =	shalt  }
.Lfunc_end2:
_tile_overlayer_lowered:
.L_overlay_start_2:
0xb7: {  	(tag) =	ssettag $0x2  }
0xb8: {  	s0 =	rddreg [dreg:$0x0];
	s2 =	stileid.u32  }
0xb9: {  	s1 =	rddreg [dreg:$0x1];
	p0 =	sne.s32 s2, $0x0  }
0xba: {  	s3 =	rddreg [dreg:$0x2];
	[bflag:$0x3] =	sbarrier.arrive $0xFFFF;
	s2 =	simm.s32 @!p0 $0x1C05  }
0xbb: {  	[timem:s3], [sflag:s2] =	dma.local @!p0 [hbm:s0], s1  }
0xbc: {  	s0 =	simm.s32 @!p0 $0x5  }
0xbd: {  	_ =	swait.ge @!p0 [sflag:s0], s1  }
0xbe: {  	s1 =	ssub.s32 @!p0 $0x0, s1;
	[sflag:s0] =	ssyncset.done @!p0 $0x0  }
0xbf: {  	[sflag:s0] =	ssyncadd.s32 @!p0 s1  }
0xc0: {  	[bflag:$0x3] =	sbarrier.arrive $0xFFFF  }
0xc1: {  	_ =	shalt  }

// kernel: kernel.8.cloned.1.call-start
scs
__scs_entry_jumppad:
0x0: {  	(pc) =	sbr.rel $0x88, $3  }
0x1: {  	(tag) =	ssettag $0x0;
	lr =	simm.s32 $0x1  }
0x2: {  	[smem:$0x3F99] =	sst lr;
	_ =	strace $0xD0000000  }
0x3: {  	_ = 	snop  }
0x4: {  	_ = 	snop  }
0x5: {  	_ = 	snop  }
0x6: {  	_ = 	snop  }
0x7: {  	_ = 	snop  }
__scs_overlays_trampoline_lowered:
0x8: {  	[smem:$0x3FA8] =	sst s0  }
0x9: {  	[smem:$0x3FA9] =	sst s1  }
0xa: {  	[smem:$0x3FAA] =	sst s2  }
0xb: {  	[smem:$0x3FAB] =	sst s3  }
0xc: {  	[smem:$0x3FAC] =	sst s4  }
0xd: {  	[smem:$0x3FAD] =	sst s5  }
0xe: {  	[smem:$0x3FAE] =	sst s6  }
0xf: {  	[smem:$0x3FAF] =	sst s7  }
0x10: {  	[smem:$0x3FB0] =	sst s8  }
0x11: {  	[smem:$0x3FB1] =	sst s9;
	s0 =	simm.s32 @!p0 $0x0  }
0x12: {  	s1 =	sld [smem:$0x3F97];
	s0 =	simm.s32 @p0 $0x1  }
0x13: {  	[smem:$0x3FB2] =	sst s0;
	s0 =	simm.s32 @!p1 $0x0  }
0x14: {  	s2 =	sld [smem:$0x3F96];
	s0 =	simm.s32 @p1 $0x1  }
0x15: {  	[smem:$0x3FB3] =	sst s0;
	s0 =	simm.s32 @!p2 $0x0  }
0x16: {  	s3 =	sld [smem:$0x3FDB];
	s0 =	simm.s32 @p2 $0x1  }
0x17: {  	s4 =	simm.s32 $0x1BF5;
	[smem:$0x3FB5] =	sst s0  }
0x18: {  	s0 =	sld [smem:$0x3F98];
	_ =	swait.ge [sflag:s4], $0x0  }
0x19: {  	s7 =	sld [smem:$0x3F99]  }
0x1a: {  	s8 =	sadd.s32 $0xFFFFE003, lr  }
0x1b: {  	s9 =	sadd.s32 $0xFFFFFEF7, lr;
	s5 =	simm.s32 $0xFFFFFFFF;
	p2 =	slt.u32 s8, $0xFFFFF086  }
0x1c: {  	p1 =	slt.u32 s9, $0xF7A;
	s5 =	simm.s32 @!p2 $0x0  }
0x1d: {  	s5 =	simm.s32 @p1 $0x1;
	p0 =	seq.s32 s7, s2  }
0x1e: {  	s7 =	smul.u32 @!p0 $0xF7A, s2;
	p2 =	seq.s32 @!p0 s5, $0x0  }
0x1f: {  	s9 =	smul.u32 $0xF7A, s1;
	s8 =	simm.s32 @!p0 $0x1BF5;
	p2 =	por !p2, p0  }
0x20: {  	[sflag:s8] =	ssyncset.s32 @!p0 $0xFFFFF086;
	s6 =	sadd.s32 @!p0 s3, s7;
	s7 =	simm.s32 @!p0 $0x108  }
0x21: {  	s3 =	sadd.s32 s3, s9;
	s6 =	sadd.s32 @!p0 $0x88, s6;
	s7 =	simm.s32 @p2 $0x1082  }
0x22: {  	[simem:s7], [sflag:s8] =	dma.local @!p0 [hbm:s6], $0xF7A  }
0x23: {  	s9 =	sor.u32 $0xD0000000, s2;
	s6 =	simm.s32 $0x108;
	_ =	swait.ge @!p0 [sflag:s8], $0x0  }
0x24: {  	s3 =	sadd.s32 $0x88, s3;
	s6 =	simm.s32 @!p1 $0x1082;
	[sflag:s4] =	ssyncset.s32 $0xFFFFF086  }
0x25: {  	[simem:s6], [sflag:s4] =	dma.local [hbm:s3], $0xF7A  }
0x26: {  	[smem:$0x3F99] =	sst s1;
	(tag) =	ssettag s2;
	_ =	strace s9  }
0x27: {  	s1 =	sld [smem:$0x3FA9]  }
0x28: {  	s2 =	sld [smem:$0x3FAA]  }
0x29: {  	s4 =	sld [smem:$0x3FAC]  }
0x2a: {  	p0 =	seq.s32 s5, $0x0;
	s5 =	sld [smem:$0x3FAD]  }
0x2b: {  	s6 =	sld [smem:$0x3FAE]  }
0x2c: {  	s7 =	sld [smem:$0x3FAF]  }
0x2d: {  	s3 =	simm.s32 $0x108;
	s8 =	sld [smem:$0x3FB0]  }
0x2e: {  	s3 =	simm.s32 @!p0 $0x1082;
	s9 =	sld [smem:$0x3FB1]  }
0x2f: {  	lr =	sadd.s32 s0, s3;
	s0 =	sld [smem:$0x3FA8]  }
0x30: {  	s3 =	sld [smem:$0x3FAB]  }
0x31: {  	[smem:$0x3FB4] =	sst s10  }
0x32: {  	s10 =	sld [smem:$0x3FB2];
	_ =	sdelay $0x3  }
0x33: {  	p0 =	seq.s32 s10, $0x1;
	s10 =	sld [smem:$0x3FB4];
	_ =	sdelay $0x3  }
0x34: {  	[smem:$0x3FB4] =	sst s10  }
0x35: {  	s10 =	sld [smem:$0x3FB3];
	_ =	sdelay $0x3  }
0x36: {  	p1 =	seq.s32 s10, $0x1;
	s10 =	sld [smem:$0x3FB4];
	_ =	sdelay $0x3  }
0x37: {  	[smem:$0x3FB4] =	sst s10  }
0x38: {  	s10 =	sld [smem:$0x3FB5]  }
0x39: {  	_ = 	snop;
	(pc) =	sbr.ind lr, $3  }
0x3a: {  	_ = 	snop  }
0x3b: {  	_ = 	snop  }
0x3c: {  	p2 =	seq.s32 s10, $0x1;
	s10 =	sld [smem:$0x3FB4]  }
0x3d: {  	_ =	shalt  }
0x3e: {  	_ =	shalt  }
0x3f: {  	_ =	shalt  }
0x40: {  	_ =	shalt  }
0x41: {  	_ =	shalt  }
0x42: {  	_ =	shalt  }
0x43: {  	_ =	shalt  }
0x44: {  	_ =	shalt  }
0x45: {  	_ =	shalt  }
0x46: {  	_ =	shalt  }
0x47: {  	_ =	shalt  }
0x48: {  	_ =	shalt  }
0x49: {  	_ =	shalt  }
0x4a: {  	_ =	shalt  }
0x4b: {  	_ =	shalt  }
0x4c: {  	_ =	shalt  }
0x4d: {  	_ =	shalt  }
0x4e: {  	_ =	shalt  }
0x4f: {  	_ =	shalt  }
0x50: {  	_ =	shalt  }
0x51: {  	_ =	shalt  }
0x52: {  	_ =	shalt  }
0x53: {  	_ =	shalt  }
0x54: {  	_ =	shalt  }
0x55: {  	_ =	shalt  }
0x56: {  	_ =	shalt  }
0x57: {  	_ =	shalt  }
0x58: {  	_ =	shalt  }
0x59: {  	_ =	shalt  }
0x5a: {  	_ =	shalt  }
0x5b: {  	_ =	shalt  }
0x5c: {  	_ =	shalt  }
0x5d: {  	_ =	shalt  }
0x5e: {  	_ =	shalt  }
0x5f: {  	_ =	shalt  }
0x60: {  	_ =	shalt  }
0x61: {  	_ =	shalt  }
0x62: {  	_ =	shalt  }
0x63: {  	_ =	shalt  }
0x64: {  	_ =	shalt  }
0x65: {  	_ =	shalt  }
0x66: {  	_ =	shalt  }
0x67: {  	_ =	shalt  }
0x68: {  	_ =	shalt  }
0x69: {  	_ =	shalt  }
0x6a: {  	_ =	shalt  }
0x6b: {  	_ =	shalt  }
0x6c: {  	_ =	shalt  }
0x6d: {  	_ =	shalt  }
0x6e: {  	_ =	shalt  }
0x6f: {  	_ =	shalt  }
0x70: {  	_ =	shalt  }
0x71: {  	_ =	shalt  }
0x72: {  	_ =	shalt  }
0x73: {  	_ =	shalt  }
0x74: {  	_ =	shalt  }
0x75: {  	_ =	shalt  }
0x76: {  	_ =	shalt  }
0x77: {  	_ =	shalt  }
0x78: {  	_ =	shalt  }
0x79: {  	_ =	shalt  }
0x7a: {  	_ =	shalt  }
0x7b: {  	_ =	shalt  }
0x7c: {  	_ =	shalt  }
0x7d: {  	_ =	shalt  }
0x7e: {  	_ =	shalt  }
0x7f: {  	_ =	shalt  }
0x80: {  	_ =	shalt  }
0x81: {  	_ =	shalt  }
0x82: {  	_ =	shalt  }
0x83: {  	_ =	shalt  }
0x84: {  	_ =	shalt  }
0x85: {  	_ =	shalt  }
0x86: {  	_ =	shalt  }
0x87: {  	_ =	shalt  }
.Lfunc_end0:
.L_simem_size_0:
called_computation_lowered:
.L_overlay_start_0:
0x88: {  	s2 =	sld [smem:$0x3FD9]  }
0x89: {  	s3 =	sld [smem:$0x3FFE];
	_ =	sdelay $0x1  }
0x8a: {  	s1 =	srdreg.scid  }
0x8b: {  	s0 =	sand.u32 $0x1, s1  }
0x8c: {  	s14 =	sshll.u32 s0, $0xA;
	s2 =	sadd.s32 s3, s2  }
0x8d: {  	s2 =	sadd.s32 s2, s14  }
0x8e: {  	[smem:$0x3FC0] =	sst s2  }
0x8f: {  	_ = 	snop  }
0x90: {  	s2 =	sld [smem:$0x3FD0];
	_ =	sdelay $0x2  }
0x91: {  	s15 =	simm.s32 $0xA;
	s4 =	simm.s32 $0x10  }
0x92: {  	[smem:s4], [sflag:s15] =	dma.local [hbm:s2], $0x1  }
0x93: {  	_ =	swait.eq [sflag:s15], $0x1  }
0x94: {  	[sflag:s15] =	ssyncset.done $0x0  }
0x95: {  	[sflag:s15] =	ssyncadd.s32 $0xFFFFFFFF  }
0x96: {  	s16 =	sld [smem:$0x11];
	(tm) =	ssettm $0x1  }
0x97: {  	s17 =	sld [smem:$0x3FFB];
	_ =	sdelay $0x3  }
0x98: {  	_ =	strace s17  }
0x99: {  	s3 =	sld [smem:$0x3FFC];
	_ =	sdelay $0x3  }
0x9a: {  	_ =	strace s3  }
0x9b: {  	s3 =	sld [smem:$0x3FFD];
	_ =	sdelay $0x3  }
0x9c: {  	_ =	strace s3  }
0x9d: {  	_ =	strace $0x8FFFFFFF  }
0x9e: {  	s18 =	sld [smem:$0x3FDB];
	_ =	sdelay $0x1  }
0x9f: {  	s19 =	simm.s32 $_scs_section_size  }
0xa0: {  	s5 =	simm.s32 $_size__tile_overlayer_lowered;
	s6 =	simm.s32 $_tile_overlayer_lowered  }
0xa1: {  	s22 =	simm.s32 $0x1BFF;
	s21 =	sshll.u32 s6, $0x1;
	s3 =	sadd.s32 s19, s18  }
0xa2: {  	s7 =	simm.s32 $0x0;
	s20 =	sshll.u32 s5, $0x1;
	s5 =	sadd.s32 s21, s3  }
0xa3: {  	[timem:s7], [sflag:s22] =	dma.local [hbm:s5], s20  }
0xa4: {  	_ =	swait.ge [sflag:s22], s20  }
0xa5: {  	s4 =	ssub.s32 $0x0, s20;
	[sflag:s22] =	ssyncset.done $0x0  }
0xa6: {  	[sflag:s22] =	ssyncadd.s32 s4;
	_ =	sdelay $0x1  }
0xa7: {  	s23 =	simm.s32 $0x1B8B  }
0xa8: {  	_ =	swait.ge [sflag:s23], $0x1  }
0xa9: {  	[sflag:s23] =	ssyncset.done $0x0  }
0xaa: {  	s25 =	simm.s32 $0x1B8E;
	s24 =	sld [smem:$0x3FFE];
	[sflag:s23] =	ssyncadd.s32 $0xFFFFFFFF  }
0xab: {  	s26 =	simm.s32 $execute0_lowered;
	[smem:$0x3FD2] =	sst s25  }
0xac: {  	s5 =	sshll.u32 s26, $0x1;
	_ =	strace $0x80000046;
	[dreg:$0x1] =	wrdreg $0xFFFFFFFF  }
0xad: {  	s28 =	simm.s32 $_size_execute0_lowered;
	s3 =	sadd.s32 s3, s5;
	[dreg:$0x0] =	wrdreg $0x0  }
0xae: {  	s5 =	sshll.u32 s28, $0x1;
	[dreg:$0x2] =	wrdreg s3  }
0xaf: {  	[dreg:$0x3] =	wrdreg s5  }
0xb0: {  	[dreg:$0x4] =	wrdreg $0xC0  }
0xb1: {  	_ =	task [dreg:s7], $0x5FFFF  }
0xb2: {  	[dreg:$0x1] =	wrdreg $0xFFFFFFFF  }
0xb3: {  	[dreg:$0x0] =	wrdreg $0x60  }
0xb4: {  	[dreg:$0x2] =	wrdreg s16  }
0xb5: {  	[dreg:$0x3] =	wrdreg s24  }
0xb6: {  	[dreg:$0x4] =	wrdreg $0x68000  }
0xb7: {  	[dreg:$0x5] =	wrdreg $0x9  }
0xb8: {  	_ =	task.clear_ibuf [dreg:s7], $0x6FFFF;
	_ =	strace $0x90000046  }
0xb9: {  	s29 =	simm.s32 $0x9;
	_ =	strace $0x80000048  }
0xba: {  	_ =	swait.ge [sflag:s29], $0x1  }
0xbb: {  	[sflag:s29] =	ssyncadd.s32 $0xFFFFFFFF  }
0xbc: {  	_ =	strace $0x90000048  }
0xbd: {  	_ =	sfence  }
0xbe: {  	s30 =	sld [smem:$0x0];
	_ =	sdelay $0x2  }
0xbf: {  	s31 =	sshll.u32 s1, $0xD;
	s1 =	sshrl.u32 s1, $0x2  }
0xc0: {  	s3 =	sand.u32 $0x4000, s31;
	s1 =	sadd.s32 s1, s30  }
0xc1: {  	s0 =	sor.u32 s3, s0;
	s1 =	sshll.u32 s1, $0x11  }
0xc2: {  	s0 =	sor.u32 s1, s0  }
0xc3: {  	s0 =	sadd.s32 $0x8F2B, s0  }
0xc4: {  	[sflag:s0] =	ssyncadd.remote.s32 $0x1  }
0xc5: {  	_ =	sfence.sel $0xFFFF  }
0xc6: {  	[dreg:$0x0] =	wrdreg $0xFFFFFFFF;
	(pc) =	sbr.abs _section_cstart, $3  }
0xc7: {  	[dreg:$0x1] =	wrdreg $0xFFFFFFFF  }
0xc8: {  	_ =	task.clear_ibuf [dreg:s7], $0x2FFFF;
	_ =	strace $0x9FFFFFFF  }
0xc9: {  	(tm) =	ssettm $0x7FFFFFFF  }
tec
execute0_lowered:
.L_overlay_start_1:
0x0: {  	(tag) =	ssettag $0x1  }
0x1: {  	s0 =	rddreg [dreg:$0x0]  }
0x2: {  	s2 =	rddreg [dreg:$0x1]  }
0x3: {  	s1 =	rddreg [dreg:$0x2]  }
0x4: {  	s3 =	srdreg.scid;
	s11 =	stileid.u32;
	s12 =	simm.s32 $0x5  }
0x5: {  	s13 =	simm.s32 $0x80;
	s29 =	simm.s32 $0x2280;
	s30 =	simm.s32 $0x2300  }
0x6: {  	s31 =	simm.s32 $0x2380;
	s14 =	simm.s32 $0x2480;
	s15 =	simm.s32 $0x2500  }
0x7: {  	s16 =	simm.s32 $0x2580;
	s17 =	simm.s32 $0x2600;
	s18 =	simm.s32 $0x2680  }
0x8: {  	s19 =	simm.s32 $0x2700;
	s20 =	simm.s32 $0x2780;
	s6 =	smul.u32 $0x4F000, s11  }
0x9: {  	s21 =	simm.s32 $0x1;
	s4 =	sand.u32 $0x1, s3;
	s28 =	smul.u32 $0x2780, s11  }
0xa: {  	s22 =	simm.s32 $0x2;
	s3 =	simm.s32 $0x0;
	s5 =	smul.u32 $0x27800, s4  }
0xb: {  	[smem:$0x7FF] =	sst s3;
	s23 =	sshll.u32 s4, $0x4;
	s7 =	ssub.s32 $0x2, s4  }
0xc: {  	_ =	strace $0x80000047;
	s24 =	sshrl.u32 s6, $0x2;
	s25 =	sshrl.u32 s7, $0x1  }
0xd: {  	s2 =	sadd.s32 s5, s2;
	s5 =	sor.u32 s11, s23;
	s4 =	sadd.s32 s24, s1  }
0xe: {  	s10 =	ssub.s32 s7, s25;
	s11 =	simm.s32 $0x2800;
	s23 =	simm.s32 $0x3  }
0xf: {  	s25 =	simm.s32 $0x4;
	s9 =	smul.u32 $0x500, s5;
	s5 =	sadd.s32 $0x4000, s4  }
0x10: {  	s6 =	sadd.s32 $0x8000, s4;
	s7 =	sadd.s32 $0xC000, s4;
	s8 =	sadd.s32 $0x10000, s4  }
0x11: {  	s26 =	sadd.s32 $0x2C00, s2;
	s10 =	smax.u32 s10, $0x1;
	s2 =	simm.s32 $0x0  }
0x12: {  	v0 =	vimm.f32 $0.0e+00;
	v1 =	vimm.f32 $1.000000000e+00;
	s24 =	sadd.s32 s28, s26;
	s9 =	sadd.s32 s0, s9;
	s0 =	simm.s32 $0x2400  }
.LBB2_1:
0x13: {  	s26 =	simm.s32 $0x0;
	s28 =	simm.s32 $0x200  }
.LBB2_2:
0x14: {  	p0 =	sne.s32 s28, $0xFE00;
	[tilespmem:s26+$0x2870] =	vst v0  }
0x15: {  	[tilespmem:s26+$0x2800] =	vst v0  }
0x16: {  	[tilespmem:s26+$0x2810] =	vst v0  }
.Ltmp0:
0x17: {  	[tilespmem:s26+$0x2820] =	vst v0;
	(pc) =	sbr.rel @p0 .LBB2_2-.Ltmp0, $4  }
0x18: {  	[tilespmem:s26+$0x2830] =	vst v0  }
0x19: {  	[tilespmem:s26+$0x2840] =	vst v0  }
0x1a: {  	[tilespmem:s26+$0x2850] =	vst v0  }
0x1b: {  	[tilespmem:s26+$0x2860] =	vst v0;
	s26 =	sshra.s32 s28, $0x2;
	s28 =	sadd.s32 $0x200, s28  }
0x1c: {  	[tilespmem:s26+$0x2870] =	vst v0  }
0x1d: {  	[tilespmem:s26+$0x2800] =	vst v0  }
0x1e: {  	[tilespmem:s26+$0x2810] =	vst v0  }
0x1f: {  	[tilespmem:s26+$0x2820] =	vst v0  }
0x20: {  	[tilespmem:s26+$0x2830] =	vst v0  }
0x21: {  	[tilespmem:s26+$0x2840] =	vst v0  }
0x22: {  	[tilespmem:s26+$0x2850] =	vst v0  }
0x23: {  	[tilespmem:s26+$0x2860] =	vst v0  }
0x24: {  	[spmem:s4] =	stream.linear.scatter [tilespmem:s11], [sflag:$0x5], $0x4000, $0x38;
	[tilespmem:$0x1A400] =	vst v63  }
0x25: {  	_ =	swait.ge [sflag:s12], $0x4000  }
0x26: {  	[sflag:s12] =	ssyncset.done $0x0  }
0x27: {  	[sflag:s12] =	ssyncadd.s32 $0xFFFFC000  }
0x28: {  	[spmem:s5] =	stream.linear.scatter [tilespmem:s11], [sflag:$0x5], $0x4000, $0x38;
	[tilespmem:$0x1A400] =	vst v63  }
0x29: {  	_ =	swait.ge [sflag:s12], $0x4000  }
0x2a: {  	[sflag:s12] =	ssyncset.done $0x0  }
0x2b: {  	[sflag:s12] =	ssyncadd.s32 $0xFFFFC000  }
0x2c: {  	[spmem:s6] =	stream.linear.scatter [tilespmem:s11], [sflag:$0x5], $0x4000, $0x38;
	[tilespmem:$0x1A400] =	vst v63  }
0x2d: {  	_ =	swait.ge [sflag:s12], $0x4000  }
0x2e: {  	[sflag:s12] =	ssyncset.done $0x0  }
0x2f: {  	[sflag:s12] =	ssyncadd.s32 $0xFFFFC000  }
0x30: {  	[spmem:s7] =	stream.linear.scatter [tilespmem:s11], [sflag:$0x5], $0x4000, $0x38;
	[tilespmem:$0x1A400] =	vst v63  }
0x31: {  	_ =	swait.ge [sflag:s12], $0x4000  }
0x32: {  	[sflag:s12] =	ssyncset.done $0x0  }
0x33: {  	[sflag:s12] =	ssyncadd.s32 $0xFFFFC000  }
0x34: {  	[spmem:s8] =	stream.linear.scatter [tilespmem:s11], [sflag:$0x5], $0x3C00, $0x38;
	[tilespmem:$0x1A400] =	vst v63  }
0x35: {  	_ =	swait.ge [sflag:s12], $0x3C00  }
0x36: {  	[sflag:s12] =	ssyncset.done $0x0  }
0x37: {  	s26 =	simm.s32 $0x0;
	s28 =	simm.s32 $0x200;
	[sflag:s12] =	ssyncadd.s32 $0xFFFFC400  }
.LBB2_4:
0x38: {  	p0 =	sne.s32 s28, $0xFE00;
	[tilespmem:s26+$0x2870] =	vst v1  }
0x39: {  	[tilespmem:s26+$0x2800] =	vst v1  }
0x3a: {  	[tilespmem:s26+$0x2810] =	vst v1  }
.Ltmp1:
0x3b: {  	[tilespmem:s26+$0x2820] =	vst v1;
	(pc) =	sbr.rel @p0 .LBB2_4-.Ltmp1, $4  }
0x3c: {  	[tilespmem:s26+$0x2830] =	vst v1  }
0x3d: {  	[tilespmem:s26+$0x2840] =	vst v1  }
0x3e: {  	[tilespmem:s26+$0x2850] =	vst v1  }
0x3f: {  	[tilespmem:s26+$0x2860] =	vst v1;
	s26 =	sshra.s32 s28, $0x2;
	s28 =	sadd.s32 $0x200, s28  }
0x40: {  	[tilespmem:s26+$0x2870] =	vst v1  }
0x41: {  	[tilespmem:s26+$0x2800] =	vst v1  }
0x42: {  	[tilespmem:s26+$0x2810] =	vst v1  }
0x43: {  	[tilespmem:s26+$0x2820] =	vst v1  }
0x44: {  	[tilespmem:s26+$0x2830] =	vst v1  }
0x45: {  	[tilespmem:s26+$0x2840] =	vst v1  }
0x46: {  	[tilespmem:s26+$0x2850] =	vst v1  }
0x47: {  	[tilespmem:s26+$0x2860] =	vst v1  }
0x48: {  	[bflag:$0x0] =	sbarrier.arrive $0xFFFF  }
0x49: {  	[tilespmem:s3], [sflag:$0x5] =	stream.linear.gather [hbm4b:s9+s3], $0x2800, $0x38;
	[tilespmem:$0x1A400] =	vst v63  }
0x4a: {  	_ =	swait.ge [sflag:s12], $0x2800  }
0x4b: {  	[sflag:s12] =	ssyncset.done $0x0  }
0x4c: {  	[sflag:s12] =	ssyncadd.s32 $0xFFFFD800  }
0x4d: {  	[spmem:s1] =	stream.indirect.scatter.add.f32 [tilespmem:s11], [sflag:$0x1], $0x80, s3, s13, $0xb8;
	[tilespmem:$0x1A400] =	vst v63  }
0x4e: {  	_ = 	snop  }
0x4f: {  	[spmem:s1] =	stream.indirect.scatter.add.f32 [tilespmem:s11], [sflag:$0x2], $0x80, s13, s13, $0xb8;
	[tilespmem:$0x1A400] =	vst v63  }
0x50: {  	s28 =	simm.s32 $0x100  }
0x51: {  	[spmem:s1] =	stream.indirect.scatter.add.f32 [tilespmem:s11], [sflag:$0x3], $0x80, s28, s13, $0xb8;
	[tilespmem:$0x1A400] =	vst v63  }
0x52: {  	s28 =	simm.s32 $0x180  }
0x53: {  	[spmem:s1] =	stream.indirect.scatter.add.f32 [tilespmem:s11], [sflag:$0x4], $0x80, s28, s13, $0xb8;
	[tilespmem:$0x1A400] =	vst v63  }
0x54: {  	s28 =	simm.s32 $0x200  }
0x55: {  	[spmem:s1] =	stream.indirect.scatter.add.f32 [tilespmem:s11], [sflag:$0x1], $0x80, s28, s13, $0xb8;
	[tilespmem:$0x1A400] =	vst v63  }
0x56: {  	s28 =	simm.s32 $0x280  }
0x57: {  	[spmem:s1] =	stream.indirect.scatter.add.f32 [tilespmem:s11], [sflag:$0x2], $0x80, s28, s13, $0xb8;
	[tilespmem:$0x1A400] =	vst v63  }
0x58: {  	s28 =	simm.s32 $0x300  }
0x59: {  	[spmem:s1] =	stream.indirect.scatter.add.f32 [tilespmem:s11], [sflag:$0x3], $0x80, s28, s13, $0xb8;
	[tilespmem:$0x1A400] =	vst v63  }
0x5a: {  	s28 =	simm.s32 $0x380  }
0x5b: {  	[spmem:s1] =	stream.indirect.scatter.add.f32 [tilespmem:s11], [sflag:$0x4], $0x80, s28, s13, $0xb8;
	[tilespmem:$0x1A400] =	vst v63  }
0x5c: {  	s28 =	simm.s32 $0x400  }
0x5d: {  	[spmem:s1] =	stream.indirect.scatter.add.f32 [tilespmem:s11], [sflag:$0x1], $0x80, s28, s13, $0xb8;
	[tilespmem:$0x1A400] =	vst v63  }
0x5e: {  	s28 =	simm.s32 $0x480  }
0x5f: {  	[spmem:s1] =	stream.indirect.scatter.add.f32 [tilespmem:s11], [sflag:$0x2], $0x80, s28, s13, $0xb8;
	[tilespmem:$0x1A400] =	vst v63  }
0x60: {  	s28 =	simm.s32 $0x500  }
0x61: {  	[spmem:s1] =	stream.indirect.scatter.add.f32 [tilespmem:s11], [sflag:$0x3], $0x80, s28, s13, $0xb8;
	[tilespmem:$0x1A400] =	vst v63  }
0x62: {  	s28 =	simm.s32 $0x580  }
0x63: {  	[spmem:s1] =	stream.indirect.scatter.add.f32 [tilespmem:s11], [sflag:$0x4], $0x80, s28, s13, $0xb8;
	[tilespmem:$0x1A400] =	vst v63  }
0x64: {  	s28 =	simm.s32 $0x600  }
0x65: {  	[spmem:s1] =	stream.indirect.scatter.add.f32 [tilespmem:s11], [sflag:$0x1], $0x80, s28, s13, $0xb8;
	[tilespmem:$0x1A400] =	vst v63  }
0x66: {  	s28 =	simm.s32 $0x680  }
0x67: {  	[spmem:s1] =	stream.indirect.scatter.add.f32 [tilespmem:s11], [sflag:$0x2], $0x80, s28, s13, $0xb8;
	[tilespmem:$0x1A400] =	vst v63  }
0x68: {  	s28 =	simm.s32 $0x700  }
0x69: {  	[spmem:s1] =	stream.indirect.scatter.add.f32 [tilespmem:s11], [sflag:$0x3], $0x80, s28, s13, $0xb8;
	[tilespmem:$0x1A400] =	vst v63  }
0x6a: {  	s28 =	simm.s32 $0x780  }
0x6b: {  	[spmem:s1] =	stream.indirect.scatter.add.f32 [tilespmem:s11], [sflag:$0x4], $0x80, s28, s13, $0xb8;
	[tilespmem:$0x1A400] =	vst v63  }
0x6c: {  	s28 =	simm.s32 $0x800  }
0x6d: {  	[spmem:s1] =	stream.indirect.scatter.add.f32 [tilespmem:s11], [sflag:$0x1], $0x80, s28, s13, $0xb8;
	[tilespmem:$0x1A400] =	vst v63  }
0x6e: {  	s28 =	simm.s32 $0x880  }
0x6f: {  	[spmem:s1] =	stream.indirect.scatter.add.f32 [tilespmem:s11], [sflag:$0x2], $0x80, s28, s13, $0xb8;
	[tilespmem:$0x1A400] =	vst v63  }
0x70: {  	s28 =	simm.s32 $0x900  }
0x71: {  	[spmem:s1] =	stream.indirect.scatter.add.f32 [tilespmem:s11], [sflag:$0x3], $0x80, s28, s13, $0xb8;
	[tilespmem:$0x1A400] =	vst v63  }
0x72: {  	s28 =	simm.s32 $0x980  }
0x73: {  	[spmem:s1] =	stream.indirect.scatter.add.f32 [tilespmem:s11], [sflag:$0x4], $0x80, s28, s13, $0xb8;
	[tilespmem:$0x1A400] =	vst v63  }
0x74: {  	s28 =	simm.s32 $0xA00  }
0x75: {  	[spmem:s1] =	stream.indirect.scatter.add.f32 [tilespmem:s11], [sflag:$0x1], $0x80, s28, s13, $0xb8;
	[tilespmem:$0x1A400] =	vst v63  }
0x76: {  	s28 =	simm.s32 $0xA80  }
0x77: {  	[spmem:s1] =	stream.indirect.scatter.add.f32 [tilespmem:s11], [sflag:$0x2], $0x80, s28, s13, $0xb8;
	[tilespmem:$0x1A400] =	vst v63  }
0x78: {  	s28 =	simm.s32 $0xB00  }
0x79: {  	[spmem:s1] =	stream.indirect.scatter.add.f32 [tilespmem:s11], [sflag:$0x3], $0x80, s28, s13, $0xb8;
	[tilespmem:$0x1A400] =	vst v63  }
0x7a: {  	s28 =	simm.s32 $0xB80  }
0x7b: {  	[spmem:s1] =	stream.indirect.scatter.add.f32 [tilespmem:s11], [sflag:$0x4], $0x80, s28, s13, $0xb8;
	[tilespmem:$0x1A400] =	vst v63  }
0x7c: {  	s28 =	simm.s32 $0xC00  }
0x7d: {  	[spmem:s1] =	stream.indirect.scatter.add.f32 [tilespmem:s11], [sflag:$0x1], $0x80, s28, s13, $0xb8;
	[tilespmem:$0x1A400] =	vst v63  }
0x7e: {  	s28 =	simm.s32 $0xC80  }
0x7f: {  	[spmem:s1] =	stream.indirect.scatter.add.f32 [tilespmem:s11], [sflag:$0x2], $0x80, s28, s13, $0xb8;
	[tilespmem:$0x1A400] =	vst v63  }
0x80: {  	s28 =	simm.s32 $0xD00  }
0x81: {  	[spmem:s1] =	stream.indirect.scatter.add.f32 [tilespmem:s11], [sflag:$0x3], $0x80, s28, s13, $0xb8;
	[tilespmem:$0x1A400] =	vst v63  }
0x82: {  	s28 =	simm.s32 $0xD80  }
0x83: {  	[spmem:s1] =	stream.indirect.scatter.add.f32 [tilespmem:s11], [sflag:$0x4], $0x80, s28, s13, $0xb8;
	[tilespmem:$0x1A400] =	vst v63  }
0x84: {  	s28 =	simm.s32 $0xE00  }
0x85: {  	[spmem:s1] =	stream.indirect.scatter.add.f32 [tilespmem:s11], [sflag:$0x1], $0x80, s28, s13, $0xb8;
	[tilespmem:$0x1A400] =	vst v63  }
0x86: {  	s28 =	simm.s32 $0xE80  }
0x87: {  	[spmem:s1] =	stream.indirect.scatter.add.f32 [tilespmem:s11], [sflag:$0x2], $0x80, s28, s13, $0xb8;
	[tilespmem:$0x1A400] =	vst v63  }
0x88: {  	s28 =	simm.s32 $0xF00  }
0x89: {  	[spmem:s1] =	stream.indirect.scatter.add.f32 [tilespmem:s11], [sflag:$0x3], $0x80, s28, s13, $0xb8;
	[tilespmem:$0x1A400] =	vst v63  }
0x8a: {  	s28 =	simm.s32 $0xF80  }
0x8b: {  	[spmem:s1] =	stream.indirect.scatter.add.f32 [tilespmem:s11], [sflag:$0x4], $0x80, s28, s13, $0xb8;
	[tilespmem:$0x1A400] =	vst v63  }
0x8c: {  	s28 =	simm.s32 $0x1000  }
0x8d: {  	[spmem:s1] =	stream.indirect.scatter.add.f32 [tilespmem:s11], [sflag:$0x1], $0x80, s28, s13, $0xb8;
	[tilespmem:$0x1A400] =	vst v63  }
0x8e: {  	s28 =	simm.s32 $0x1080  }
0x8f: {  	[spmem:s1] =	stream.indirect.scatter.add.f32 [tilespmem:s11], [sflag:$0x2], $0x80, s28, s13, $0xb8;
	[tilespmem:$0x1A400] =	vst v63  }
0x90: {  	s28 =	simm.s32 $0x1100  }
0x91: {  	[spmem:s1] =	stream.indirect.scatter.add.f32 [tilespmem:s11], [sflag:$0x3], $0x80, s28, s13, $0xb8;
	[tilespmem:$0x1A400] =	vst v63  }
0x92: {  	s28 =	simm.s32 $0x1180  }
0x93: {  	[spmem:s1] =	stream.indirect.scatter.add.f32 [tilespmem:s11], [sflag:$0x4], $0x80, s28, s13, $0xb8;
	[tilespmem:$0x1A400] =	vst v63  }
0x94: {  	s28 =	simm.s32 $0x1200  }
0x95: {  	[spmem:s1] =	stream.indirect.scatter.add.f32 [tilespmem:s11], [sflag:$0x1], $0x80, s28, s13, $0xb8;
	[tilespmem:$0x1A400] =	vst v63  }
0x96: {  	s28 =	simm.s32 $0x1280  }
0x97: {  	[spmem:s1] =	stream.indirect.scatter.add.f32 [tilespmem:s11], [sflag:$0x2], $0x80, s28, s13, $0xb8;
	[tilespmem:$0x1A400] =	vst v63  }
0x98: {  	s28 =	simm.s32 $0x1300  }
0x99: {  	[spmem:s1] =	stream.indirect.scatter.add.f32 [tilespmem:s11], [sflag:$0x3], $0x80, s28, s13, $0xb8;
	[tilespmem:$0x1A400] =	vst v63  }
0x9a: {  	s28 =	simm.s32 $0x1380  }
0x9b: {  	[spmem:s1] =	stream.indirect.scatter.add.f32 [tilespmem:s11], [sflag:$0x4], $0x80, s28, s13, $0xb8;
	[tilespmem:$0x1A400] =	vst v63  }
0x9c: {  	s28 =	simm.s32 $0x1400  }
0x9d: {  	[spmem:s1] =	stream.indirect.scatter.add.f32 [tilespmem:s11], [sflag:$0x1], $0x80, s28, s13, $0xb8;
	[tilespmem:$0x1A400] =	vst v63  }
0x9e: {  	s28 =	simm.s32 $0x1480  }
0x9f: {  	[spmem:s1] =	stream.indirect.scatter.add.f32 [tilespmem:s11], [sflag:$0x2], $0x80, s28, s13, $0xb8;
	[tilespmem:$0x1A400] =	vst v63  }
0xa0: {  	s28 =	simm.s32 $0x1500  }
0xa1: {  	[spmem:s1] =	stream.indirect.scatter.add.f32 [tilespmem:s11], [sflag:$0x3], $0x80, s28, s13, $0xb8;
	[tilespmem:$0x1A400] =	vst v63  }
0xa2: {  	s28 =	simm.s32 $0x1580  }
0xa3: {  	[spmem:s1] =	stream.indirect.scatter.add.f32 [tilespmem:s11], [sflag:$0x4], $0x80, s28, s13, $0xb8;
	[tilespmem:$0x1A400] =	vst v63  }
0xa4: {  	s28 =	simm.s32 $0x1600  }
0xa5: {  	[spmem:s1] =	stream.indirect.scatter.add.f32 [tilespmem:s11], [sflag:$0x1], $0x80, s28, s13, $0xb8;
	[tilespmem:$0x1A400] =	vst v63  }
0xa6: {  	s28 =	simm.s32 $0x1680  }
0xa7: {  	[spmem:s1] =	stream.indirect.scatter.add.f32 [tilespmem:s11], [sflag:$0x2], $0x80, s28, s13, $0xb8;
	[tilespmem:$0x1A400] =	vst v63  }
0xa8: {  	s28 =	simm.s32 $0x1700  }
0xa9: {  	[spmem:s1] =	stream.indirect.scatter.add.f32 [tilespmem:s11], [sflag:$0x3], $0x80, s28, s13, $0xb8;
	[tilespmem:$0x1A400] =	vst v63  }
0xaa: {  	s28 =	simm.s32 $0x1780  }
0xab: {  	[spmem:s1] =	stream.indirect.scatter.add.f32 [tilespmem:s11], [sflag:$0x4], $0x80, s28, s13, $0xb8;
	[tilespmem:$0x1A400] =	vst v63  }
0xac: {  	s28 =	simm.s32 $0x1800  }
0xad: {  	[spmem:s1] =	stream.indirect.scatter.add.f32 [tilespmem:s11], [sflag:$0x1], $0x80, s28, s13, $0xb8;
	[tilespmem:$0x1A400] =	vst v63  }
0xae: {  	s28 =	simm.s32 $0x1880  }
0xaf: {  	[spmem:s1] =	stream.indirect.scatter.add.f32 [tilespmem:s11], [sflag:$0x2], $0x80, s28, s13, $0xb8;
	[tilespmem:$0x1A400] =	vst v63  }
0xb0: {  	s28 =	simm.s32 $0x1900  }
0xb1: {  	[spmem:s1] =	stream.indirect.scatter.add.f32 [tilespmem:s11], [sflag:$0x3], $0x80, s28, s13, $0xb8;
	[tilespmem:$0x1A400] =	vst v63  }
0xb2: {  	s28 =	simm.s32 $0x1980  }
0xb3: {  	[spmem:s1] =	stream.indirect.scatter.add.f32 [tilespmem:s11], [sflag:$0x4], $0x80, s28, s13, $0xb8;
	[tilespmem:$0x1A400] =	vst v63  }
0xb4: {  	s28 =	simm.s32 $0x1A00  }
0xb5: {  	[spmem:s1] =	stream.indirect.scatter.add.f32 [tilespmem:s11], [sflag:$0x1], $0x80, s28, s13, $0xb8;
	[tilespmem:$0x1A400] =	vst v63  }
0xb6: {  	s28 =	simm.s32 $0x1A80  }
0xb7: {  	[spmem:s1] =	stream.indirect.scatter.add.f32 [tilespmem:s11], [sflag:$0x2], $0x80, s28, s13, $0xb8;
	[tilespmem:$0x1A400] =	vst v63  }
0xb8: {  	s28 =	simm.s32 $0x1B00  }
0xb9: {  	[spmem:s1] =	stream.indirect.scatter.add.f32 [tilespmem:s11], [sflag:$0x3], $0x80, s28, s13, $0xb8;
	[tilespmem:$0x1A400] =	vst v63  }
0xba: {  	s28 =	simm.s32 $0x1B80  }
0xbb: {  	[spmem:s1] =	stream.indirect.scatter.add.f32 [tilespmem:s11], [sflag:$0x4], $0x80, s28, s13, $0xb8;
	[tilespmem:$0x1A400] =	vst v63  }
0xbc: {  	s28 =	simm.s32 $0x1C00  }
0xbd: {  	[spmem:s1] =	stream.indirect.scatter.add.f32 [tilespmem:s11], [sflag:$0x1], $0x80, s28, s13, $0xb8;
	[tilespmem:$0x1A400] =	vst v63  }
0xbe: {  	s28 =	simm.s32 $0x1C80  }
0xbf: {  	[spmem:s1] =	stream.indirect.scatter.add.f32 [tilespmem:s11], [sflag:$0x2], $0x80, s28, s13, $0xb8;
	[tilespmem:$0x1A400] =	vst v63  }
0xc0: {  	s28 =	simm.s32 $0x1D00  }
0xc1: {  	[spmem:s1] =	stream.indirect.scatter.add.f32 [tilespmem:s11], [sflag:$0x3], $0x80, s28, s13, $0xb8;
	[tilespmem:$0x1A400] =	vst v63  }
0xc2: {  	s28 =	simm.s32 $0x1D80  }
0xc3: {  	[spmem:s1] =	stream.indirect.scatter.add.f32 [tilespmem:s11], [sflag:$0x4], $0x80, s28, s13, $0xb8;
	[tilespmem:$0x1A400] =	vst v63  }
0xc4: {  	s28 =	simm.s32 $0x1E00  }
0xc5: {  	[spmem:s1] =	stream.indirect.scatter.add.f32 [tilespmem:s11], [sflag:$0x1], $0x80, s28, s13, $0xb8;
	[tilespmem:$0x1A400] =	vst v63  }
0xc6: {  	s28 =	simm.s32 $0x1E80  }
0xc7: {  	[spmem:s1] =	stream.indirect.scatter.add.f32 [tilespmem:s11], [sflag:$0x2], $0x80, s28, s13, $0xb8;
	[tilespmem:$0x1A400] =	vst v63  }
0xc8: {  	s28 =	simm.s32 $0x1F00  }
0xc9: {  	[spmem:s1] =	stream.indirect.scatter.add.f32 [tilespmem:s11], [sflag:$0x3], $0x80, s28, s13, $0xb8;
	[tilespmem:$0x1A400] =	vst v63  }
0xca: {  	s28 =	simm.s32 $0x1F80  }
0xcb: {  	[spmem:s1] =	stream.indirect.scatter.add.f32 [tilespmem:s11], [sflag:$0x4], $0x80, s28, s13, $0xb8;
	[tilespmem:$0x1A400] =	vst v63  }
0xcc: {  	s28 =	simm.s32 $0x2000  }
0xcd: {  	[spmem:s1] =	stream.indirect.scatter.add.f32 [tilespmem:s11], [sflag:$0x1], $0x80, s28, s13, $0xb8;
	[tilespmem:$0x1A400] =	vst v63  }
0xce: {  	s28 =	simm.s32 $0x2080  }
0xcf: {  	[spmem:s1] =	stream.indirect.scatter.add.f32 [tilespmem:s11], [sflag:$0x2], $0x80, s28, s13, $0xb8;
	[tilespmem:$0x1A400] =	vst v63  }
0xd0: {  	s28 =	simm.s32 $0x2100  }
0xd1: {  	[spmem:s1] =	stream.indirect.scatter.add.f32 [tilespmem:s11], [sflag:$0x3], $0x80, s28, s13, $0xb8;
	[tilespmem:$0x1A400] =	vst v63  }
0xd2: {  	s28 =	simm.s32 $0x2180  }
0xd3: {  	[spmem:s1] =	stream.indirect.scatter.add.f32 [tilespmem:s11], [sflag:$0x4], $0x80, s28, s13, $0xb8;
	[tilespmem:$0x1A400] =	vst v63  }
0xd4: {  	s28 =	simm.s32 $0x2200  }
0xd5: {  	[spmem:s1] =	stream.indirect.scatter.add.f32 [tilespmem:s11], [sflag:$0x1], $0x80, s28, s13, $0xb8;
	[tilespmem:$0x1A400] =	vst v63  }
0xd6: {  	_ = 	snop  }
0xd7: {  	[spmem:s1] =	stream.indirect.scatter.add.f32 [tilespmem:s11], [sflag:$0x2], $0x80, s29, s13, $0xb8;
	[tilespmem:$0x1A400] =	vst v63  }
0xd8: {  	_ = 	snop  }
0xd9: {  	[spmem:s1] =	stream.indirect.scatter.add.f32 [tilespmem:s11], [sflag:$0x3], $0x80, s30, s13, $0xb8;
	[tilespmem:$0x1A400] =	vst v63  }
0xda: {  	_ = 	snop  }
0xdb: {  	[spmem:s1] =	stream.indirect.scatter.add.f32 [tilespmem:s11], [sflag:$0x4], $0x80, s31, s13, $0xb8;
	[tilespmem:$0x1A400] =	vst v63  }
0xdc: {  	_ = 	snop  }
0xdd: {  	[spmem:s1] =	stream.indirect.scatter.add.f32 [tilespmem:s11], [sflag:$0x1], $0x80, s0, s13, $0xb8;
	[tilespmem:$0x1A400] =	vst v63  }
0xde: {  	_ = 	snop  }
0xdf: {  	[spmem:s1] =	stream.indirect.scatter.add.f32 [tilespmem:s11], [sflag:$0x2], $0x80, s14, s13, $0xb8;
	[tilespmem:$0x1A400] =	vst v63  }
0xe0: {  	_ = 	snop  }
0xe1: {  	[spmem:s1] =	stream.indirect.scatter.add.f32 [tilespmem:s11], [sflag:$0x3], $0x80, s15, s13, $0xb8;
	[tilespmem:$0x1A400] =	vst v63  }
0xe2: {  	_ = 	snop  }
0xe3: {  	[spmem:s1] =	stream.indirect.scatter.add.f32 [tilespmem:s11], [sflag:$0x4], $0x80, s16, s13, $0xb8;
	[tilespmem:$0x1A400] =	vst v63  }
0xe4: {  	_ = 	snop  }
0xe5: {  	[spmem:s1] =	stream.indirect.scatter.add.f32 [tilespmem:s11], [sflag:$0x1], $0x80, s17, s13, $0xb8;
	[tilespmem:$0x1A400] =	vst v63  }
0xe6: {  	_ = 	snop  }
0xe7: {  	[spmem:s1] =	stream.indirect.scatter.add.f32 [tilespmem:s11], [sflag:$0x2], $0x80, s18, s13, $0xb8;
	[tilespmem:$0x1A400] =	vst v63  }
0xe8: {  	_ = 	snop  }
0xe9: {  	[spmem:s1] =	stream.indirect.scatter.add.f32 [tilespmem:s11], [sflag:$0x3], $0x80, s19, s13, $0xb8;
	[tilespmem:$0x1A400] =	vst v63  }
0xea: {  	_ = 	snop  }
0xeb: {  	[spmem:s1] =	stream.indirect.scatter.add.f32 [tilespmem:s11], [sflag:$0x4], $0x80, s20, s13, $0xb8;
	[tilespmem:$0x1A400] =	vst v63  }
0xec: {  	_ =	swait.ge [sflag:s21], $0x4000  }
0xed: {  	[sflag:s21] =	ssyncset.done $0x0  }
0xee: {  	[sflag:s21] =	ssyncadd.s32 $0xFFFFC000  }
0xef: {  	_ =	swait.ge [sflag:s22], $0x4000  }
0xf0: {  	[sflag:s22] =	ssyncset.done $0x0  }
0xf1: {  	[sflag:s22] =	ssyncadd.s32 $0xFFFFC000  }
0xf2: {  	_ =	swait.ge [sflag:s23], $0x4000  }
0xf3: {  	[sflag:s23] =	ssyncset.done $0x0  }
0xf4: {  	[sflag:s23] =	ssyncadd.s32 $0xFFFFC000  }
0xf5: {  	_ =	swait.ge [sflag:s25], $0x4000  }
0xf6: {  	s26 =	simm.s32 $0x13;
	[sflag:s25] =	ssyncset.done $0x0  }
.LBB2_6:
0xf7: {  	p0 =	sne.s32 s26, $0x1;
	s26 =	sadd.s32 $0xFFFFFFFF, s26;
	[sflag:s25] =	ssyncadd.s32 $0xFFFFC000  }
0xf8: {  	_ =	swait.ge [sflag:s21], $0x4000  }
0xf9: {  	[sflag:s21] =	ssyncset.done $0x0  }
0xfa: {  	[sflag:s21] =	ssyncadd.s32 $0xFFFFC000  }
0xfb: {  	_ =	swait.ge [sflag:s22], $0x4000  }
0xfc: {  	[sflag:s22] =	ssyncset.done $0x0  }
0xfd: {  	[sflag:s22] =	ssyncadd.s32 $0xFFFFC000  }
.Ltmp2:
0xfe: {  	_ =	swait.ge [sflag:s23], $0x4000;
	(pc) =	sbr.rel @p0 .LBB2_6-.Ltmp2, $4  }
0xff: {  	[sflag:s23] =	ssyncset.done $0x0  }
0x100: {  	[sflag:s23] =	ssyncadd.s32 $0xFFFFC000  }
0x101: {  	_ =	swait.ge [sflag:s25], $0x4000  }
0x102: {  	[sflag:s25] =	ssyncset.done $0x0  }
0x103: {  	[sflag:s25] =	ssyncadd.s32 $0xFFFFC000;
	s26 =	stileid.u32;
	s2 =	sadd.s32 $0x1, s2  }
0x104: {  	s28 =	sshrl.u32 s4, $0x3;
	s26 =	sshll.u32 s26, $0x6;
	p0 =	sne.s32 s2, s10  }
.Ltmp3:
0x105: {  	[bflag:$0x0] =	sbarrier.arrive $0xFFFF;
	s26 =	sor.u32 $0x1C05, s26;
	(pc) =	sbr.rel @p0 .LBB2_1-.Ltmp3, $4  }
0x106: {  	[hbm:s24], [sflag:s26] =	dma.local [spmem:s28], $0x2780  }
0x107: {  	_ =	swait.ge [sflag:s12], $0x2780  }
0x108: {  	[sflag:s12] =	ssyncset.done $0x0  }
0x109: {  	[sflag:s12] =	ssyncadd.s32 $0xFFFFD880  }
0x10a: {  	_ =	sfence.sel $0x180000  }
0x10b: {  	[bflag:$0x0] =	sbarrier.arrive $0xFFFF  }
0x10c: {  	_ =	strace $0x90000047  }
0x10d: {  	s0 =	stileid.u32;
	[bflag:$0x2] =	sbarrier.arrive $0xFFFF  }
0x10e: {  	p0 =	sne.s32 s0, $0x0;
	s0 =	rddreg [dreg:$0x3]  }
0x10f: {  	s0 =	sadd.s32 @!p0 $0x100000, s0  }
0x110: {  	[sflag:s0] =	ssyncadd.tile.s32 @!p0 $0x1;
	_ =	shalt  }
.Lfunc_end2:
_tile_overlayer_lowered:
.L_overlay_start_2:
0x111: {  	(tag) =	ssettag $0x2  }
0x112: {  	s0 =	rddreg [dreg:$0x0];
	s2 =	stileid.u32  }
0x113: {  	s1 =	rddreg [dreg:$0x1];
	p0 =	sne.s32 s2, $0x0  }
0x114: {  	s3 =	rddreg [dreg:$0x2];
	[bflag:$0x3] =	sbarrier.arrive $0xFFFF;
	s2 =	simm.s32 @!p0 $0x1C05  }
0x115: {  	[timem:s3], [sflag:s2] =	dma.local @!p0 [hbm:s0], s1  }
0x116: {  	s0 =	simm.s32 @!p0 $0x5  }
0x117: {  	_ =	swait.ge @!p0 [sflag:s0], s1  }
0x118: {  	s1 =	ssub.s32 @!p0 $0x0, s1;
	[sflag:s0] =	ssyncset.done @!p0 $0x0  }
0x119: {  	[sflag:s0] =	ssyncadd.s32 @!p0 s1  }
0x11a: {  	[bflag:$0x3] =	sbarrier.arrive $0xFFFF  }
0x11b: {  	_ =	shalt  }

</sc_bundles>
